<compile_context>
chip_gen: v7x
topology: tpu7x:2x2x1
jax: 0.10.2.dev20260603
libtpu: 0.0.44.dev20260713+nightly
codegen_flags: <defaults>
</compile_context>

<pallas_src>
import functools

import jax
import jax.numpy as jnp
from jax import lax
from jax.experimental import pallas as pl
from jax.experimental.pallas import tpu as pltpu
from jax.experimental.pallas import tpu_sc as plsc

_NEG = -3.4e38
_IMAX = 2**31 - 1

_Q = 1024
_D = 64
_N = 100000
_NPAD = 102400
_T = 3200
_NB = _NPAD // 32
_BT = _T // 32
_K = 100
_QB = 128
_NW = 32
_BPW = (_Q * _K) // _NW


def _scores_body(q_ref, b_ref, w_ref, s_ref, m_ref):
    i = pl.program_id(0)
    q = q_ref[...]
    w = w_ref[...]
    b = b_ref[...]
    qw = lax.dot_general(q, w, (((1,), (1,)), ((), ())),
                         preferred_element_type=jnp.float32)
    s = lax.dot_general(qw, b, (((1,), (1,)), ((), ())),
                        preferred_element_type=jnp.float32)
    col = i * _T + lax.broadcasted_iota(jnp.int32, (_Q, _T), 1)
    s_ref[...] = jnp.where(col < _N, s, _NEG)
    st = lax.dot_general(b, qw, (((1,), (1,)), ((), ())),
                         preferred_element_type=jnp.float32)
    row = i * _T + lax.broadcasted_iota(jnp.int32, (_T, _Q), 0)
    st = jnp.where(row < _N, st, _NEG)
    m_ref[...] = jnp.max(st.reshape(_BT, 32, _Q), axis=1).reshape(1, _BT, _Q)


def _topk_lane_body(v_ref, id_ref, o_ref):
    v0 = v_ref[...]
    ids = id_ref[...]
    tid = lax.broadcasted_iota(jnp.int32, (_QB, _QB), 1)

    def step(t, carry):
        v, acc = carry
        m = jnp.max(v, axis=1, keepdims=True)
        gid = jnp.min(jnp.where(v == m, ids, _IMAX), axis=1, keepdims=True)
        acc = jnp.where(tid == t, gid, acc)
        v = jnp.where(ids == gid, _NEG, v)
        return v, acc

    _, acc = lax.fori_loop(0, _K, step, (v0, jnp.zeros((_QB, _QB), jnp.int32)))
    o_ref[...] = acc


def _run_topk_lane(vals, ids, width):
    return pl.pallas_call(
        _topk_lane_body,
        grid=(_Q // _QB,),
        in_specs=[
            pl.BlockSpec((_QB, width), lambda i: (i, 0)),
            pl.BlockSpec((_QB, width), lambda i: (i, 0)),
        ],
        out_specs=pl.BlockSpec((_QB, _QB), lambda i: (i, 0)),
        out_shape=jax.ShapeDtypeStruct((_Q, _QB), jnp.int32),
    )(vals, ids)


def _radix_tau_body(v_ref, o_ref):
    v = v_ref[...] + 0.0
    s = lax.bitcast_convert_type(v, jnp.int32)
    key = jnp.where(s < 0, s ^ jnp.int32(0x7FFFFFFF), s)

    def pass_fn(t, p):
        b = 31 - t
        bit = jnp.left_shift(jnp.int32(1), b)
        qu = p | bit
        qs = qu ^ jnp.int32(-2147483648)
        cnt = jnp.sum((key >= qs).astype(jnp.int32), axis=1, keepdims=True)
        return jnp.where(cnt >= _K, qu, p)

    p = lax.fori_loop(0, 32, pass_fn, jnp.zeros((_QB, 1), jnp.int32))
    ks = p ^ jnp.int32(-2147483648)
    sf = jnp.where(ks < 0, ks ^ jnp.int32(0x7FFFFFFF), ks)
    o_ref[...] = jnp.broadcast_to(
        lax.bitcast_convert_type(sf, jnp.float32), (_QB, _QB))


_sc_mesh = plsc.VectorSubcoreMesh(core_axis_name="c", subcore_axis_name="s")


@functools.partial(
    pl.kernel,
    mesh=_sc_mesh,
    compiler_params=pltpu.CompilerParams(use_tc_tiling_on_sc=False),
    out_type=jax.ShapeDtypeStruct((_Q * _K, 32), jnp.float32),
    scratch_types=[
        pltpu.VMEM((_BPW,), jnp.int32),
        pltpu.VMEM((_BPW, 32), jnp.float32),
        pltpu.SemaphoreType.DMA,
    ],
)
def _gather_sc(table_hbm, idx_hbm, out_hbm, idx_v, rows_v, sem):
    wid = lax.axis_index("s") * 2 + lax.axis_index("c")
    base = wid * _BPW
    pltpu.sync_copy(idx_hbm.at[pl.ds(base, _BPW)], idx_v)
    pltpu.async_copy(table_hbm.at[idx_v], rows_v, sem).wait()
    pltpu.sync_copy(rows_v, out_hbm.at[pl.ds(base, _BPW)])


_QPW = _Q // _NW
_CPW = _QPW * _K * 32


@functools.partial(
    pl.kernel,
    mesh=_sc_mesh,
    compiler_params=pltpu.CompilerParams(use_tc_tiling_on_sc=False,
                                         needs_layout_passes=False),
    out_type=[
        jax.ShapeDtypeStruct((_Q * 256,), jnp.float32),
        jax.ShapeDtypeStruct((_Q * 256,), jnp.int32),
    ],
    scratch_types=[
        pltpu.VMEM((_CPW // 2,), jnp.float32),
        pltpu.VMEM((_CPW // 2,), jnp.int32),
        pltpu.VMEM((_QPW * 128,), jnp.float32),
        pltpu.VMEM((_QPW * 256,), jnp.float32),
        pltpu.VMEM((_QPW * 256,), jnp.int32),
    ],
)
def _compact_sc(cand_hbm, gid_hbm, tau_hbm, outv_hbm, outg_hbm,
                candf, gidsf, taurepv, ov, og):
    wid = lax.axis_index("s") * 2 + lax.axis_index("c")
    qbase = wid * _QPW
    pltpu.sync_copy(tau_hbm.at[pl.ds(qbase * 128, _QPW * 128)], taurepv)

    negv = jnp.full((16,), _NEG, jnp.float32)
    imaxv = jnp.full((16,), _IMAX, jnp.int32)

    def init_step(i, _):
        ov[pl.ds(i * 16, 16)] = negv
        og[pl.ds(i * 16, 16)] = imaxv
        return 0

    lax.fori_loop(0, _QPW * 16, init_step, 0)

    for hb in (0, 1):
        src = (qbase + hb * (_QPW // 2)) * _K * 32
        pltpu.sync_copy(cand_hbm.at[pl.ds(src, _CPW // 2)], candf)
        pltpu.sync_copy(gid_hbm.at[pl.ds(src, _CPW // 2)], gidsf)

        def per_q(qq2, _):
            qq = hb * (_QPW // 2) + qq2
            tq = taurepv[pl.ds(qq * 128, 16)]
            obase = qq * 256

            def per_r(r, carry):
                cs, ct = carry
                for h in (0, 1):
                    off = (qq2 * _K + r) * 32 + h * 16
                    v = candf[pl.ds(off, 16)]
                    gid = gidsf[pl.ds(off, 16)]
                    ms = v > tq
                    mt = v == tq
                    ns = jnp.sum(ms.astype(jnp.int32), axis=0)
                    nt = jnp.sum(mt.astype(jnp.int32), axis=0)
                    i16 = lax.iota(jnp.int32, 16)
                    ks = jnp.where(ms, i16, i16 + 16)
                    kt = jnp.where(mt, i16, i16 + 16)
                    ov[pl.ds(obase + cs, 16)] = plsc.sort_key_val(ks, v)[1]
                    og[pl.ds(obase + cs, 16)] = plsc.sort_key_val(ks, gid)[1]
                    ov[pl.ds(obase + 128 + ct, 16)] = plsc.sort_key_val(kt, v)[1]
                    og[pl.ds(obase + 128 + ct, 16)] = plsc.sort_key_val(kt, gid)[1]
                    cs = jnp.minimum(cs + ns, 112)
                    ct = jnp.minimum(ct + nt, 112)
                return cs, ct

            cs_f, ct_f = lax.fori_loop(0, _K, per_r,
                                       (jnp.int32(0), jnp.int32(0)))
            ov[pl.ds(obase + cs_f, 16)] = negv
            og[pl.ds(obase + cs_f, 16)] = imaxv
            ov[pl.ds(obase + 128 + ct_f, 16)] = negv
            og[pl.ds(obase + 128 + ct_f, 16)] = imaxv
            return 0

        lax.fori_loop(0, _QPW // 2, per_q, 0)

    pltpu.sync_copy(ov, outv_hbm.at[pl.ds(qbase * 256, _QPW * 256)])
    pltpu.sync_copy(og, outg_hbm.at[pl.ds(qbase * 256, _QPW * 256)])


def kernel(query, bank, k, W):
    del k
    bank_pad = jnp.pad(bank, ((0, _NPAD - _N), (0, 0)))
    scores, m_t = pl.pallas_call(
        _scores_body,
        grid=(_NPAD // _T,),
        in_specs=[
            pl.BlockSpec((_Q, _D), lambda i: (0, 0)),
            pl.BlockSpec((_T, _D), lambda i: (i, 0)),
            pl.BlockSpec((_D, _D), lambda i: (0, 0)),
        ],
        out_specs=[
            pl.BlockSpec((_Q, _T), lambda i: (0, i)),
            pl.BlockSpec((1, _BT, _Q), lambda i: (i, 0, 0)),
        ],
        out_shape=[
            jax.ShapeDtypeStruct((_Q, _NPAD), jnp.float32),
            jax.ShapeDtypeStruct((_NPAD // _T, _BT, _Q), jnp.float32),
        ],
    )(query, bank_pad, W)

    m = m_t.reshape(_NB, _Q).T
    tau_b = pl.pallas_call(
        _radix_tau_body,
        grid=(_Q // _QB,),
        in_specs=[pl.BlockSpec((_QB, _NB), lambda i: (i, 0))],
        out_specs=pl.BlockSpec((_QB, _QB), lambda i: (i, 0)),
        out_shape=jax.ShapeDtypeStruct((_Q, _QB), jnp.float32),
    )(m)
    bid_iota = jnp.broadcast_to(jnp.arange(_NB, dtype=jnp.int32)[None, :],
                                (_Q, _NB)).reshape(-1)
    mv_flat, mg_flat = _compact_sc(m.reshape(-1), bid_iota,
                                   tau_b.reshape(-1))
    bidx = _run_topk_lane(mv_flat.reshape(_Q, 256),
                          mg_flat.reshape(_Q, 256), 256)[:, :_K]

    table = scores.reshape(_Q * _NB, 32)
    flat_idx = (jnp.arange(_Q, dtype=jnp.int32)[:, None] * _NB
                + bidx).reshape(_Q * _K)
    cand = _gather_sc(table, flat_idx)

    vals = cand.reshape(_Q, _K * 32)
    tau = pl.pallas_call(
        _radix_tau_body,
        grid=(_Q // _QB,),
        in_specs=[pl.BlockSpec((_QB, _K * 32), lambda i: (i, 0))],
        out_specs=pl.BlockSpec((_QB, _QB), lambda i: (i, 0)),
        out_shape=jax.ShapeDtypeStruct((_Q, _QB), jnp.float32),
    )(vals)

    gids = (bidx[:, :, None] * 32
            + jnp.arange(32, dtype=jnp.int32)[None, None, :]).reshape(-1)
    sv_flat, sg_flat = _compact_sc(
        cand.reshape(_Q * _K * 32), gids, tau.reshape(_Q * 128))
    out = _run_topk_lane(sv_flat.reshape(_Q, 256), sg_flat.reshape(_Q, 256), 256)
    return out[:, :_K]

# --- scband reference (transcript-rebuilt; emitter-appended) ---
"""Pipeline reference for scband-learned-address-56367150793377 (READ-ONLY COPY).

The authoritative reference and input builder live on the scoring server;
editing this copy changes nothing except your own understanding.
"""

import jax, jax.numpy as jnp
import numpy as np


def setup_inputs(seed: int = 0) -> dict:
    key = jax.random.key(seed)
    kq, kb = jax.random.split(key)
    query = jax.random.normal(kq, (1024, 64), dtype=jnp.float32)
    bank = jax.random.normal(kb, (100000, 64), dtype=jnp.float32)
    # nn.Linear(d, d, bias=False) with eye init: weight W is [d, d] identity
    W = jnp.eye(64, dtype=jnp.float32)
    return {"query": query, "bank": bank, "k": 100, "W": W}


def reference(query, bank, k, W):
    # scores = Linear(query) @ bank.T ; Linear(x) = x @ W.T
    q = query.astype(jnp.float32)
    b = bank.astype(jnp.float32)
    scores = (q @ W.T) @ b.T
    kk = min(100, bank.shape[0])
    _, idx = jax.lax.top_k(scores, kk)
    k_arr = jnp.asarray(k)
    idx = idx + (k_arr - k_arr).astype(idx.dtype)
    return idx

if __name__ == "__main__":
    import jax
    _d = setup_inputs()
    print(jax.jit(kernel)(*tuple(_d.values())))

</pallas_src>

<mosaic_0001>
#map = affine_map<(d0, d1) -> (0)>
module attributes {stable_mosaic.version = 14 : i64} {
  func.func @_compact_sc(%arg0: i32, %arg1: i32, %arg2: memref<3276800xf32, #tpu.memory_space<hbm>>, %arg3: memref<3276800xi32, #tpu.memory_space<hbm>>, %arg4: memref<131072xf32, #tpu.memory_space<hbm>>, %arg5: memref<262144xf32, #tpu.memory_space<hbm>>, %arg6: memref<262144xi32, #tpu.memory_space<hbm>>, %arg7: memref<51200xf32, #tpu.memory_space<vmem>>, %arg8: memref<51200xi32, #tpu.memory_space<vmem>>, %arg9: memref<4096xf32, #tpu.memory_space<vmem>>, %arg10: memref<8192xf32, #tpu.memory_space<vmem>>, %arg11: memref<8192xi32, #tpu.memory_space<vmem>>) attributes {dimension_semantics = [#tpu.dimension_semantics<core_parallel>, #tpu.dimension_semantics<subcore_parallel>], iteration_bounds = array<i64: 2, 16>, scalar_prefetch = 0 : i64, scratch_operands = 5 : i64, tpu.core_type = #tpu.core_type<sc_vector_subcore>, window_params = [{transform_indices = #map}, {transform_indices = #map}, {transform_indices = #map}, {transform_indices = #map}, {transform_indices = #map}]} {
    %mul3A = arith.constant 2 : i32
    %mul3A_0 = arith.muli %arg1, %mul3A : i32
    %add3A = arith.addi %mul3A_0, %arg0 : i32
    %mul3A_1 = arith.constant 32 : i32
    %mul3A_2 = arith.muli %add3A, %mul3A_1 : i32
    %mul3A_3 = arith.constant 128 : i32
    %mul3A_4 = arith.muli %mul3A_2, %mul3A_3 : i32
    "tpu.region"() ({
      %run_scoped3A = tpu.sem_alloc : memref<!tpu.dma_semaphore, #tpu.memory_space<semaphore_mem>>
      %dma_start3A = tpu.memref_slice %arg4[%mul3A_4] : memref<131072xf32, #tpu.memory_space<hbm>> -> memref<4096xf32, #tpu.memory_space<hbm>>
      %dma_start3A_44 = tpu.memref_slice %arg4[%mul3A_4] : memref<131072xf32, #tpu.memory_space<hbm>> -> memref<4096xf32, #tpu.memory_space<hbm>>
      tpu.enqueue_dma source(%dma_start3A_44 : memref<4096xf32, #tpu.memory_space<hbm>>) target(%arg9 : memref<4096xf32, #tpu.memory_space<vmem>>) target_semaphore(%run_scoped3A : memref<!tpu.dma_semaphore, #tpu.memory_space<semaphore_mem>>)
      %dma_wait3A = tpu.memref_slice %arg4[%mul3A_4] : memref<131072xf32, #tpu.memory_space<hbm>> -> memref<4096xf32, #tpu.memory_space<hbm>>
      %dma_wait3A_45 = tpu.memref_slice %arg4[%mul3A_4] : memref<131072xf32, #tpu.memory_space<hbm>> -> memref<4096xf32, #tpu.memory_space<hbm>>
      tpu.wait_dma2 semaphore(%run_scoped3A : memref<!tpu.dma_semaphore, #tpu.memory_space<semaphore_mem>>) src(%dma_wait3A_45 : memref<4096xf32, #tpu.memory_space<hbm>>) dst(%arg9 : memref<4096xf32, #tpu.memory_space<vmem>>)
      tpu.yield
    }) : () -> ()
    %broadcast_in_dim3A = arith.constant -3.400000e+38 : f32
    %broadcast_in_dim3A_5 = vector.broadcast %broadcast_in_dim3A : f32 to vector<16xf32>
    %broadcast_in_dim3A_6 = arith.constant 2147483647 : i32
    %broadcast_in_dim3A_7 = vector.broadcast %broadcast_in_dim3A_6 : i32 to vector<16xi32>
    %scan3A = arith.constant 0 : i32
    %scan3A_8 = arith.constant 0 : i32
    %scan3A_9 = arith.constant 512 : i32
    %scan3A_10 = arith.addi %scan3A_8, %scan3A_9 : i32
    %scan3A_11 = arith.constant 1 : i32
    %scan3A_12 = scf.for %scan3A_44 = %scan3A_8 to %scan3A_10 step %scan3A_11 iter_args(%scan3A_45 = %scan3A) -> (i32)  : i32 {
      %mul3A_46 = arith.constant 16 : i32
      %mul3A_47 = arith.muli %scan3A_44, %mul3A_46 : i32
      %swap3A = arith.index_cast %mul3A_47 : i32 to index
      %swap3A_48 = tpu.vector_load %arg10[%swap3A] {strides = array<i32>} : memref<8192xf32, #tpu.memory_space<vmem>>, vector<16xf32>,
      tpu.vector_store %arg10[%swap3A], %broadcast_in_dim3A_5 {strides = array<i32>} : memref<8192xf32, #tpu.memory_space<vmem>>, vector<16xf32>,
      %mul3A_49 = arith.constant 16 : i32
      %mul3A_50 = arith.muli %scan3A_44, %mul3A_49 : i32
      %swap3A_51 = arith.index_cast %mul3A_50 : i32 to index
      %swap3A_52 = tpu.vector_load %arg11[%swap3A_51] {strides = array<i32>} : memref<8192xi32, #tpu.memory_space<vmem>>, vector<16xi32>,
      tpu.vector_store %arg11[%swap3A_51], %broadcast_in_dim3A_7 {strides = array<i32>} : memref<8192xi32, #tpu.memory_space<vmem>>, vector<16xi32>,
      %scan3A_53 = arith.constant 0 : i32
      scf.yield %scan3A_53 : i32
    }
    %scan3A_13 = arith.constant 512 : i32
    %add3A_14 = arith.constant 0 : i32
    %add3A_15 = arith.addi %mul3A_2, %add3A_14 : i32
    %mul3A_16 = arith.constant 100 : i32
    %mul3A_17 = arith.muli %add3A_15, %mul3A_16 : i32
    %mul3A_18 = arith.constant 32 : i32
    %mul3A_19 = arith.muli %mul3A_17, %mul3A_18 : i32
    "tpu.region"() ({
      %run_scoped3A = tpu.sem_alloc : memref<!tpu.dma_semaphore, #tpu.memory_space<semaphore_mem>>
      %dma_start3A = tpu.memref_slice %arg2[%mul3A_19] : memref<3276800xf32, #tpu.memory_space<hbm>> -> memref<51200xf32, #tpu.memory_space<hbm>>
      %dma_start3A_44 = tpu.memref_slice %arg2[%mul3A_19] : memref<3276800xf32, #tpu.memory_space<hbm>> -> memref<51200xf32, #tpu.memory_space<hbm>>
      tpu.enqueue_dma source(%dma_start3A_44 : memref<51200xf32, #tpu.memory_space<hbm>>) target(%arg7 : memref<51200xf32, #tpu.memory_space<vmem>>) target_semaphore(%run_scoped3A : memref<!tpu.dma_semaphore, #tpu.memory_space<semaphore_mem>>)
      %dma_wait3A = tpu.memref_slice %arg2[%mul3A_19] : memref<3276800xf32, #tpu.memory_space<hbm>> -> memref<51200xf32, #tpu.memory_space<hbm>>
      %dma_wait3A_45 = tpu.memref_slice %arg2[%mul3A_19] : memref<3276800xf32, #tpu.memory_space<hbm>> -> memref<51200xf32, #tpu.memory_space<hbm>>
      tpu.wait_dma2 semaphore(%run_scoped3A : memref<!tpu.dma_semaphore, #tpu.memory_space<semaphore_mem>>) src(%dma_wait3A_45 : memref<51200xf32, #tpu.memory_space<hbm>>) dst(%arg7 : memref<51200xf32, #tpu.memory_space<vmem>>)
      tpu.yield
    }) : () -> ()
    "tpu.region"() ({
      %run_scoped3A = tpu.sem_alloc : memref<!tpu.dma_semaphore, #tpu.memory_space<semaphore_mem>>
      %dma_start3A = tpu.memref_slice %arg3[%mul3A_19] : memref<3276800xi32, #tpu.memory_space<hbm>> -> memref<51200xi32, #tpu.memory_space<hbm>>
      %dma_start3A_44 = tpu.memref_slice %arg3[%mul3A_19] : memref<3276800xi32, #tpu.memory_space<hbm>> -> memref<51200xi32, #tpu.memory_space<hbm>>
      tpu.enqueue_dma source(%dma_start3A_44 : memref<51200xi32, #tpu.memory_space<hbm>>) target(%arg8 : memref<51200xi32, #tpu.memory_space<vmem>>) target_semaphore(%run_scoped3A : memref<!tpu.dma_semaphore, #tpu.memory_space<semaphore_mem>>)
      %dma_wait3A = tpu.memref_slice %arg3[%mul3A_19] : memref<3276800xi32, #tpu.memory_space<hbm>> -> memref<51200xi32, #tpu.memory_space<hbm>>
      %dma_wait3A_45 = tpu.memref_slice %arg3[%mul3A_19] : memref<3276800xi32, #tpu.memory_space<hbm>> -> memref<51200xi32, #tpu.memory_space<hbm>>
      tpu.wait_dma2 semaphore(%run_scoped3A : memref<!tpu.dma_semaphore, #tpu.memory_space<semaphore_mem>>) src(%dma_wait3A_45 : memref<51200xi32, #tpu.memory_space<hbm>>) dst(%arg8 : memref<51200xi32, #tpu.memory_space<vmem>>)
      tpu.yield
    }) : () -> ()
    %scan3A_20 = arith.constant 0 : i32
    %scan3A_21 = arith.constant 0 : i32
    %scan3A_22 = arith.constant 16 : i32
    %scan3A_23 = arith.addi %scan3A_21, %scan3A_22 : i32
    %scan3A_24 = arith.constant 1 : i32
    %scan3A_25 = scf.for %scan3A_44 = %scan3A_21 to %scan3A_23 step %scan3A_24 iter_args(%scan3A_45 = %scan3A_20) -> (i32)  : i32 {
      %add3A_46 = arith.constant 0 : i32
      %add3A_47 = arith.addi %add3A_46, %scan3A_44 : i32
      %mul3A_48 = arith.constant 128 : i32
      %mul3A_49 = arith.muli %add3A_47, %mul3A_48 : i32
      %get3A = arith.index_cast %mul3A_49 : i32 to index
      %get3A_50 = tpu.vector_load %arg9[%get3A] {strides = array<i32>} : memref<4096xf32, #tpu.memory_space<vmem>>, vector<16xf32>,
      %mul3A_51 = arith.constant 256 : i32
      %mul3A_52 = arith.muli %add3A_47, %mul3A_51 : i32
      %scan3A_53 = arith.constant 0 : i32
      %scan3A_54 = arith.constant 0 : i32
      %scan3A_55 = arith.constant 0 : i32
      %scan3A_56 = arith.constant 100 : i32
      %scan3A_57 = arith.addi %scan3A_55, %scan3A_56 : i32
      %scan3A_58 = arith.constant 1 : i32
      %scan3A_59:2 = scf.for %scan3A_77 = %scan3A_55 to %scan3A_57 step %scan3A_58 iter_args(%scan3A_78 = %scan3A_53, %scan3A_79 = %scan3A_54) -> (i32, i32)  : i32 {
        %mul3A_80 = arith.constant 100 : i32
        %mul3A_81 = arith.muli %scan3A_44, %mul3A_80 : i32
        %add3A_82 = arith.addi %mul3A_81, %scan3A_77 : i32
        %mul3A_83 = arith.constant 32 : i32
        %mul3A_84 = arith.muli %add3A_82, %mul3A_83 : i32
        %add3A_85 = arith.constant 0 : i32
        %add3A_86 = arith.addi %mul3A_84, %add3A_85 : i32
        %get3A_87 = arith.index_cast %add3A_86 : i32 to index
        %get3A_88 = tpu.vector_load %arg7[%get3A_87] {strides = array<i32>} : memref<51200xf32, #tpu.memory_space<vmem>>, vector<16xf32>,
        %get3A_89 = arith.index_cast %add3A_86 : i32 to index
        %get3A_90 = tpu.vector_load %arg8[%get3A_89] {strides = array<i32>} : memref<51200xi32, #tpu.memory_space<vmem>>, vector<16xi32>,
        %gt3A = arith.cmpf ogt, %get3A_88, %get3A_50 : vector<16xf32>
        %eq3A = arith.cmpf oeq, %get3A_88, %get3A_50 : vector<16xf32>
        %convert_element_type3A = arith.extui %gt3A : vector<16xi1> to vector<16xi32>
        %reduce_sum3A = arith.constant true
        %reduce_sum3A_91 = vector.broadcast %reduce_sum3A : i1 to vector<16xi1>
        %reduce_sum3A_92 = tpu.scan <sum>, %convert_element_type3A masked %reduce_sum3A_91 : vector<16xi32>, vector<16xi1> -> vector<16xi32>
        %reduce_sum3A_93 = vector.extract %reduce_sum3A_92[15] : i32 from vector<16xi32>
        %convert_element_type3A_94 = arith.extui %eq3A : vector<16xi1> to vector<16xi32>
        %reduce_sum3A_95 = arith.constant true
        %reduce_sum3A_96 = vector.broadcast %reduce_sum3A_95 : i1 to vector<16xi1>
        %reduce_sum3A_97 = tpu.scan <sum>, %convert_element_type3A_94 masked %reduce_sum3A_96 : vector<16xi32>, vector<16xi1> -> vector<16xi32>
        %reduce_sum3A_98 = vector.extract %reduce_sum3A_97[15] : i32 from vector<16xi32>
        %iota3A = tpu.iota {dimensions = array<i32: 0>} : vector<16xi32>
        %add3A_99 = arith.constant 16 : i32
        %add3A_100 = vector.broadcast %add3A_99 : i32 to vector<16xi32>
        %add3A_101 = arith.addi %iota3A, %add3A_100 : vector<16xi32>
        %select_n3A = arith.select %gt3A, %iota3A, %add3A_101 : vector<16xi1>, vector<16xi32>
        %add3A_102 = arith.constant 16 : i32
        %add3A_103 = vector.broadcast %add3A_102 : i32 to vector<16xi32>
        %add3A_104 = arith.addi %iota3A, %add3A_103 : vector<16xi32>
        %select_n3A_105 = arith.select %eq3A, %iota3A, %add3A_104 : vector<16xi1>, vector<16xi32>
        %masked_sort3A = arith.constant dense<true> : vector<16xi1>
        %masked_sort3A_106 = arith.constant -2147483648 : i32
        %masked_sort3A_107 = vector.broadcast %masked_sort3A_106 : i32 to vector<16xi32>
        %masked_sort3A_108 = arith.xori %select_n3A, %masked_sort3A_107 : vector<16xi32>
        %masked_sort3A_109, %masked_sort3A_110, %masked_sort3A_111 = tpu.sort %masked_sort3A_108, %get3A_88 masked %masked_sort3A : (vector<16xi32>, vector<16xf32>, vector<16xi1>) -> (vector<16xi1>, vector<16xi32>, vector<16xf32>)
        %masked_sort3A_112 = arith.xori %masked_sort3A_110, %masked_sort3A_107 : vector<16xi32>
        %add3A_113 = arith.addi %mul3A_52, %scan3A_78 : i32
        %swap3A_114 = arith.index_cast %add3A_113 : i32 to index
        %swap3A_115 = tpu.vector_load %arg10[%swap3A_114] {strides = array<i32>} : memref<8192xf32, #tpu.memory_space<vmem>>, vector<16xf32>,
        tpu.vector_store %arg10[%swap3A_114], %masked_sort3A_111 {strides = array<i32>} : memref<8192xf32, #tpu.memory_space<vmem>>, vector<16xf32>,
        %masked_sort3A_116 = arith.constant dense<true> : vector<16xi1>
        %masked_sort3A_117 = arith.constant -2147483648 : i32
        %masked_sort3A_118 = vector.broadcast %masked_sort3A_117 : i32 to vector<16xi32>
        %masked_sort3A_119 = arith.xori %select_n3A, %masked_sort3A_118 : vector<16xi32>
        %masked_sort3A_120, %masked_sort3A_121, %masked_sort3A_122 = tpu.sort %masked_sort3A_119, %get3A_90 masked %masked_sort3A_116 : (vector<16xi32>, vector<16xi32>, vector<16xi1>) -> (vector<16xi1>, vector<16xi32>, vector<16xi32>)
        %masked_sort3A_123 = arith.xori %masked_sort3A_121, %masked_sort3A_118 : vector<16xi32>
        %add3A_124 = arith.addi %mul3A_52, %scan3A_78 : i32
        %swap3A_125 = arith.index_cast %add3A_124 : i32 to index
        %swap3A_126 = tpu.vector_load %arg11[%swap3A_125] {strides = array<i32>} : memref<8192xi32, #tpu.memory_space<vmem>>, vector<16xi32>,
        tpu.vector_store %arg11[%swap3A_125], %masked_sort3A_122 {strides = array<i32>} : memref<8192xi32, #tpu.memory_space<vmem>>, vector<16xi32>,
        %masked_sort3A_127 = arith.constant dense<true> : vector<16xi1>
        %masked_sort3A_128 = arith.constant -2147483648 : i32
        %masked_sort3A_129 = vector.broadcast %masked_sort3A_128 : i32 to vector<16xi32>
        %masked_sort3A_130 = arith.xori %select_n3A_105, %masked_sort3A_129 : vector<16xi32>
        %masked_sort3A_131, %masked_sort3A_132, %masked_sort3A_133 = tpu.sort %masked_sort3A_130, %get3A_88 masked %masked_sort3A_127 : (vector<16xi32>, vector<16xf32>, vector<16xi1>) -> (vector<16xi1>, vector<16xi32>, vector<16xf32>)
        %masked_sort3A_134 = arith.xori %masked_sort3A_132, %masked_sort3A_129 : vector<16xi32>
        %add3A_135 = arith.constant 128 : i32
        %add3A_136 = arith.addi %mul3A_52, %add3A_135 : i32
        %add3A_137 = arith.addi %add3A_136, %scan3A_79 : i32
        %swap3A_138 = arith.index_cast %add3A_137 : i32 to index
        %swap3A_139 = tpu.vector_load %arg10[%swap3A_138] {strides = array<i32>} : memref<8192xf32, #tpu.memory_space<vmem>>, vector<16xf32>,
        tpu.vector_store %arg10[%swap3A_138], %masked_sort3A_133 {strides = array<i32>} : memref<8192xf32, #tpu.memory_space<vmem>>, vector<16xf32>,
        %masked_sort3A_140 = arith.constant dense<true> : vector<16xi1>
        %masked_sort3A_141 = arith.constant -2147483648 : i32
        %masked_sort3A_142 = vector.broadcast %masked_sort3A_141 : i32 to vector<16xi32>
        %masked_sort3A_143 = arith.xori %select_n3A_105, %masked_sort3A_142 : vector<16xi32>
        %masked_sort3A_144, %masked_sort3A_145, %masked_sort3A_146 = tpu.sort %masked_sort3A_143, %get3A_90 masked %masked_sort3A_140 : (vector<16xi32>, vector<16xi32>, vector<16xi1>) -> (vector<16xi1>, vector<16xi32>, vector<16xi32>)
        %masked_sort3A_147 = arith.xori %masked_sort3A_145, %masked_sort3A_142 : vector<16xi32>
        %add3A_148 = arith.constant 128 : i32
        %add3A_149 = arith.addi %mul3A_52, %add3A_148 : i32
        %add3A_150 = arith.addi %add3A_149, %scan3A_79 : i32
        %swap3A_151 = arith.index_cast %add3A_150 : i32 to index
        %swap3A_152 = tpu.vector_load %arg11[%swap3A_151] {strides = array<i32>} : memref<8192xi32, #tpu.memory_space<vmem>>, vector<16xi32>,
        tpu.vector_store %arg11[%swap3A_151], %masked_sort3A_146 {strides = array<i32>} : memref<8192xi32, #tpu.memory_space<vmem>>, vector<16xi32>,
        %add3A_153 = arith.addi %scan3A_78, %reduce_sum3A_93 : i32
        %min3A = arith.constant 112 : i32
        %min3A_154 = arith.minsi %add3A_153, %min3A : i32
        %add3A_155 = arith.addi %scan3A_79, %reduce_sum3A_98 : i32
        %min3A_156 = arith.constant 112 : i32
        %min3A_157 = arith.minsi %add3A_155, %min3A_156 : i32
        %mul3A_158 = arith.constant 100 : i32
        %mul3A_159 = arith.muli %scan3A_44, %mul3A_158 : i32
        %add3A_160 = arith.addi %mul3A_159, %scan3A_77 : i32
        %mul3A_161 = arith.constant 32 : i32
        %mul3A_162 = arith.muli %add3A_160, %mul3A_161 : i32
        %add3A_163 = arith.constant 16 : i32
        %add3A_164 = arith.addi %mul3A_162, %add3A_163 : i32
        %get3A_165 = arith.index_cast %add3A_164 : i32 to index
        %get3A_166 = tpu.vector_load %arg7[%get3A_165] {strides = array<i32>} : memref<51200xf32, #tpu.memory_space<vmem>>, vector<16xf32>,
        %get3A_167 = arith.index_cast %add3A_164 : i32 to index
        %get3A_168 = tpu.vector_load %arg8[%get3A_167] {strides = array<i32>} : memref<51200xi32, #tpu.memory_space<vmem>>, vector<16xi32>,
        %gt3A_169 = arith.cmpf ogt, %get3A_166, %get3A_50 : vector<16xf32>
        %eq3A_170 = arith.cmpf oeq, %get3A_166, %get3A_50 : vector<16xf32>
        %convert_element_type3A_171 = arith.extui %gt3A_169 : vector<16xi1> to vector<16xi32>
        %reduce_sum3A_172 = arith.constant true
        %reduce_sum3A_173 = vector.broadcast %reduce_sum3A_172 : i1 to vector<16xi1>
        %reduce_sum3A_174 = tpu.scan <sum>, %convert_element_type3A_171 masked %reduce_sum3A_173 : vector<16xi32>, vector<16xi1> -> vector<16xi32>
        %reduce_sum3A_175 = vector.extract %reduce_sum3A_174[15] : i32 from vector<16xi32>
        %convert_element_type3A_176 = arith.extui %eq3A_170 : vector<16xi1> to vector<16xi32>
        %reduce_sum3A_177 = arith.constant true
        %reduce_sum3A_178 = vector.broadcast %reduce_sum3A_177 : i1 to vector<16xi1>
        %reduce_sum3A_179 = tpu.scan <sum>, %convert_element_type3A_176 masked %reduce_sum3A_178 : vector<16xi32>, vector<16xi1> -> vector<16xi32>
        %reduce_sum3A_180 = vector.extract %reduce_sum3A_179[15] : i32 from vector<16xi32>
        %iota3A_181 = tpu.iota {dimensions = array<i32: 0>} : vector<16xi32>
        %add3A_182 = arith.constant 16 : i32
        %add3A_183 = vector.broadcast %add3A_182 : i32 to vector<16xi32>
        %add3A_184 = arith.addi %iota3A_181, %add3A_183 : vector<16xi32>
        %select_n3A_185 = arith.select %gt3A_169, %iota3A_181, %add3A_184 : vector<16xi1>, vector<16xi32>
        %add3A_186 = arith.constant 16 : i32
        %add3A_187 = vector.broadcast %add3A_186 : i32 to vector<16xi32>
        %add3A_188 = arith.addi %iota3A_181, %add3A_187 : vector<16xi32>
        %select_n3A_189 = arith.select %eq3A_170, %iota3A_181, %add3A_188 : vector<16xi1>, vector<16xi32>
        %masked_sort3A_190 = arith.constant dense<true> : vector<16xi1>
        %masked_sort3A_191 = arith.constant -2147483648 : i32
        %masked_sort3A_192 = vector.broadcast %masked_sort3A_191 : i32 to vector<16xi32>
        %masked_sort3A_193 = arith.xori %select_n3A_185, %masked_sort3A_192 : vector<16xi32>
        %masked_sort3A_194, %masked_sort3A_195, %masked_sort3A_196 = tpu.sort %masked_sort3A_193, %get3A_166 masked %masked_sort3A_190 : (vector<16xi32>, vector<16xf32>, vector<16xi1>) -> (vector<16xi1>, vector<16xi32>, vector<16xf32>)
        %masked_sort3A_197 = arith.xori %masked_sort3A_195, %masked_sort3A_192 : vector<16xi32>
        %add3A_198 = arith.addi %mul3A_52, %min3A_154 : i32
        %swap3A_199 = arith.index_cast %add3A_198 : i32 to index
        %swap3A_200 = tpu.vector_load %arg10[%swap3A_199] {strides = array<i32>} : memref<8192xf32, #tpu.memory_space<vmem>>, vector<16xf32>,
        tpu.vector_store %arg10[%swap3A_199], %masked_sort3A_196 {strides = array<i32>} : memref<8192xf32, #tpu.memory_space<vmem>>, vector<16xf32>,
        %masked_sort3A_201 = arith.constant dense<true> : vector<16xi1>
        %masked_sort3A_202 = arith.constant -2147483648 : i32
        %masked_sort3A_203 = vector.broadcast %masked_sort3A_202 : i32 to vector<16xi32>
        %masked_sort3A_204 = arith.xori %select_n3A_185, %masked_sort3A_203 : vector<16xi32>
        %masked_sort3A_205, %masked_sort3A_206, %masked_sort3A_207 = tpu.sort %masked_sort3A_204, %get3A_168 masked %masked_sort3A_201 : (vector<16xi32>, vector<16xi32>, vector<16xi1>) -> (vector<16xi1>, vector<16xi32>, vector<16xi32>)
        %masked_sort3A_208 = arith.xori %masked_sort3A_206, %masked_sort3A_203 : vector<16xi32>
        %add3A_209 = arith.addi %mul3A_52, %min3A_154 : i32
        %swap3A_210 = arith.index_cast %add3A_209 : i32 to index
        %swap3A_211 = tpu.vector_load %arg11[%swap3A_210] {strides = array<i32>} : memref<8192xi32, #tpu.memory_space<vmem>>, vector<16xi32>,
        tpu.vector_store %arg11[%swap3A_210], %masked_sort3A_207 {strides = array<i32>} : memref<8192xi32, #tpu.memory_space<vmem>>, vector<16xi32>,
        %masked_sort3A_212 = arith.constant dense<true> : vector<16xi1>
        %masked_sort3A_213 = arith.constant -2147483648 : i32
        %masked_sort3A_214 = vector.broadcast %masked_sort3A_213 : i32 to vector<16xi32>
        %masked_sort3A_215 = arith.xori %select_n3A_189, %masked_sort3A_214 : vector<16xi32>
        %masked_sort3A_216, %masked_sort3A_217, %masked_sort3A_218 = tpu.sort %masked_sort3A_215, %get3A_166 masked %masked_sort3A_212 : (vector<16xi32>, vector<16xf32>, vector<16xi1>) -> (vector<16xi1>, vector<16xi32>, vector<16xf32>)
        %masked_sort3A_219 = arith.xori %masked_sort3A_217, %masked_sort3A_214 : vector<16xi32>
        %add3A_220 = arith.constant 128 : i32
        %add3A_221 = arith.addi %mul3A_52, %add3A_220 : i32
        %add3A_222 = arith.addi %add3A_221, %min3A_157 : i32
        %swap3A_223 = arith.index_cast %add3A_222 : i32 to index
        %swap3A_224 = tpu.vector_load %arg10[%swap3A_223] {strides = array<i32>} : memref<8192xf32, #tpu.memory_space<vmem>>, vector<16xf32>,
        tpu.vector_store %arg10[%swap3A_223], %masked_sort3A_218 {strides = array<i32>} : memref<8192xf32, #tpu.memory_space<vmem>>, vector<16xf32>,
        %masked_sort3A_225 = arith.constant dense<true> : vector<16xi1>
        %masked_sort3A_226 = arith.constant -2147483648 : i32
        %masked_sort3A_227 = vector.broadcast %masked_sort3A_226 : i32 to vector<16xi32>
        %masked_sort3A_228 = arith.xori %select_n3A_189, %masked_sort3A_227 : vector<16xi32>
        %masked_sort3A_229, %masked_sort3A_230, %masked_sort3A_231 = tpu.sort %masked_sort3A_228, %get3A_168 masked %masked_sort3A_225 : (vector<16xi32>, vector<16xi32>, vector<16xi1>) -> (vector<16xi1>, vector<16xi32>, vector<16xi32>)
        %masked_sort3A_232 = arith.xori %masked_sort3A_230, %masked_sort3A_227 : vector<16xi32>
        %add3A_233 = arith.constant 128 : i32
        %add3A_234 = arith.addi %mul3A_52, %add3A_233 : i32
        %add3A_235 = arith.addi %add3A_234, %min3A_157 : i32
        %swap3A_236 = arith.index_cast %add3A_235 : i32 to index
        %swap3A_237 = tpu.vector_load %arg11[%swap3A_236] {strides = array<i32>} : memref<8192xi32, #tpu.memory_space<vmem>>, vector<16xi32>,
        tpu.vector_store %arg11[%swap3A_236], %masked_sort3A_231 {strides = array<i32>} : memref<8192xi32, #tpu.memory_space<vmem>>, vector<16xi32>,
        %add3A_238 = arith.addi %min3A_154, %reduce_sum3A_175 : i32
        %min3A_239 = arith.constant 112 : i32
        %min3A_240 = arith.minsi %add3A_238, %min3A_239 : i32
        %add3A_241 = arith.addi %min3A_157, %reduce_sum3A_180 : i32
        %min3A_242 = arith.constant 112 : i32
        %min3A_243 = arith.minsi %add3A_241, %min3A_242 : i32
        scf.yield %min3A_240, %min3A_243 : i32, i32
      }
      %scan3A_60 = arith.constant 100 : i32
      %add3A_61 = arith.addi %mul3A_52, %scan3A_59#0 : i32
      %swap3A = arith.index_cast %add3A_61 : i32 to index
      %swap3A_62 = tpu.vector_load %arg10[%swap3A] {strides = array<i32>} : memref<8192xf32, #tpu.memory_space<vmem>>, vector<16xf32>,
      tpu.vector_store %arg10[%swap3A], %broadcast_in_dim3A_5 {strides = array<i32>} : memref<8192xf32, #tpu.memory_space<vmem>>, vector<16xf32>,
      %add3A_63 = arith.addi %mul3A_52, %scan3A_59#0 : i32
      %swap3A_64 = arith.index_cast %add3A_63 : i32 to index
      %swap3A_65 = tpu.vector_load %arg11[%swap3A_64] {strides = array<i32>} : memref<8192xi32, #tpu.memory_space<vmem>>, vector<16xi32>,
      tpu.vector_store %arg11[%swap3A_64], %broadcast_in_dim3A_7 {strides = array<i32>} : memref<8192xi32, #tpu.memory_space<vmem>>, vector<16xi32>,
      %add3A_66 = arith.constant 128 : i32
      %add3A_67 = arith.addi %mul3A_52, %add3A_66 : i32
      %add3A_68 = arith.addi %add3A_67, %scan3A_59#1 : i32
      %swap3A_69 = arith.index_cast %add3A_68 : i32 to index
      %swap3A_70 = tpu.vector_load %arg10[%swap3A_69] {strides = array<i32>} : memref<8192xf32, #tpu.memory_space<vmem>>, vector<16xf32>,
      tpu.vector_store %arg10[%swap3A_69], %broadcast_in_dim3A_5 {strides = array<i32>} : memref<8192xf32, #tpu.memory_space<vmem>>, vector<16xf32>,
      %add3A_71 = arith.constant 128 : i32
      %add3A_72 = arith.addi %mul3A_52, %add3A_71 : i32
      %add3A_73 = arith.addi %add3A_72, %scan3A_59#1 : i32
      %swap3A_74 = arith.index_cast %add3A_73 : i32 to index
      %swap3A_75 = tpu.vector_load %arg11[%swap3A_74] {strides = array<i32>} : memref<8192xi32, #tpu.memory_space<vmem>>, vector<16xi32>,
      tpu.vector_store %arg11[%swap3A_74], %broadcast_in_dim3A_7 {strides = array<i32>} : memref<8192xi32, #tpu.memory_space<vmem>>, vector<16xi32>,
      %scan3A_76 = arith.constant 0 : i32
      scf.yield %scan3A_76 : i32
    }
    %scan3A_26 = arith.constant 16 : i32
    %add3A_27 = arith.constant 16 : i32
    %add3A_28 = arith.addi %mul3A_2, %add3A_27 : i32
    %mul3A_29 = arith.constant 100 : i32
    %mul3A_30 = arith.muli %add3A_28, %mul3A_29 : i32
    %mul3A_31 = arith.constant 32 : i32
    %mul3A_32 = arith.muli %mul3A_30, %mul3A_31 : i32
    "tpu.region"() ({
      %run_scoped3A = tpu.sem_alloc : memref<!tpu.dma_semaphore, #tpu.memory_space<semaphore_mem>>
      %dma_start3A = tpu.memref_slice %arg2[%mul3A_32] : memref<3276800xf32, #tpu.memory_space<hbm>> -> memref<51200xf32, #tpu.memory_space<hbm>>
      %dma_start3A_44 = tpu.memref_slice %arg2[%mul3A_32] : memref<3276800xf32, #tpu.memory_space<hbm>> -> memref<51200xf32, #tpu.memory_space<hbm>>
      tpu.enqueue_dma source(%dma_start3A_44 : memref<51200xf32, #tpu.memory_space<hbm>>) target(%arg7 : memref<51200xf32, #tpu.memory_space<vmem>>) target_semaphore(%run_scoped3A : memref<!tpu.dma_semaphore, #tpu.memory_space<semaphore_mem>>)
      %dma_wait3A = tpu.memref_slice %arg2[%mul3A_32] : memref<3276800xf32, #tpu.memory_space<hbm>> -> memref<51200xf32, #tpu.memory_space<hbm>>
      %dma_wait3A_45 = tpu.memref_slice %arg2[%mul3A_32] : memref<3276800xf32, #tpu.memory_space<hbm>> -> memref<51200xf32, #tpu.memory_space<hbm>>
      tpu.wait_dma2 semaphore(%run_scoped3A : memref<!tpu.dma_semaphore, #tpu.memory_space<semaphore_mem>>) src(%dma_wait3A_45 : memref<51200xf32, #tpu.memory_space<hbm>>) dst(%arg7 : memref<51200xf32, #tpu.memory_space<vmem>>)
      tpu.yield
    }) : () -> ()
    "tpu.region"() ({
      %run_scoped3A = tpu.sem_alloc : memref<!tpu.dma_semaphore, #tpu.memory_space<semaphore_mem>>
      %dma_start3A = tpu.memref_slice %arg3[%mul3A_32] : memref<3276800xi32, #tpu.memory_space<hbm>> -> memref<51200xi32, #tpu.memory_space<hbm>>
      %dma_start3A_44 = tpu.memref_slice %arg3[%mul3A_32] : memref<3276800xi32, #tpu.memory_space<hbm>> -> memref<51200xi32, #tpu.memory_space<hbm>>
      tpu.enqueue_dma source(%dma_start3A_44 : memref<51200xi32, #tpu.memory_space<hbm>>) target(%arg8 : memref<51200xi32, #tpu.memory_space<vmem>>) target_semaphore(%run_scoped3A : memref<!tpu.dma_semaphore, #tpu.memory_space<semaphore_mem>>)
      %dma_wait3A = tpu.memref_slice %arg3[%mul3A_32] : memref<3276800xi32, #tpu.memory_space<hbm>> -> memref<51200xi32, #tpu.memory_space<hbm>>
      %dma_wait3A_45 = tpu.memref_slice %arg3[%mul3A_32] : memref<3276800xi32, #tpu.memory_space<hbm>> -> memref<51200xi32, #tpu.memory_space<hbm>>
      tpu.wait_dma2 semaphore(%run_scoped3A : memref<!tpu.dma_semaphore, #tpu.memory_space<semaphore_mem>>) src(%dma_wait3A_45 : memref<51200xi32, #tpu.memory_space<hbm>>) dst(%arg8 : memref<51200xi32, #tpu.memory_space<vmem>>)
      tpu.yield
    }) : () -> ()
    %scan3A_33 = arith.constant 0 : i32
    %scan3A_34 = arith.constant 0 : i32
    %scan3A_35 = arith.constant 16 : i32
    %scan3A_36 = arith.addi %scan3A_34, %scan3A_35 : i32
    %scan3A_37 = arith.constant 1 : i32
    %scan3A_38 = scf.for %scan3A_44 = %scan3A_34 to %scan3A_36 step %scan3A_37 iter_args(%scan3A_45 = %scan3A_33) -> (i32)  : i32 {
      %add3A_46 = arith.constant 16 : i32
      %add3A_47 = arith.addi %add3A_46, %scan3A_44 : i32
      %mul3A_48 = arith.constant 128 : i32
      %mul3A_49 = arith.muli %add3A_47, %mul3A_48 : i32
      %get3A = arith.index_cast %mul3A_49 : i32 to index
      %get3A_50 = tpu.vector_load %arg9[%get3A] {strides = array<i32>} : memref<4096xf32, #tpu.memory_space<vmem>>, vector<16xf32>,
      %mul3A_51 = arith.constant 256 : i32
      %mul3A_52 = arith.muli %add3A_47, %mul3A_51 : i32
      %scan3A_53 = arith.constant 0 : i32
      %scan3A_54 = arith.constant 0 : i32
      %scan3A_55 = arith.constant 0 : i32
      %scan3A_56 = arith.constant 100 : i32
      %scan3A_57 = arith.addi %scan3A_55, %scan3A_56 : i32
      %scan3A_58 = arith.constant 1 : i32
      %scan3A_59:2 = scf.for %scan3A_77 = %scan3A_55 to %scan3A_57 step %scan3A_58 iter_args(%scan3A_78 = %scan3A_53, %scan3A_79 = %scan3A_54) -> (i32, i32)  : i32 {
        %mul3A_80 = arith.constant 100 : i32
        %mul3A_81 = arith.muli %scan3A_44, %mul3A_80 : i32
        %add3A_82 = arith.addi %mul3A_81, %scan3A_77 : i32
        %mul3A_83 = arith.constant 32 : i32
        %mul3A_84 = arith.muli %add3A_82, %mul3A_83 : i32
        %add3A_85 = arith.constant 0 : i32
        %add3A_86 = arith.addi %mul3A_84, %add3A_85 : i32
        %get3A_87 = arith.index_cast %add3A_86 : i32 to index
        %get3A_88 = tpu.vector_load %arg7[%get3A_87] {strides = array<i32>} : memref<51200xf32, #tpu.memory_space<vmem>>, vector<16xf32>,
        %get3A_89 = arith.index_cast %add3A_86 : i32 to index
        %get3A_90 = tpu.vector_load %arg8[%get3A_89] {strides = array<i32>} : memref<51200xi32, #tpu.memory_space<vmem>>, vector<16xi32>,
        %gt3A = arith.cmpf ogt, %get3A_88, %get3A_50 : vector<16xf32>
        %eq3A = arith.cmpf oeq, %get3A_88, %get3A_50 : vector<16xf32>
        %convert_element_type3A = arith.extui %gt3A : vector<16xi1> to vector<16xi32>
        %reduce_sum3A = arith.constant true
        %reduce_sum3A_91 = vector.broadcast %reduce_sum3A : i1 to vector<16xi1>
        %reduce_sum3A_92 = tpu.scan <sum>, %convert_element_type3A masked %reduce_sum3A_91 : vector<16xi32>, vector<16xi1> -> vector<16xi32>
        %reduce_sum3A_93 = vector.extract %reduce_sum3A_92[15] : i32 from vector<16xi32>
        %convert_element_type3A_94 = arith.extui %eq3A : vector<16xi1> to vector<16xi32>
        %reduce_sum3A_95 = arith.constant true
        %reduce_sum3A_96 = vector.broadcast %reduce_sum3A_95 : i1 to vector<16xi1>
        %reduce_sum3A_97 = tpu.scan <sum>, %convert_element_type3A_94 masked %reduce_sum3A_96 : vector<16xi32>, vector<16xi1> -> vector<16xi32>
        %reduce_sum3A_98 = vector.extract %reduce_sum3A_97[15] : i32 from vector<16xi32>
        %iota3A = tpu.iota {dimensions = array<i32: 0>} : vector<16xi32>
        %add3A_99 = arith.constant 16 : i32
        %add3A_100 = vector.broadcast %add3A_99 : i32 to vector<16xi32>
        %add3A_101 = arith.addi %iota3A, %add3A_100 : vector<16xi32>
        %select_n3A = arith.select %gt3A, %iota3A, %add3A_101 : vector<16xi1>, vector<16xi32>
        %add3A_102 = arith.constant 16 : i32
        %add3A_103 = vector.broadcast %add3A_102 : i32 to vector<16xi32>
        %add3A_104 = arith.addi %iota3A, %add3A_103 : vector<16xi32>
        %select_n3A_105 = arith.select %eq3A, %iota3A, %add3A_104 : vector<16xi1>, vector<16xi32>
        %masked_sort3A = arith.constant dense<true> : vector<16xi1>
        %masked_sort3A_106 = arith.constant -2147483648 : i32
        %masked_sort3A_107 = vector.broadcast %masked_sort3A_106 : i32 to vector<16xi32>
        %masked_sort3A_108 = arith.xori %select_n3A, %masked_sort3A_107 : vector<16xi32>
        %masked_sort3A_109, %masked_sort3A_110, %masked_sort3A_111 = tpu.sort %masked_sort3A_108, %get3A_88 masked %masked_sort3A : (vector<16xi32>, vector<16xf32>, vector<16xi1>) -> (vector<16xi1>, vector<16xi32>, vector<16xf32>)
        %masked_sort3A_112 = arith.xori %masked_sort3A_110, %masked_sort3A_107 : vector<16xi32>
        %add3A_113 = arith.addi %mul3A_52, %scan3A_78 : i32
        %swap3A_114 = arith.index_cast %add3A_113 : i32 to index
        %swap3A_115 = tpu.vector_load %arg10[%swap3A_114] {strides = array<i32>} : memref<8192xf32, #tpu.memory_space<vmem>>, vector<16xf32>,
        tpu.vector_store %arg10[%swap3A_114], %masked_sort3A_111 {strides = array<i32>} : memref<8192xf32, #tpu.memory_space<vmem>>, vector<16xf32>,
        %masked_sort3A_116 = arith.constant dense<true> : vector<16xi1>
        %masked_sort3A_117 = arith.constant -2147483648 : i32
        %masked_sort3A_118 = vector.broadcast %masked_sort3A_117 : i32 to vector<16xi32>
        %masked_sort3A_119 = arith.xori %select_n3A, %masked_sort3A_118 : vector<16xi32>
        %masked_sort3A_120, %masked_sort3A_121, %masked_sort3A_122 = tpu.sort %masked_sort3A_119, %get3A_90 masked %masked_sort3A_116 : (vector<16xi32>, vector<16xi32>, vector<16xi1>) -> (vector<16xi1>, vector<16xi32>, vector<16xi32>)
        %masked_sort3A_123 = arith.xori %masked_sort3A_121, %masked_sort3A_118 : vector<16xi32>
        %add3A_124 = arith.addi %mul3A_52, %scan3A_78 : i32
        %swap3A_125 = arith.index_cast %add3A_124 : i32 to index
        %swap3A_126 = tpu.vector_load %arg11[%swap3A_125] {strides = array<i32>} : memref<8192xi32, #tpu.memory_space<vmem>>, vector<16xi32>,
        tpu.vector_store %arg11[%swap3A_125], %masked_sort3A_122 {strides = array<i32>} : memref<8192xi32, #tpu.memory_space<vmem>>, vector<16xi32>,
        %masked_sort3A_127 = arith.constant dense<true> : vector<16xi1>
        %masked_sort3A_128 = arith.constant -2147483648 : i32
        %masked_sort3A_129 = vector.broadcast %masked_sort3A_128 : i32 to vector<16xi32>
        %masked_sort3A_130 = arith.xori %select_n3A_105, %masked_sort3A_129 : vector<16xi32>
        %masked_sort3A_131, %masked_sort3A_132, %masked_sort3A_133 = tpu.sort %masked_sort3A_130, %get3A_88 masked %masked_sort3A_127 : (vector<16xi32>, vector<16xf32>, vector<16xi1>) -> (vector<16xi1>, vector<16xi32>, vector<16xf32>)
        %masked_sort3A_134 = arith.xori %masked_sort3A_132, %masked_sort3A_129 : vector<16xi32>
        %add3A_135 = arith.constant 128 : i32
        %add3A_136 = arith.addi %mul3A_52, %add3A_135 : i32
        %add3A_137 = arith.addi %add3A_136, %scan3A_79 : i32
        %swap3A_138 = arith.index_cast %add3A_137 : i32 to index
        %swap3A_139 = tpu.vector_load %arg10[%swap3A_138] {strides = array<i32>} : memref<8192xf32, #tpu.memory_space<vmem>>, vector<16xf32>,
        tpu.vector_store %arg10[%swap3A_138], %masked_sort3A_133 {strides = array<i32>} : memref<8192xf32, #tpu.memory_space<vmem>>, vector<16xf32>,
        %masked_sort3A_140 = arith.constant dense<true> : vector<16xi1>
        %masked_sort3A_141 = arith.constant -2147483648 : i32
        %masked_sort3A_142 = vector.broadcast %masked_sort3A_141 : i32 to vector<16xi32>
        %masked_sort3A_143 = arith.xori %select_n3A_105, %masked_sort3A_142 : vector<16xi32>
        %masked_sort3A_144, %masked_sort3A_145, %masked_sort3A_146 = tpu.sort %masked_sort3A_143, %get3A_90 masked %masked_sort3A_140 : (vector<16xi32>, vector<16xi32>, vector<16xi1>) -> (vector<16xi1>, vector<16xi32>, vector<16xi32>)
        %masked_sort3A_147 = arith.xori %masked_sort3A_145, %masked_sort3A_142 : vector<16xi32>
        %add3A_148 = arith.constant 128 : i32
        %add3A_149 = arith.addi %mul3A_52, %add3A_148 : i32
        %add3A_150 = arith.addi %add3A_149, %scan3A_79 : i32
        %swap3A_151 = arith.index_cast %add3A_150 : i32 to index
        %swap3A_152 = tpu.vector_load %arg11[%swap3A_151] {strides = array<i32>} : memref<8192xi32, #tpu.memory_space<vmem>>, vector<16xi32>,
        tpu.vector_store %arg11[%swap3A_151], %masked_sort3A_146 {strides = array<i32>} : memref<8192xi32, #tpu.memory_space<vmem>>, vector<16xi32>,
        %add3A_153 = arith.addi %scan3A_78, %reduce_sum3A_93 : i32
        %min3A = arith.constant 112 : i32
        %min3A_154 = arith.minsi %add3A_153, %min3A : i32
        %add3A_155 = arith.addi %scan3A_79, %reduce_sum3A_98 : i32
        %min3A_156 = arith.constant 112 : i32
        %min3A_157 = arith.minsi %add3A_155, %min3A_156 : i32
        %mul3A_158 = arith.constant 100 : i32
        %mul3A_159 = arith.muli %scan3A_44, %mul3A_158 : i32
        %add3A_160 = arith.addi %mul3A_159, %scan3A_77 : i32
        %mul3A_161 = arith.constant 32 : i32
        %mul3A_162 = arith.muli %add3A_160, %mul3A_161 : i32
        %add3A_163 = arith.constant 16 : i32
        %add3A_164 = arith.addi %mul3A_162, %add3A_163 : i32
        %get3A_165 = arith.index_cast %add3A_164 : i32 to index
        %get3A_166 = tpu.vector_load %arg7[%get3A_165] {strides = array<i32>} : memref<51200xf32, #tpu.memory_space<vmem>>, vector<16xf32>,
        %get3A_167 = arith.index_cast %add3A_164 : i32 to index
        %get3A_168 = tpu.vector_load %arg8[%get3A_167] {strides = array<i32>} : memref<51200xi32, #tpu.memory_space<vmem>>, vector<16xi32>,
        %gt3A_169 = arith.cmpf ogt, %get3A_166, %get3A_50 : vector<16xf32>
        %eq3A_170 = arith.cmpf oeq, %get3A_166, %get3A_50 : vector<16xf32>
        %convert_element_type3A_171 = arith.extui %gt3A_169 : vector<16xi1> to vector<16xi32>
        %reduce_sum3A_172 = arith.constant true
        %reduce_sum3A_173 = vector.broadcast %reduce_sum3A_172 : i1 to vector<16xi1>
        %reduce_sum3A_174 = tpu.scan <sum>, %convert_element_type3A_171 masked %reduce_sum3A_173 : vector<16xi32>, vector<16xi1> -> vector<16xi32>
        %reduce_sum3A_175 = vector.extract %reduce_sum3A_174[15] : i32 from vector<16xi32>
        %convert_element_type3A_176 = arith.extui %eq3A_170 : vector<16xi1> to vector<16xi32>
        %reduce_sum3A_177 = arith.constant true
        %reduce_sum3A_178 = vector.broadcast %reduce_sum3A_177 : i1 to vector<16xi1>
        %reduce_sum3A_179 = tpu.scan <sum>, %convert_element_type3A_176 masked %reduce_sum3A_178 : vector<16xi32>, vector<16xi1> -> vector<16xi32>
        %reduce_sum3A_180 = vector.extract %reduce_sum3A_179[15] : i32 from vector<16xi32>
        %iota3A_181 = tpu.iota {dimensions = array<i32: 0>} : vector<16xi32>
        %add3A_182 = arith.constant 16 : i32
        %add3A_183 = vector.broadcast %add3A_182 : i32 to vector<16xi32>
        %add3A_184 = arith.addi %iota3A_181, %add3A_183 : vector<16xi32>
        %select_n3A_185 = arith.select %gt3A_169, %iota3A_181, %add3A_184 : vector<16xi1>, vector<16xi32>
        %add3A_186 = arith.constant 16 : i32
        %add3A_187 = vector.broadcast %add3A_186 : i32 to vector<16xi32>
        %add3A_188 = arith.addi %iota3A_181, %add3A_187 : vector<16xi32>
        %select_n3A_189 = arith.select %eq3A_170, %iota3A_181, %add3A_188 : vector<16xi1>, vector<16xi32>
        %masked_sort3A_190 = arith.constant dense<true> : vector<16xi1>
        %masked_sort3A_191 = arith.constant -2147483648 : i32
        %masked_sort3A_192 = vector.broadcast %masked_sort3A_191 : i32 to vector<16xi32>
        %masked_sort3A_193 = arith.xori %select_n3A_185, %masked_sort3A_192 : vector<16xi32>
        %masked_sort3A_194, %masked_sort3A_195, %masked_sort3A_196 = tpu.sort %masked_sort3A_193, %get3A_166 masked %masked_sort3A_190 : (vector<16xi32>, vector<16xf32>, vector<16xi1>) -> (vector<16xi1>, vector<16xi32>, vector<16xf32>)
        %masked_sort3A_197 = arith.xori %masked_sort3A_195, %masked_sort3A_192 : vector<16xi32>
        %add3A_198 = arith.addi %mul3A_52, %min3A_154 : i32
        %swap3A_199 = arith.index_cast %add3A_198 : i32 to index
        %swap3A_200 = tpu.vector_load %arg10[%swap3A_199] {strides = array<i32>} : memref<8192xf32, #tpu.memory_space<vmem>>, vector<16xf32>,
        tpu.vector_store %arg10[%swap3A_199], %masked_sort3A_196 {strides = array<i32>} : memref<8192xf32, #tpu.memory_space<vmem>>, vector<16xf32>,
        %masked_sort3A_201 = arith.constant dense<true> : vector<16xi1>
        %masked_sort3A_202 = arith.constant -2147483648 : i32
        %masked_sort3A_203 = vector.broadcast %masked_sort3A_202 : i32 to vector<16xi32>
        %masked_sort3A_204 = arith.xori %select_n3A_185, %masked_sort3A_203 : vector<16xi32>
        %masked_sort3A_205, %masked_sort3A_206, %masked_sort3A_207 = tpu.sort %masked_sort3A_204, %get3A_168 masked %masked_sort3A_201 : (vector<16xi32>, vector<16xi32>, vector<16xi1>) -> (vector<16xi1>, vector<16xi32>, vector<16xi32>)
        %masked_sort3A_208 = arith.xori %masked_sort3A_206, %masked_sort3A_203 : vector<16xi32>
        %add3A_209 = arith.addi %mul3A_52, %min3A_154 : i32
        %swap3A_210 = arith.index_cast %add3A_209 : i32 to index
        %swap3A_211 = tpu.vector_load %arg11[%swap3A_210] {strides = array<i32>} : memref<8192xi32, #tpu.memory_space<vmem>>, vector<16xi32>,
        tpu.vector_store %arg11[%swap3A_210], %masked_sort3A_207 {strides = array<i32>} : memref<8192xi32, #tpu.memory_space<vmem>>, vector<16xi32>,
        %masked_sort3A_212 = arith.constant dense<true> : vector<16xi1>
        %masked_sort3A_213 = arith.constant -2147483648 : i32
        %masked_sort3A_214 = vector.broadcast %masked_sort3A_213 : i32 to vector<16xi32>
        %masked_sort3A_215 = arith.xori %select_n3A_189, %masked_sort3A_214 : vector<16xi32>
        %masked_sort3A_216, %masked_sort3A_217, %masked_sort3A_218 = tpu.sort %masked_sort3A_215, %get3A_166 masked %masked_sort3A_212 : (vector<16xi32>, vector<16xf32>, vector<16xi1>) -> (vector<16xi1>, vector<16xi32>, vector<16xf32>)
        %masked_sort3A_219 = arith.xori %masked_sort3A_217, %masked_sort3A_214 : vector<16xi32>
        %add3A_220 = arith.constant 128 : i32
        %add3A_221 = arith.addi %mul3A_52, %add3A_220 : i32
        %add3A_222 = arith.addi %add3A_221, %min3A_157 : i32
        %swap3A_223 = arith.index_cast %add3A_222 : i32 to index
        %swap3A_224 = tpu.vector_load %arg10[%swap3A_223] {strides = array<i32>} : memref<8192xf32, #tpu.memory_space<vmem>>, vector<16xf32>,
        tpu.vector_store %arg10[%swap3A_223], %masked_sort3A_218 {strides = array<i32>} : memref<8192xf32, #tpu.memory_space<vmem>>, vector<16xf32>,
        %masked_sort3A_225 = arith.constant dense<true> : vector<16xi1>
        %masked_sort3A_226 = arith.constant -2147483648 : i32
        %masked_sort3A_227 = vector.broadcast %masked_sort3A_226 : i32 to vector<16xi32>
        %masked_sort3A_228 = arith.xori %select_n3A_189, %masked_sort3A_227 : vector<16xi32>
        %masked_sort3A_229, %masked_sort3A_230, %masked_sort3A_231 = tpu.sort %masked_sort3A_228, %get3A_168 masked %masked_sort3A_225 : (vector<16xi32>, vector<16xi32>, vector<16xi1>) -> (vector<16xi1>, vector<16xi32>, vector<16xi32>)
        %masked_sort3A_232 = arith.xori %masked_sort3A_230, %masked_sort3A_227 : vector<16xi32>
        %add3A_233 = arith.constant 128 : i32
        %add3A_234 = arith.addi %mul3A_52, %add3A_233 : i32
        %add3A_235 = arith.addi %add3A_234, %min3A_157 : i32
        %swap3A_236 = arith.index_cast %add3A_235 : i32 to index
        %swap3A_237 = tpu.vector_load %arg11[%swap3A_236] {strides = array<i32>} : memref<8192xi32, #tpu.memory_space<vmem>>, vector<16xi32>,
        tpu.vector_store %arg11[%swap3A_236], %masked_sort3A_231 {strides = array<i32>} : memref<8192xi32, #tpu.memory_space<vmem>>, vector<16xi32>,
        %add3A_238 = arith.addi %min3A_154, %reduce_sum3A_175 : i32
        %min3A_239 = arith.constant 112 : i32
        %min3A_240 = arith.minsi %add3A_238, %min3A_239 : i32
        %add3A_241 = arith.addi %min3A_157, %reduce_sum3A_180 : i32
        %min3A_242 = arith.constant 112 : i32
        %min3A_243 = arith.minsi %add3A_241, %min3A_242 : i32
        scf.yield %min3A_240, %min3A_243 : i32, i32
      }
      %scan3A_60 = arith.constant 100 : i32
      %add3A_61 = arith.addi %mul3A_52, %scan3A_59#0 : i32
      %swap3A = arith.index_cast %add3A_61 : i32 to index
      %swap3A_62 = tpu.vector_load %arg10[%swap3A] {strides = array<i32>} : memref<8192xf32, #tpu.memory_space<vmem>>, vector<16xf32>,
      tpu.vector_store %arg10[%swap3A], %broadcast_in_dim3A_5 {strides = array<i32>} : memref<8192xf32, #tpu.memory_space<vmem>>, vector<16xf32>,
      %add3A_63 = arith.addi %mul3A_52, %scan3A_59#0 : i32
      %swap3A_64 = arith.index_cast %add3A_63 : i32 to index
      %swap3A_65 = tpu.vector_load %arg11[%swap3A_64] {strides = array<i32>} : memref<8192xi32, #tpu.memory_space<vmem>>, vector<16xi32>,
      tpu.vector_store %arg11[%swap3A_64], %broadcast_in_dim3A_7 {strides = array<i32>} : memref<8192xi32, #tpu.memory_space<vmem>>, vector<16xi32>,
      %add3A_66 = arith.constant 128 : i32
      %add3A_67 = arith.addi %mul3A_52, %add3A_66 : i32
      %add3A_68 = arith.addi %add3A_67, %scan3A_59#1 : i32
      %swap3A_69 = arith.index_cast %add3A_68 : i32 to index
      %swap3A_70 = tpu.vector_load %arg10[%swap3A_69] {strides = array<i32>} : memref<8192xf32, #tpu.memory_space<vmem>>, vector<16xf32>,
      tpu.vector_store %arg10[%swap3A_69], %broadcast_in_dim3A_5 {strides = array<i32>} : memref<8192xf32, #tpu.memory_space<vmem>>, vector<16xf32>,
      %add3A_71 = arith.constant 128 : i32
      %add3A_72 = arith.addi %mul3A_52, %add3A_71 : i32
      %add3A_73 = arith.addi %add3A_72, %scan3A_59#1 : i32
      %swap3A_74 = arith.index_cast %add3A_73 : i32 to index
      %swap3A_75 = tpu.vector_load %arg11[%swap3A_74] {strides = array<i32>} : memref<8192xi32, #tpu.memory_space<vmem>>, vector<16xi32>,
      tpu.vector_store %arg11[%swap3A_74], %broadcast_in_dim3A_7 {strides = array<i32>} : memref<8192xi32, #tpu.memory_space<vmem>>, vector<16xi32>,
      %scan3A_76 = arith.constant 0 : i32
      scf.yield %scan3A_76 : i32
    }
    %scan3A_39 = arith.constant 16 : i32
    %mul3A_40 = arith.constant 256 : i32
    %mul3A_41 = arith.muli %mul3A_2, %mul3A_40 : i32
    "tpu.region"() ({
      %run_scoped3A = tpu.sem_alloc : memref<!tpu.dma_semaphore, #tpu.memory_space<semaphore_mem>>
      %dma_start3A = tpu.memref_slice %arg5[%mul3A_41] : memref<262144xf32, #tpu.memory_space<hbm>> -> memref<8192xf32, #tpu.memory_space<hbm>>
      %dma_start3A_44 = tpu.memref_slice %arg5[%mul3A_41] : memref<262144xf32, #tpu.memory_space<hbm>> -> memref<8192xf32, #tpu.memory_space<hbm>>
      tpu.enqueue_dma source(%arg10 : memref<8192xf32, #tpu.memory_space<vmem>>) target(%dma_start3A_44 : memref<8192xf32, #tpu.memory_space<hbm>>) target_semaphore(%run_scoped3A : memref<!tpu.dma_semaphore, #tpu.memory_space<semaphore_mem>>)
      %dma_wait3A = tpu.memref_slice %arg5[%mul3A_41] : memref<262144xf32, #tpu.memory_space<hbm>> -> memref<8192xf32, #tpu.memory_space<hbm>>
      %dma_wait3A_45 = tpu.memref_slice %arg5[%mul3A_41] : memref<262144xf32, #tpu.memory_space<hbm>> -> memref<8192xf32, #tpu.memory_space<hbm>>
      tpu.wait_dma2 semaphore(%run_scoped3A : memref<!tpu.dma_semaphore, #tpu.memory_space<semaphore_mem>>) src(%arg10 : memref<8192xf32, #tpu.memory_space<vmem>>) dst(%dma_wait3A_45 : memref<8192xf32, #tpu.memory_space<hbm>>)
      tpu.yield
    }) : () -> ()
    %mul3A_42 = arith.constant 256 : i32
    %mul3A_43 = arith.muli %mul3A_2, %mul3A_42 : i32
    "tpu.region"() ({
      %run_scoped3A = tpu.sem_alloc : memref<!tpu.dma_semaphore, #tpu.memory_space<semaphore_mem>>
      %dma_start3A = tpu.memref_slice %arg6[%mul3A_43] : memref<262144xi32, #tpu.memory_space<hbm>> -> memref<8192xi32, #tpu.memory_space<hbm>>
      %dma_start3A_44 = tpu.memref_slice %arg6[%mul3A_43] : memref<262144xi32, #tpu.memory_space<hbm>> -> memref<8192xi32, #tpu.memory_space<hbm>>
      tpu.enqueue_dma source(%arg11 : memref<8192xi32, #tpu.memory_space<vmem>>) target(%dma_start3A_44 : memref<8192xi32, #tpu.memory_space<hbm>>) target_semaphore(%run_scoped3A : memref<!tpu.dma_semaphore, #tpu.memory_space<semaphore_mem>>)
      %dma_wait3A = tpu.memref_slice %arg6[%mul3A_43] : memref<262144xi32, #tpu.memory_space<hbm>> -> memref<8192xi32, #tpu.memory_space<hbm>>
      %dma_wait3A_45 = tpu.memref_slice %arg6[%mul3A_43] : memref<262144xi32, #tpu.memory_space<hbm>> -> memref<8192xi32, #tpu.memory_space<hbm>>
      tpu.wait_dma2 semaphore(%run_scoped3A : memref<!tpu.dma_semaphore, #tpu.memory_space<semaphore_mem>>) src(%arg11 : memref<8192xi32, #tpu.memory_space<vmem>>) dst(%dma_wait3A_45 : memref<8192xi32, #tpu.memory_space<hbm>>)
      tpu.yield
    }) : () -> ()
    return
  }
}

#map = affine_map<(d0, d1) -> (0)>
module attributes {stable_mosaic.version = 14 : i64} {
  func.func @_compact_sc(%arg0: i32, %arg1: i32, %arg2: memref<3276800xf32, #tpu.memory_space<hbm>>, %arg3: memref<3276800xi32, #tpu.memory_space<hbm>>, %arg4: memref<131072xf32, #tpu.memory_space<hbm>>, %arg5: memref<262144xf32, #tpu.memory_space<hbm>>, %arg6: memref<262144xi32, #tpu.memory_space<hbm>>, %arg7: memref<51200xf32, #tpu.memory_space<vmem>>, %arg8: memref<51200xi32, #tpu.memory_space<vmem>>, %arg9: memref<4096xf32, #tpu.memory_space<vmem>>, %arg10: memref<8192xf32, #tpu.memory_space<vmem>>, %arg11: memref<8192xi32, #tpu.memory_space<vmem>>) attributes {dimension_semantics = [#tpu.dimension_semantics<core_parallel>, #tpu.dimension_semantics<subcore_parallel>], iteration_bounds = array<i64: 2, 16>, scalar_prefetch = 0 : i64, scratch_operands = 5 : i64, tpu.core_type = #tpu.core_type<sc_vector_subcore>, window_params = [{transform_indices = #map}, {transform_indices = #map}, {transform_indices = #map}, {transform_indices = #map}, {transform_indices = #map}]} {
    %mul3A = arith.constant 2 : i32
    %mul3A_0 = arith.muli %arg1, %mul3A : i32
    %add3A = arith.addi %mul3A_0, %arg0 : i32
    %mul3A_1 = arith.constant 32 : i32
    %mul3A_2 = arith.muli %add3A, %mul3A_1 : i32
    %mul3A_3 = arith.constant 128 : i32
    %mul3A_4 = arith.muli %mul3A_2, %mul3A_3 : i32
    "tpu.region"() ({
      %run_scoped3A = tpu.sem_alloc : memref<!tpu.dma_semaphore, #tpu.memory_space<semaphore_mem>>
      %dma_start3A = tpu.memref_slice %arg4[%mul3A_4] : memref<131072xf32, #tpu.memory_space<hbm>> -> memref<4096xf32, #tpu.memory_space<hbm>>
      %dma_start3A_44 = tpu.memref_slice %arg4[%mul3A_4] : memref<131072xf32, #tpu.memory_space<hbm>> -> memref<4096xf32, #tpu.memory_space<hbm>>
      tpu.enqueue_dma source(%dma_start3A_44 : memref<4096xf32, #tpu.memory_space<hbm>>) target(%arg9 : memref<4096xf32, #tpu.memory_space<vmem>>) target_semaphore(%run_scoped3A : memref<!tpu.dma_semaphore, #tpu.memory_space<semaphore_mem>>)
      %dma_wait3A = tpu.memref_slice %arg4[%mul3A_4] : memref<131072xf32, #tpu.memory_space<hbm>> -> memref<4096xf32, #tpu.memory_space<hbm>>
      %dma_wait3A_45 = tpu.memref_slice %arg4[%mul3A_4] : memref<131072xf32, #tpu.memory_space<hbm>> -> memref<4096xf32, #tpu.memory_space<hbm>>
      tpu.wait_dma2 semaphore(%run_scoped3A : memref<!tpu.dma_semaphore, #tpu.memory_space<semaphore_mem>>) src(%dma_wait3A_45 : memref<4096xf32, #tpu.memory_space<hbm>>) dst(%arg9 : memref<4096xf32, #tpu.memory_space<vmem>>)
      tpu.yield
    }) : () -> ()
    %broadcast_in_dim3A = arith.constant -3.400000e+38 : f32
    %broadcast_in_dim3A_5 = vector.broadcast %broadcast_in_dim3A : f32 to vector<16xf32>
    %broadcast_in_dim3A_6 = arith.constant 2147483647 : i32
    %broadcast_in_dim3A_7 = vector.broadcast %broadcast_in_dim3A_6 : i32 to vector<16xi32>
    %scan3A = arith.constant 0 : i32
    %scan3A_8 = arith.constant 0 : i32
    %scan3A_9 = arith.constant 512 : i32
    %scan3A_10 = arith.addi %scan3A_8, %scan3A_9 : i32
    %scan3A_11 = arith.constant 1 : i32
    %scan3A_12 = scf.for %scan3A_44 = %scan3A_8 to %scan3A_10 step %scan3A_11 iter_args(%scan3A_45 = %scan3A) -> (i32)  : i32 {
      %mul3A_46 = arith.constant 16 : i32
      %mul3A_47 = arith.muli %scan3A_44, %mul3A_46 : i32
      %swap3A = arith.index_cast %mul3A_47 : i32 to index
      %swap3A_48 = tpu.vector_load %arg10[%swap3A] {strides = array<i32>} : memref<8192xf32, #tpu.memory_space<vmem>>, vector<16xf32>,
      tpu.vector_store %arg10[%swap3A], %broadcast_in_dim3A_5 {strides = array<i32>} : memref<8192xf32, #tpu.memory_space<vmem>>, vector<16xf32>,
      %mul3A_49 = arith.constant 16 : i32
      %mul3A_50 = arith.muli %scan3A_44, %mul3A_49 : i32
      %swap3A_51 = arith.index_cast %mul3A_50 : i32 to index
      %swap3A_52 = tpu.vector_load %arg11[%swap3A_51] {strides = array<i32>} : memref<8192xi32, #tpu.memory_space<vmem>>, vector<16xi32>,
      tpu.vector_store %arg11[%swap3A_51], %broadcast_in_dim3A_7 {strides = array<i32>} : memref<8192xi32, #tpu.memory_space<vmem>>, vector<16xi32>,
      %scan3A_53 = arith.constant 0 : i32
      scf.yield %scan3A_53 : i32
    }
    %scan3A_13 = arith.constant 512 : i32
    %add3A_14 = arith.constant 0 : i32
    %add3A_15 = arith.addi %mul3A_2, %add3A_14 : i32
    %mul3A_16 = arith.constant 100 : i32
    %mul3A_17 = arith.muli %add3A_15, %mul3A_16 : i32
    %mul3A_18 = arith.constant 32 : i32
    %mul3A_19 = arith.muli %mul3A_17, %mul3A_18 : i32
    "tpu.region"() ({
      %run_scoped3A = tpu.sem_alloc : memref<!tpu.dma_semaphore, #tpu.memory_space<semaphore_mem>>
      %dma_start3A = tpu.memref_slice %arg2[%mul3A_19] : memref<3276800xf32, #tpu.memory_space<hbm>> -> memref<51200xf32, #tpu.memory_space<hbm>>
      %dma_start3A_44 = tpu.memref_slice %arg2[%mul3A_19] : memref<3276800xf32, #tpu.memory_space<hbm>> -> memref<51200xf32, #tpu.memory_space<hbm>>
      tpu.enqueue_dma source(%dma_start3A_44 : memref<51200xf32, #tpu.memory_space<hbm>>) target(%arg7 : memref<51200xf32, #tpu.memory_space<vmem>>) target_semaphore(%run_scoped3A : memref<!tpu.dma_semaphore, #tpu.memory_space<semaphore_mem>>)
      %dma_wait3A = tpu.memref_slice %arg2[%mul3A_19] : memref<3276800xf32, #tpu.memory_space<hbm>> -> memref<51200xf32, #tpu.memory_space<hbm>>
      %dma_wait3A_45 = tpu.memref_slice %arg2[%mul3A_19] : memref<3276800xf32, #tpu.memory_space<hbm>> -> memref<51200xf32, #tpu.memory_space<hbm>>
      tpu.wait_dma2 semaphore(%run_scoped3A : memref<!tpu.dma_semaphore, #tpu.memory_space<semaphore_mem>>) src(%dma_wait3A_45 : memref<51200xf32, #tpu.memory_space<hbm>>) dst(%arg7 : memref<51200xf32, #tpu.memory_space<vmem>>)
      tpu.yield
    }) : () -> ()
    "tpu.region"() ({
      %run_scoped3A = tpu.sem_alloc : memref<!tpu.dma_semaphore, #tpu.memory_space<semaphore_mem>>
      %dma_start3A = tpu.memref_slice %arg3[%mul3A_19] : memref<3276800xi32, #tpu.memory_space<hbm>> -> memref<51200xi32, #tpu.memory_space<hbm>>
      %dma_start3A_44 = tpu.memref_slice %arg3[%mul3A_19] : memref<3276800xi32, #tpu.memory_space<hbm>> -> memref<51200xi32, #tpu.memory_space<hbm>>
      tpu.enqueue_dma source(%dma_start3A_44 : memref<51200xi32, #tpu.memory_space<hbm>>) target(%arg8 : memref<51200xi32, #tpu.memory_space<vmem>>) target_semaphore(%run_scoped3A : memref<!tpu.dma_semaphore, #tpu.memory_space<semaphore_mem>>)
      %dma_wait3A = tpu.memref_slice %arg3[%mul3A_19] : memref<3276800xi32, #tpu.memory_space<hbm>> -> memref<51200xi32, #tpu.memory_space<hbm>>
      %dma_wait3A_45 = tpu.memref_slice %arg3[%mul3A_19] : memref<3276800xi32, #tpu.memory_space<hbm>> -> memref<51200xi32, #tpu.memory_space<hbm>>
      tpu.wait_dma2 semaphore(%run_scoped3A : memref<!tpu.dma_semaphore, #tpu.memory_space<semaphore_mem>>) src(%dma_wait3A_45 : memref<51200xi32, #tpu.memory_space<hbm>>) dst(%arg8 : memref<51200xi32, #tpu.memory_space<vmem>>)
      tpu.yield
    }) : () -> ()
    %scan3A_20 = arith.constant 0 : i32
    %scan3A_21 = arith.constant 0 : i32
    %scan3A_22 = arith.constant 16 : i32
    %scan3A_23 = arith.addi %scan3A_21, %scan3A_22 : i32
    %scan3A_24 = arith.constant 1 : i32
    %scan3A_25 = scf.for %scan3A_44 = %scan3A_21 to %scan3A_23 step %scan3A_24 iter_args(%scan3A_45 = %scan3A_20) -> (i32)  : i32 {
      %add3A_46 = arith.constant 0 : i32
      %add3A_47 = arith.addi %add3A_46, %scan3A_44 : i32
      %mul3A_48 = arith.constant 128 : i32
      %mul3A_49 = arith.muli %add3A_47, %mul3A_48 : i32
      %get3A = arith.index_cast %mul3A_49 : i32 to index
      %get3A_50 = tpu.vector_load %arg9[%get3A] {strides = array<i32>} : memref<4096xf32, #tpu.memory_space<vmem>>, vector<16xf32>,
      %mul3A_51 = arith.constant 256 : i32
      %mul3A_52 = arith.muli %add3A_47, %mul3A_51 : i32
      %scan3A_53 = arith.constant 0 : i32
      %scan3A_54 = arith.constant 0 : i32
      %scan3A_55 = arith.constant 0 : i32
      %scan3A_56 = arith.constant 100 : i32
      %scan3A_57 = arith.addi %scan3A_55, %scan3A_56 : i32
      %scan3A_58 = arith.constant 1 : i32
      %scan3A_59:2 = scf.for %scan3A_77 = %scan3A_55 to %scan3A_57 step %scan3A_58 iter_args(%scan3A_78 = %scan3A_53, %scan3A_79 = %scan3A_54) -> (i32, i32)  : i32 {
        %mul3A_80 = arith.constant 100 : i32
        %mul3A_81 = arith.muli %scan3A_44, %mul3A_80 : i32
        %add3A_82 = arith.addi %mul3A_81, %scan3A_77 : i32
        %mul3A_83 = arith.constant 32 : i32
        %mul3A_84 = arith.muli %add3A_82, %mul3A_83 : i32
        %add3A_85 = arith.constant 0 : i32
        %add3A_86 = arith.addi %mul3A_84, %add3A_85 : i32
        %get3A_87 = arith.index_cast %add3A_86 : i32 to index
        %get3A_88 = tpu.vector_load %arg7[%get3A_87] {strides = array<i32>} : memref<51200xf32, #tpu.memory_space<vmem>>, vector<16xf32>,
        %get3A_89 = arith.index_cast %add3A_86 : i32 to index
        %get3A_90 = tpu.vector_load %arg8[%get3A_89] {strides = array<i32>} : memref<51200xi32, #tpu.memory_space<vmem>>, vector<16xi32>,
        %gt3A = arith.cmpf ogt, %get3A_88, %get3A_50 : vector<16xf32>
        %eq3A = arith.cmpf oeq, %get3A_88, %get3A_50 : vector<16xf32>
        %convert_element_type3A = arith.extui %gt3A : vector<16xi1> to vector<16xi32>
        %reduce_sum3A = arith.constant true
        %reduce_sum3A_91 = vector.broadcast %reduce_sum3A : i1 to vector<16xi1>
        %reduce_sum3A_92 = tpu.scan <sum>, %convert_element_type3A masked %reduce_sum3A_91 : vector<16xi32>, vector<16xi1> -> vector<16xi32>
        %reduce_sum3A_93 = vector.extract %reduce_sum3A_92[15] : i32 from vector<16xi32>
        %convert_element_type3A_94 = arith.extui %eq3A : vector<16xi1> to vector<16xi32>
        %reduce_sum3A_95 = arith.constant true
        %reduce_sum3A_96 = vector.broadcast %reduce_sum3A_95 : i1 to vector<16xi1>
        %reduce_sum3A_97 = tpu.scan <sum>, %convert_element_type3A_94 masked %reduce_sum3A_96 : vector<16xi32>, vector<16xi1> -> vector<16xi32>
        %reduce_sum3A_98 = vector.extract %reduce_sum3A_97[15] : i32 from vector<16xi32>
        %iota3A = tpu.iota {dimensions = array<i32: 0>} : vector<16xi32>
        %add3A_99 = arith.constant 16 : i32
        %add3A_100 = vector.broadcast %add3A_99 : i32 to vector<16xi32>
        %add3A_101 = arith.addi %iota3A, %add3A_100 : vector<16xi32>
        %select_n3A = arith.select %gt3A, %iota3A, %add3A_101 : vector<16xi1>, vector<16xi32>
        %add3A_102 = arith.constant 16 : i32
        %add3A_103 = vector.broadcast %add3A_102 : i32 to vector<16xi32>
        %add3A_104 = arith.addi %iota3A, %add3A_103 : vector<16xi32>
        %select_n3A_105 = arith.select %eq3A, %iota3A, %add3A_104 : vector<16xi1>, vector<16xi32>
        %masked_sort3A = arith.constant dense<true> : vector<16xi1>
        %masked_sort3A_106 = arith.constant -2147483648 : i32
        %masked_sort3A_107 = vector.broadcast %masked_sort3A_106 : i32 to vector<16xi32>
        %masked_sort3A_108 = arith.xori %select_n3A, %masked_sort3A_107 : vector<16xi32>
        %masked_sort3A_109, %masked_sort3A_110, %masked_sort3A_111 = tpu.sort %masked_sort3A_108, %get3A_88 masked %masked_sort3A : (vector<16xi32>, vector<16xf32>, vector<16xi1>) -> (vector<16xi1>, vector<16xi32>, vector<16xf32>)
        %masked_sort3A_112 = arith.xori %masked_sort3A_110, %masked_sort3A_107 : vector<16xi32>
        %add3A_113 = arith.addi %mul3A_52, %scan3A_78 : i32
        %swap3A_114 = arith.index_cast %add3A_113 : i32 to index
        %swap3A_115 = tpu.vector_load %arg10[%swap3A_114] {strides = array<i32>} : memref<8192xf32, #tpu.memory_space<vmem>>, vector<16xf32>,
        tpu.vector_store %arg10[%swap3A_114], %masked_sort3A_111 {strides = array<i32>} : memref<8192xf32, #tpu.memory_space<vmem>>, vector<16xf32>,
        %masked_sort3A_116 = arith.constant dense<true> : vector<16xi1>
        %masked_sort3A_117 = arith.constant -2147483648 : i32
        %masked_sort3A_118 = vector.broadcast %masked_sort3A_117 : i32 to vector<16xi32>
        %masked_sort3A_119 = arith.xori %select_n3A, %masked_sort3A_118 : vector<16xi32>
        %masked_sort3A_120, %masked_sort3A_121, %masked_sort3A_122 = tpu.sort %masked_sort3A_119, %get3A_90 masked %masked_sort3A_116 : (vector<16xi32>, vector<16xi32>, vector<16xi1>) -> (vector<16xi1>, vector<16xi32>, vector<16xi32>)
        %masked_sort3A_123 = arith.xori %masked_sort3A_121, %masked_sort3A_118 : vector<16xi32>
        %add3A_124 = arith.addi %mul3A_52, %scan3A_78 : i32
        %swap3A_125 = arith.index_cast %add3A_124 : i32 to index
        %swap3A_126 = tpu.vector_load %arg11[%swap3A_125] {strides = array<i32>} : memref<8192xi32, #tpu.memory_space<vmem>>, vector<16xi32>,
        tpu.vector_store %arg11[%swap3A_125], %masked_sort3A_122 {strides = array<i32>} : memref<8192xi32, #tpu.memory_space<vmem>>, vector<16xi32>,
        %masked_sort3A_127 = arith.constant dense<true> : vector<16xi1>
        %masked_sort3A_128 = arith.constant -2147483648 : i32
        %masked_sort3A_129 = vector.broadcast %masked_sort3A_128 : i32 to vector<16xi32>
        %masked_sort3A_130 = arith.xori %select_n3A_105, %masked_sort3A_129 : vector<16xi32>
        %masked_sort3A_131, %masked_sort3A_132, %masked_sort3A_133 = tpu.sort %masked_sort3A_130, %get3A_88 masked %masked_sort3A_127 : (vector<16xi32>, vector<16xf32>, vector<16xi1>) -> (vector<16xi1>, vector<16xi32>, vector<16xf32>)
        %masked_sort3A_134 = arith.xori %masked_sort3A_132, %masked_sort3A_129 : vector<16xi32>
        %add3A_135 = arith.constant 128 : i32
        %add3A_136 = arith.addi %mul3A_52, %add3A_135 : i32
        %add3A_137 = arith.addi %add3A_136, %scan3A_79 : i32
        %swap3A_138 = arith.index_cast %add3A_137 : i32 to index
        %swap3A_139 = tpu.vector_load %arg10[%swap3A_138] {strides = array<i32>} : memref<8192xf32, #tpu.memory_space<vmem>>, vector<16xf32>,
        tpu.vector_store %arg10[%swap3A_138], %masked_sort3A_133 {strides = array<i32>} : memref<8192xf32, #tpu.memory_space<vmem>>, vector<16xf32>,
        %masked_sort3A_140 = arith.constant dense<true> : vector<16xi1>
        %masked_sort3A_141 = arith.constant -2147483648 : i32
        %masked_sort3A_142 = vector.broadcast %masked_sort3A_141 : i32 to vector<16xi32>
        %masked_sort3A_143 = arith.xori %select_n3A_105, %masked_sort3A_142 : vector<16xi32>
        %masked_sort3A_144, %masked_sort3A_145, %masked_sort3A_146 = tpu.sort %masked_sort3A_143, %get3A_90 masked %masked_sort3A_140 : (vector<16xi32>, vector<16xi32>, vector<16xi1>) -> (vector<16xi1>, vector<16xi32>, vector<16xi32>)
        %masked_sort3A_147 = arith.xori %masked_sort3A_145, %masked_sort3A_142 : vector<16xi32>
        %add3A_148 = arith.constant 128 : i32
        %add3A_149 = arith.addi %mul3A_52, %add3A_148 : i32
        %add3A_150 = arith.addi %add3A_149, %scan3A_79 : i32
        %swap3A_151 = arith.index_cast %add3A_150 : i32 to index
        %swap3A_152 = tpu.vector_load %arg11[%swap3A_151] {strides = array<i32>} : memref<8192xi32, #tpu.memory_space<vmem>>, vector<16xi32>,
        tpu.vector_store %arg11[%swap3A_151], %masked_sort3A_146 {strides = array<i32>} : memref<8192xi32, #tpu.memory_space<vmem>>, vector<16xi32>,
        %add3A_153 = arith.addi %scan3A_78, %reduce_sum3A_93 : i32
        %min3A = arith.constant 112 : i32
        %min3A_154 = arith.minsi %add3A_153, %min3A : i32
        %add3A_155 = arith.addi %scan3A_79, %reduce_sum3A_98 : i32
        %min3A_156 = arith.constant 112 : i32
        %min3A_157 = arith.minsi %add3A_155, %min3A_156 : i32
        %mul3A_158 = arith.constant 100 : i32
        %mul3A_159 = arith.muli %scan3A_44, %mul3A_158 : i32
        %add3A_160 = arith.addi %mul3A_159, %scan3A_77 : i32
        %mul3A_161 = arith.constant 32 : i32
        %mul3A_162 = arith.muli %add3A_160, %mul3A_161 : i32
        %add3A_163 = arith.constant 16 : i32
        %add3A_164 = arith.addi %mul3A_162, %add3A_163 : i32
        %get3A_165 = arith.index_cast %add3A_164 : i32 to index
        %get3A_166 = tpu.vector_load %arg7[%get3A_165] {strides = array<i32>} : memref<51200xf32, #tpu.memory_space<vmem>>, vector<16xf32>,
        %get3A_167 = arith.index_cast %add3A_164 : i32 to index
        %get3A_168 = tpu.vector_load %arg8[%get3A_167] {strides = array<i32>} : memref<51200xi32, #tpu.memory_space<vmem>>, vector<16xi32>,
        %gt3A_169 = arith.cmpf ogt, %get3A_166, %get3A_50 : vector<16xf32>
        %eq3A_170 = arith.cmpf oeq, %get3A_166, %get3A_50 : vector<16xf32>
        %convert_element_type3A_171 = arith.extui %gt3A_169 : vector<16xi1> to vector<16xi32>
        %reduce_sum3A_172 = arith.constant true
        %reduce_sum3A_173 = vector.broadcast %reduce_sum3A_172 : i1 to vector<16xi1>
        %reduce_sum3A_174 = tpu.scan <sum>, %convert_element_type3A_171 masked %reduce_sum3A_173 : vector<16xi32>, vector<16xi1> -> vector<16xi32>
        %reduce_sum3A_175 = vector.extract %reduce_sum3A_174[15] : i32 from vector<16xi32>
        %convert_element_type3A_176 = arith.extui %eq3A_170 : vector<16xi1> to vector<16xi32>
        %reduce_sum3A_177 = arith.constant true
        %reduce_sum3A_178 = vector.broadcast %reduce_sum3A_177 : i1 to vector<16xi1>
        %reduce_sum3A_179 = tpu.scan <sum>, %convert_element_type3A_176 masked %reduce_sum3A_178 : vector<16xi32>, vector<16xi1> -> vector<16xi32>
        %reduce_sum3A_180 = vector.extract %reduce_sum3A_179[15] : i32 from vector<16xi32>
        %iota3A_181 = tpu.iota {dimensions = array<i32: 0>} : vector<16xi32>
        %add3A_182 = arith.constant 16 : i32
        %add3A_183 = vector.broadcast %add3A_182 : i32 to vector<16xi32>
        %add3A_184 = arith.addi %iota3A_181, %add3A_183 : vector<16xi32>
        %select_n3A_185 = arith.select %gt3A_169, %iota3A_181, %add3A_184 : vector<16xi1>, vector<16xi32>
        %add3A_186 = arith.constant 16 : i32
        %add3A_187 = vector.broadcast %add3A_186 : i32 to vector<16xi32>
        %add3A_188 = arith.addi %iota3A_181, %add3A_187 : vector<16xi32>
        %select_n3A_189 = arith.select %eq3A_170, %iota3A_181, %add3A_188 : vector<16xi1>, vector<16xi32>
        %masked_sort3A_190 = arith.constant dense<true> : vector<16xi1>
        %masked_sort3A_191 = arith.constant -2147483648 : i32
        %masked_sort3A_192 = vector.broadcast %masked_sort3A_191 : i32 to vector<16xi32>
        %masked_sort3A_193 = arith.xori %select_n3A_185, %masked_sort3A_192 : vector<16xi32>
        %masked_sort3A_194, %masked_sort3A_195, %masked_sort3A_196 = tpu.sort %masked_sort3A_193, %get3A_166 masked %masked_sort3A_190 : (vector<16xi32>, vector<16xf32>, vector<16xi1>) -> (vector<16xi1>, vector<16xi32>, vector<16xf32>)
        %masked_sort3A_197 = arith.xori %masked_sort3A_195, %masked_sort3A_192 : vector<16xi32>
        %add3A_198 = arith.addi %mul3A_52, %min3A_154 : i32
        %swap3A_199 = arith.index_cast %add3A_198 : i32 to index
        %swap3A_200 = tpu.vector_load %arg10[%swap3A_199] {strides = array<i32>} : memref<8192xf32, #tpu.memory_space<vmem>>, vector<16xf32>,
        tpu.vector_store %arg10[%swap3A_199], %masked_sort3A_196 {strides = array<i32>} : memref<8192xf32, #tpu.memory_space<vmem>>, vector<16xf32>,
        %masked_sort3A_201 = arith.constant dense<true> : vector<16xi1>
        %masked_sort3A_202 = arith.constant -2147483648 : i32
        %masked_sort3A_203 = vector.broadcast %masked_sort3A_202 : i32 to vector<16xi32>
        %masked_sort3A_204 = arith.xori %select_n3A_185, %masked_sort3A_203 : vector<16xi32>
        %masked_sort3A_205, %masked_sort3A_206, %masked_sort3A_207 = tpu.sort %masked_sort3A_204, %get3A_168 masked %masked_sort3A_201 : (vector<16xi32>, vector<16xi32>, vector<16xi1>) -> (vector<16xi1>, vector<16xi32>, vector<16xi32>)
        %masked_sort3A_208 = arith.xori %masked_sort3A_206, %masked_sort3A_203 : vector<16xi32>
        %add3A_209 = arith.addi %mul3A_52, %min3A_154 : i32
        %swap3A_210 = arith.index_cast %add3A_209 : i32 to index
        %swap3A_211 = tpu.vector_load %arg11[%swap3A_210] {strides = array<i32>} : memref<8192xi32, #tpu.memory_space<vmem>>, vector<16xi32>,
        tpu.vector_store %arg11[%swap3A_210], %masked_sort3A_207 {strides = array<i32>} : memref<8192xi32, #tpu.memory_space<vmem>>, vector<16xi32>,
        %masked_sort3A_212 = arith.constant dense<true> : vector<16xi1>
        %masked_sort3A_213 = arith.constant -2147483648 : i32
        %masked_sort3A_214 = vector.broadcast %masked_sort3A_213 : i32 to vector<16xi32>
        %masked_sort3A_215 = arith.xori %select_n3A_189, %masked_sort3A_214 : vector<16xi32>
        %masked_sort3A_216, %masked_sort3A_217, %masked_sort3A_218 = tpu.sort %masked_sort3A_215, %get3A_166 masked %masked_sort3A_212 : (vector<16xi32>, vector<16xf32>, vector<16xi1>) -> (vector<16xi1>, vector<16xi32>, vector<16xf32>)
        %masked_sort3A_219 = arith.xori %masked_sort3A_217, %masked_sort3A_214 : vector<16xi32>
        %add3A_220 = arith.constant 128 : i32
        %add3A_221 = arith.addi %mul3A_52, %add3A_220 : i32
        %add3A_222 = arith.addi %add3A_221, %min3A_157 : i32
        %swap3A_223 = arith.index_cast %add3A_222 : i32 to index
        %swap3A_224 = tpu.vector_load %arg10[%swap3A_223] {strides = array<i32>} : memref<8192xf32, #tpu.memory_space<vmem>>, vector<16xf32>,
        tpu.vector_store %arg10[%swap3A_223], %masked_sort3A_218 {strides = array<i32>} : memref<8192xf32, #tpu.memory_space<vmem>>, vector<16xf32>,
        %masked_sort3A_225 = arith.constant dense<true> : vector<16xi1>
        %masked_sort3A_226 = arith.constant -2147483648 : i32
        %masked_sort3A_227 = vector.broadcast %masked_sort3A_226 : i32 to vector<16xi32>
        %masked_sort3A_228 = arith.xori %select_n3A_189, %masked_sort3A_227 : vector<16xi32>
        %masked_sort3A_229, %masked_sort3A_230, %masked_sort3A_231 = tpu.sort %masked_sort3A_228, %get3A_168 masked %masked_sort3A_225 : (vector<16xi32>, vector<16xi32>, vector<16xi1>) -> (vector<16xi1>, vector<16xi32>, vector<16xi32>)
        %masked_sort3A_232 = arith.xori %masked_sort3A_230, %masked_sort3A_227 : vector<16xi32>
        %add3A_233 = arith.constant 128 : i32
        %add3A_234 = arith.addi %mul3A_52, %add3A_233 : i32
        %add3A_235 = arith.addi %add3A_234, %min3A_157 : i32
        %swap3A_236 = arith.index_cast %add3A_235 : i32 to index
        %swap3A_237 = tpu.vector_load %arg11[%swap3A_236] {strides = array<i32>} : memref<8192xi32, #tpu.memory_space<vmem>>, vector<16xi32>,
        tpu.vector_store %arg11[%swap3A_236], %masked_sort3A_231 {strides = array<i32>} : memref<8192xi32, #tpu.memory_space<vmem>>, vector<16xi32>,
        %add3A_238 = arith.addi %min3A_154, %reduce_sum3A_175 : i32
        %min3A_239 = arith.constant 112 : i32
        %min3A_240 = arith.minsi %add3A_238, %min3A_239 : i32
        %add3A_241 = arith.addi %min3A_157, %reduce_sum3A_180 : i32
        %min3A_242 = arith.constant 112 : i32
        %min3A_243 = arith.minsi %add3A_241, %min3A_242 : i32
        scf.yield %min3A_240, %min3A_243 : i32, i32
      }
      %scan3A_60 = arith.constant 100 : i32
      %add3A_61 = arith.addi %mul3A_52, %scan3A_59#0 : i32
      %swap3A = arith.index_cast %add3A_61 : i32 to index
      %swap3A_62 = tpu.vector_load %arg10[%swap3A] {strides = array<i32>} : memref<8192xf32, #tpu.memory_space<vmem>>, vector<16xf32>,
      tpu.vector_store %arg10[%swap3A], %broadcast_in_dim3A_5 {strides = array<i32>} : memref<8192xf32, #tpu.memory_space<vmem>>, vector<16xf32>,
      %add3A_63 = arith.addi %mul3A_52, %scan3A_59#0 : i32
      %swap3A_64 = arith.index_cast %add3A_63 : i32 to index
      %swap3A_65 = tpu.vector_load %arg11[%swap3A_64] {strides = array<i32>} : memref<8192xi32, #tpu.memory_space<vmem>>, vector<16xi32>,
      tpu.vector_store %arg11[%swap3A_64], %broadcast_in_dim3A_7 {strides = array<i32>} : memref<8192xi32, #tpu.memory_space<vmem>>, vector<16xi32>,
      %add3A_66 = arith.constant 128 : i32
      %add3A_67 = arith.addi %mul3A_52, %add3A_66 : i32
      %add3A_68 = arith.addi %add3A_67, %scan3A_59#1 : i32
      %swap3A_69 = arith.index_cast %add3A_68 : i32 to index
      %swap3A_70 = tpu.vector_load %arg10[%swap3A_69] {strides = array<i32>} : memref<8192xf32, #tpu.memory_space<vmem>>, vector<16xf32>,
      tpu.vector_store %arg10[%swap3A_69], %broadcast_in_dim3A_5 {strides = array<i32>} : memref<8192xf32, #tpu.memory_space<vmem>>, vector<16xf32>,
      %add3A_71 = arith.constant 128 : i32
      %add3A_72 = arith.addi %mul3A_52, %add3A_71 : i32
      %add3A_73 = arith.addi %add3A_72, %scan3A_59#1 : i32
      %swap3A_74 = arith.index_cast %add3A_73 : i32 to index
      %swap3A_75 = tpu.vector_load %arg11[%swap3A_74] {strides = array<i32>} : memref<8192xi32, #tpu.memory_space<vmem>>, vector<16xi32>,
      tpu.vector_store %arg11[%swap3A_74], %broadcast_in_dim3A_7 {strides = array<i32>} : memref<8192xi32, #tpu.memory_space<vmem>>, vector<16xi32>,
      %scan3A_76 = arith.constant 0 : i32
      scf.yield %scan3A_76 : i32
    }
    %scan3A_26 = arith.constant 16 : i32
    %add3A_27 = arith.constant 16 : i32
    %add3A_28 = arith.addi %mul3A_2, %add3A_27 : i32
    %mul3A_29 = arith.constant 100 : i32
    %mul3A_30 = arith.muli %add3A_28, %mul3A_29 : i32
    %mul3A_31 = arith.constant 32 : i32
    %mul3A_32 = arith.muli %mul3A_30, %mul3A_31 : i32
    "tpu.region"() ({
      %run_scoped3A = tpu.sem_alloc : memref<!tpu.dma_semaphore, #tpu.memory_space<semaphore_mem>>
      %dma_start3A = tpu.memref_slice %arg2[%mul3A_32] : memref<3276800xf32, #tpu.memory_space<hbm>> -> memref<51200xf32, #tpu.memory_space<hbm>>
      %dma_start3A_44 = tpu.memref_slice %arg2[%mul3A_32] : memref<3276800xf32, #tpu.memory_space<hbm>> -> memref<51200xf32, #tpu.memory_space<hbm>>
      tpu.enqueue_dma source(%dma_start3A_44 : memref<51200xf32, #tpu.memory_space<hbm>>) target(%arg7 : memref<51200xf32, #tpu.memory_space<vmem>>) target_semaphore(%run_scoped3A : memref<!tpu.dma_semaphore, #tpu.memory_space<semaphore_mem>>)
      %dma_wait3A = tpu.memref_slice %arg2[%mul3A_32] : memref<3276800xf32, #tpu.memory_space<hbm>> -> memref<51200xf32, #tpu.memory_space<hbm>>
      %dma_wait3A_45 = tpu.memref_slice %arg2[%mul3A_32] : memref<3276800xf32, #tpu.memory_space<hbm>> -> memref<51200xf32, #tpu.memory_space<hbm>>
      tpu.wait_dma2 semaphore(%run_scoped3A : memref<!tpu.dma_semaphore, #tpu.memory_space<semaphore_mem>>) src(%dma_wait3A_45 : memref<51200xf32, #tpu.memory_space<hbm>>) dst(%arg7 : memref<51200xf32, #tpu.memory_space<vmem>>)
      tpu.yield
    }) : () -> ()
    "tpu.region"() ({
      %run_scoped3A = tpu.sem_alloc : memref<!tpu.dma_semaphore, #tpu.memory_space<semaphore_mem>>
      %dma_start3A = tpu.memref_slice %arg3[%mul3A_32] : memref<3276800xi32, #tpu.memory_space<hbm>> -> memref<51200xi32, #tpu.memory_space<hbm>>
      %dma_start3A_44 = tpu.memref_slice %arg3[%mul3A_32] : memref<3276800xi32, #tpu.memory_space<hbm>> -> memref<51200xi32, #tpu.memory_space<hbm>>
      tpu.enqueue_dma source(%dma_start3A_44 : memref<51200xi32, #tpu.memory_space<hbm>>) target(%arg8 : memref<51200xi32, #tpu.memory_space<vmem>>) target_semaphore(%run_scoped3A : memref<!tpu.dma_semaphore, #tpu.memory_space<semaphore_mem>>)
      %dma_wait3A = tpu.memref_slice %arg3[%mul3A_32] : memref<3276800xi32, #tpu.memory_space<hbm>> -> memref<51200xi32, #tpu.memory_space<hbm>>
      %dma_wait3A_45 = tpu.memref_slice %arg3[%mul3A_32] : memref<3276800xi32, #tpu.memory_space<hbm>> -> memref<51200xi32, #tpu.memory_space<hbm>>
      tpu.wait_dma2 semaphore(%run_scoped3A : memref<!tpu.dma_semaphore, #tpu.memory_space<semaphore_mem>>) src(%dma_wait3A_45 : memref<51200xi32, #tpu.memory_space<hbm>>) dst(%arg8 : memref<51200xi32, #tpu.memory_space<vmem>>)
      tpu.yield
    }) : () -> ()
    %scan3A_33 = arith.constant 0 : i32
    %scan3A_34 = arith.constant 0 : i32
    %scan3A_35 = arith.constant 16 : i32
    %scan3A_36 = arith.addi %scan3A_34, %scan3A_35 : i32
    %scan3A_37 = arith.constant 1 : i32
    %scan3A_38 = scf.for %scan3A_44 = %scan3A_34 to %scan3A_36 step %scan3A_37 iter_args(%scan3A_45 = %scan3A_33) -> (i32)  : i32 {
      %add3A_46 = arith.constant 16 : i32
      %add3A_47 = arith.addi %add3A_46, %scan3A_44 : i32
      %mul3A_48 = arith.constant 128 : i32
      %mul3A_49 = arith.muli %add3A_47, %mul3A_48 : i32
      %get3A = arith.index_cast %mul3A_49 : i32 to index
      %get3A_50 = tpu.vector_load %arg9[%get3A] {strides = array<i32>} : memref<4096xf32, #tpu.memory_space<vmem>>, vector<16xf32>,
      %mul3A_51 = arith.constant 256 : i32
      %mul3A_52 = arith.muli %add3A_47, %mul3A_51 : i32
      %scan3A_53 = arith.constant 0 : i32
      %scan3A_54 = arith.constant 0 : i32
      %scan3A_55 = arith.constant 0 : i32
      %scan3A_56 = arith.constant 100 : i32
      %scan3A_57 = arith.addi %scan3A_55, %scan3A_56 : i32
      %scan3A_58 = arith.constant 1 : i32
      %scan3A_59:2 = scf.for %scan3A_77 = %scan3A_55 to %scan3A_57 step %scan3A_58 iter_args(%scan3A_78 = %scan3A_53, %scan3A_79 = %scan3A_54) -> (i32, i32)  : i32 {
        %mul3A_80 = arith.constant 100 : i32
        %mul3A_81 = arith.muli %scan3A_44, %mul3A_80 : i32
        %add3A_82 = arith.addi %mul3A_81, %scan3A_77 : i32
        %mul3A_83 = arith.constant 32 : i32
        %mul3A_84 = arith.muli %add3A_82, %mul3A_83 : i32
        %add3A_85 = arith.constant 0 : i32
        %add3A_86 = arith.addi %mul3A_84, %add3A_85 : i32
        %get3A_87 = arith.index_cast %add3A_86 : i32 to index
        %get3A_88 = tpu.vector_load %arg7[%get3A_87] {strides = array<i32>} : memref<51200xf32, #tpu.memory_space<vmem>>, vector<16xf32>,
        %get3A_89 = arith.index_cast %add3A_86 : i32 to index
        %get3A_90 = tpu.vector_load %arg8[%get3A_89] {strides = array<i32>} : memref<51200xi32, #tpu.memory_space<vmem>>, vector<16xi32>,
        %gt3A = arith.cmpf ogt, %get3A_88, %get3A_50 : vector<16xf32>
        %eq3A = arith.cmpf oeq, %get3A_88, %get3A_50 : vector<16xf32>
        %convert_element_type3A = arith.extui %gt3A : vector<16xi1> to vector<16xi32>
        %reduce_sum3A = arith.constant true
        %reduce_sum3A_91 = vector.broadcast %reduce_sum3A : i1 to vector<16xi1>
        %reduce_sum3A_92 = tpu.scan <sum>, %convert_element_type3A masked %reduce_sum3A_91 : vector<16xi32>, vector<16xi1> -> vector<16xi32>
        %reduce_sum3A_93 = vector.extract %reduce_sum3A_92[15] : i32 from vector<16xi32>
        %convert_element_type3A_94 = arith.extui %eq3A : vector<16xi1> to vector<16xi32>
        %reduce_sum3A_95 = arith.constant true
        %reduce_sum3A_96 = vector.broadcast %reduce_sum3A_95 : i1 to vector<16xi1>
        %reduce_sum3A_97 = tpu.scan <sum>, %convert_element_type3A_94 masked %reduce_sum3A_96 : vector<16xi32>, vector<16xi1> -> vector<16xi32>
        %reduce_sum3A_98 = vector.extract %reduce_sum3A_97[15] : i32 from vector<16xi32>
        %iota3A = tpu.iota {dimensions = array<i32: 0>} : vector<16xi32>
        %add3A_99 = arith.constant 16 : i32
        %add3A_100 = vector.broadcast %add3A_99 : i32 to vector<16xi32>
        %add3A_101 = arith.addi %iota3A, %add3A_100 : vector<16xi32>
        %select_n3A = arith.select %gt3A, %iota3A, %add3A_101 : vector<16xi1>, vector<16xi32>
        %add3A_102 = arith.constant 16 : i32
        %add3A_103 = vector.broadcast %add3A_102 : i32 to vector<16xi32>
        %add3A_104 = arith.addi %iota3A, %add3A_103 : vector<16xi32>
        %select_n3A_105 = arith.select %eq3A, %iota3A, %add3A_104 : vector<16xi1>, vector<16xi32>
        %masked_sort3A = arith.constant dense<true> : vector<16xi1>
        %masked_sort3A_106 = arith.constant -2147483648 : i32
        %masked_sort3A_107 = vector.broadcast %masked_sort3A_106 : i32 to vector<16xi32>
        %masked_sort3A_108 = arith.xori %select_n3A, %masked_sort3A_107 : vector<16xi32>
        %masked_sort3A_109, %masked_sort3A_110, %masked_sort3A_111 = tpu.sort %masked_sort3A_108, %get3A_88 masked %masked_sort3A : (vector<16xi32>, vector<16xf32>, vector<16xi1>) -> (vector<16xi1>, vector<16xi32>, vector<16xf32>)
        %masked_sort3A_112 = arith.xori %masked_sort3A_110, %masked_sort3A_107 : vector<16xi32>
        %add3A_113 = arith.addi %mul3A_52, %scan3A_78 : i32
        %swap3A_114 = arith.index_cast %add3A_113 : i32 to index
        %swap3A_115 = tpu.vector_load %arg10[%swap3A_114] {strides = array<i32>} : memref<8192xf32, #tpu.memory_space<vmem>>, vector<16xf32>,
        tpu.vector_store %arg10[%swap3A_114], %masked_sort3A_111 {strides = array<i32>} : memref<8192xf32, #tpu.memory_space<vmem>>, vector<16xf32>,
        %masked_sort3A_116 = arith.constant dense<true> : vector<16xi1>
        %masked_sort3A_117 = arith.constant -2147483648 : i32
        %masked_sort3A_118 = vector.broadcast %masked_sort3A_117 : i32 to vector<16xi32>
        %masked_sort3A_119 = arith.xori %select_n3A, %masked_sort3A_118 : vector<16xi32>
        %masked_sort3A_120, %masked_sort3A_121, %masked_sort3A_122 = tpu.sort %masked_sort3A_119, %get3A_90 masked %masked_sort3A_116 : (vector<16xi32>, vector<16xi32>, vector<16xi1>) -> (vector<16xi1>, vector<16xi32>, vector<16xi32>)
        %masked_sort3A_123 = arith.xori %masked_sort3A_121, %masked_sort3A_118 : vector<16xi32>
        %add3A_124 = arith.addi %mul3A_52, %scan3A_78 : i32
        %swap3A_125 = arith.index_cast %add3A_124 : i32 to index
        %swap3A_126 = tpu.vector_load %arg11[%swap3A_125] {strides = array<i32>} : memref<8192xi32, #tpu.memory_space<vmem>>, vector<16xi32>,
        tpu.vector_store %arg11[%swap3A_125], %masked_sort3A_122 {strides = array<i32>} : memref<8192xi32, #tpu.memory_space<vmem>>, vector<16xi32>,
        %masked_sort3A_127 = arith.constant dense<true> : vector<16xi1>
        %masked_sort3A_128 = arith.constant -2147483648 : i32
        %masked_sort3A_129 = vector.broadcast %masked_sort3A_128 : i32 to vector<16xi32>
        %masked_sort3A_130 = arith.xori %select_n3A_105, %masked_sort3A_129 : vector<16xi32>
        %masked_sort3A_131, %masked_sort3A_132, %masked_sort3A_133 = tpu.sort %masked_sort3A_130, %get3A_88 masked %masked_sort3A_127 : (vector<16xi32>, vector<16xf32>, vector<16xi1>) -> (vector<16xi1>, vector<16xi32>, vector<16xf32>)
        %masked_sort3A_134 = arith.xori %masked_sort3A_132, %masked_sort3A_129 : vector<16xi32>
        %add3A_135 = arith.constant 128 : i32
        %add3A_136 = arith.addi %mul3A_52, %add3A_135 : i32
        %add3A_137 = arith.addi %add3A_136, %scan3A_79 : i32
        %swap3A_138 = arith.index_cast %add3A_137 : i32 to index
        %swap3A_139 = tpu.vector_load %arg10[%swap3A_138] {strides = array<i32>} : memref<8192xf32, #tpu.memory_space<vmem>>, vector<16xf32>,
        tpu.vector_store %arg10[%swap3A_138], %masked_sort3A_133 {strides = array<i32>} : memref<8192xf32, #tpu.memory_space<vmem>>, vector<16xf32>,
        %masked_sort3A_140 = arith.constant dense<true> : vector<16xi1>
        %masked_sort3A_141 = arith.constant -2147483648 : i32
        %masked_sort3A_142 = vector.broadcast %masked_sort3A_141 : i32 to vector<16xi32>
        %masked_sort3A_143 = arith.xori %select_n3A_105, %masked_sort3A_142 : vector<16xi32>
        %masked_sort3A_144, %masked_sort3A_145, %masked_sort3A_146 = tpu.sort %masked_sort3A_143, %get3A_90 masked %masked_sort3A_140 : (vector<16xi32>, vector<16xi32>, vector<16xi1>) -> (vector<16xi1>, vector<16xi32>, vector<16xi32>)
        %masked_sort3A_147 = arith.xori %masked_sort3A_145, %masked_sort3A_142 : vector<16xi32>
        %add3A_148 = arith.constant 128 : i32
        %add3A_149 = arith.addi %mul3A_52, %add3A_148 : i32
        %add3A_150 = arith.addi %add3A_149, %scan3A_79 : i32
        %swap3A_151 = arith.index_cast %add3A_150 : i32 to index
        %swap3A_152 = tpu.vector_load %arg11[%swap3A_151] {strides = array<i32>} : memref<8192xi32, #tpu.memory_space<vmem>>, vector<16xi32>,
        tpu.vector_store %arg11[%swap3A_151], %masked_sort3A_146 {strides = array<i32>} : memref<8192xi32, #tpu.memory_space<vmem>>, vector<16xi32>,
        %add3A_153 = arith.addi %scan3A_78, %reduce_sum3A_93 : i32
        %min3A = arith.constant 112 : i32
        %min3A_154 = arith.minsi %add3A_153, %min3A : i32
        %add3A_155 = arith.addi %scan3A_79, %reduce_sum3A_98 : i32
        %min3A_156 = arith.constant 112 : i32
        %min3A_157 = arith.minsi %add3A_155, %min3A_156 : i32
        %mul3A_158 = arith.constant 100 : i32
        %mul3A_159 = arith.muli %scan3A_44, %mul3A_158 : i32
        %add3A_160 = arith.addi %mul3A_159, %scan3A_77 : i32
        %mul3A_161 = arith.constant 32 : i32
        %mul3A_162 = arith.muli %add3A_160, %mul3A_161 : i32
        %add3A_163 = arith.constant 16 : i32
        %add3A_164 = arith.addi %mul3A_162, %add3A_163 : i32
        %get3A_165 = arith.index_cast %add3A_164 : i32 to index
        %get3A_166 = tpu.vector_load %arg7[%get3A_165] {strides = array<i32>} : memref<51200xf32, #tpu.memory_space<vmem>>, vector<16xf32>,
        %get3A_167 = arith.index_cast %add3A_164 : i32 to index
        %get3A_168 = tpu.vector_load %arg8[%get3A_167] {strides = array<i32>} : memref<51200xi32, #tpu.memory_space<vmem>>, vector<16xi32>,
        %gt3A_169 = arith.cmpf ogt, %get3A_166, %get3A_50 : vector<16xf32>
        %eq3A_170 = arith.cmpf oeq, %get3A_166, %get3A_50 : vector<16xf32>
        %convert_element_type3A_171 = arith.extui %gt3A_169 : vector<16xi1> to vector<16xi32>
        %reduce_sum3A_172 = arith.constant true
        %reduce_sum3A_173 = vector.broadcast %reduce_sum3A_172 : i1 to vector<16xi1>
        %reduce_sum3A_174 = tpu.scan <sum>, %convert_element_type3A_171 masked %reduce_sum3A_173 : vector<16xi32>, vector<16xi1> -> vector<16xi32>
        %reduce_sum3A_175 = vector.extract %reduce_sum3A_174[15] : i32 from vector<16xi32>
        %convert_element_type3A_176 = arith.extui %eq3A_170 : vector<16xi1> to vector<16xi32>
        %reduce_sum3A_177 = arith.constant true
        %reduce_sum3A_178 = vector.broadcast %reduce_sum3A_177 : i1 to vector<16xi1>
        %reduce_sum3A_179 = tpu.scan <sum>, %convert_element_type3A_176 masked %reduce_sum3A_178 : vector<16xi32>, vector<16xi1> -> vector<16xi32>
        %reduce_sum3A_180 = vector.extract %reduce_sum3A_179[15] : i32 from vector<16xi32>
        %iota3A_181 = tpu.iota {dimensions = array<i32: 0>} : vector<16xi32>
        %add3A_182 = arith.constant 16 : i32
        %add3A_183 = vector.broadcast %add3A_182 : i32 to vector<16xi32>
        %add3A_184 = arith.addi %iota3A_181, %add3A_183 : vector<16xi32>
        %select_n3A_185 = arith.select %gt3A_169, %iota3A_181, %add3A_184 : vector<16xi1>, vector<16xi32>
        %add3A_186 = arith.constant 16 : i32
        %add3A_187 = vector.broadcast %add3A_186 : i32 to vector<16xi32>
        %add3A_188 = arith.addi %iota3A_181, %add3A_187 : vector<16xi32>
        %select_n3A_189 = arith.select %eq3A_170, %iota3A_181, %add3A_188 : vector<16xi1>, vector<16xi32>
        %masked_sort3A_190 = arith.constant dense<true> : vector<16xi1>
        %masked_sort3A_191 = arith.constant -2147483648 : i32
        %masked_sort3A_192 = vector.broadcast %masked_sort3A_191 : i32 to vector<16xi32>
        %masked_sort3A_193 = arith.xori %select_n3A_185, %masked_sort3A_192 : vector<16xi32>
        %masked_sort3A_194, %masked_sort3A_195, %masked_sort3A_196 = tpu.sort %masked_sort3A_193, %get3A_166 masked %masked_sort3A_190 : (vector<16xi32>, vector<16xf32>, vector<16xi1>) -> (vector<16xi1>, vector<16xi32>, vector<16xf32>)
        %masked_sort3A_197 = arith.xori %masked_sort3A_195, %masked_sort3A_192 : vector<16xi32>
        %add3A_198 = arith.addi %mul3A_52, %min3A_154 : i32
        %swap3A_199 = arith.index_cast %add3A_198 : i32 to index
        %swap3A_200 = tpu.vector_load %arg10[%swap3A_199] {strides = array<i32>} : memref<8192xf32, #tpu.memory_space<vmem>>, vector<16xf32>,
        tpu.vector_store %arg10[%swap3A_199], %masked_sort3A_196 {strides = array<i32>} : memref<8192xf32, #tpu.memory_space<vmem>>, vector<16xf32>,
        %masked_sort3A_201 = arith.constant dense<true> : vector<16xi1>
        %masked_sort3A_202 = arith.constant -2147483648 : i32
        %masked_sort3A_203 = vector.broadcast %masked_sort3A_202 : i32 to vector<16xi32>
        %masked_sort3A_204 = arith.xori %select_n3A_185, %masked_sort3A_203 : vector<16xi32>
        %masked_sort3A_205, %masked_sort3A_206, %masked_sort3A_207 = tpu.sort %masked_sort3A_204, %get3A_168 masked %masked_sort3A_201 : (vector<16xi32>, vector<16xi32>, vector<16xi1>) -> (vector<16xi1>, vector<16xi32>, vector<16xi32>)
        %masked_sort3A_208 = arith.xori %masked_sort3A_206, %masked_sort3A_203 : vector<16xi32>
        %add3A_209 = arith.addi %mul3A_52, %min3A_154 : i32
        %swap3A_210 = arith.index_cast %add3A_209 : i32 to index
        %swap3A_211 = tpu.vector_load %arg11[%swap3A_210] {strides = array<i32>} : memref<8192xi32, #tpu.memory_space<vmem>>, vector<16xi32>,
        tpu.vector_store %arg11[%swap3A_210], %masked_sort3A_207 {strides = array<i32>} : memref<8192xi32, #tpu.memory_space<vmem>>, vector<16xi32>,
        %masked_sort3A_212 = arith.constant dense<true> : vector<16xi1>
        %masked_sort3A_213 = arith.constant -2147483648 : i32
        %masked_sort3A_214 = vector.broadcast %masked_sort3A_213 : i32 to vector<16xi32>
        %masked_sort3A_215 = arith.xori %select_n3A_189, %masked_sort3A_214 : vector<16xi32>
        %masked_sort3A_216, %masked_sort3A_217, %masked_sort3A_218 = tpu.sort %masked_sort3A_215, %get3A_166 masked %masked_sort3A_212 : (vector<16xi32>, vector<16xf32>, vector<16xi1>) -> (vector<16xi1>, vector<16xi32>, vector<16xf32>)
        %masked_sort3A_219 = arith.xori %masked_sort3A_217, %masked_sort3A_214 : vector<16xi32>
        %add3A_220 = arith.constant 128 : i32
        %add3A_221 = arith.addi %mul3A_52, %add3A_220 : i32
        %add3A_222 = arith.addi %add3A_221, %min3A_157 : i32
        %swap3A_223 = arith.index_cast %add3A_222 : i32 to index
        %swap3A_224 = tpu.vector_load %arg10[%swap3A_223] {strides = array<i32>} : memref<8192xf32, #tpu.memory_space<vmem>>, vector<16xf32>,
        tpu.vector_store %arg10[%swap3A_223], %masked_sort3A_218 {strides = array<i32>} : memref<8192xf32, #tpu.memory_space<vmem>>, vector<16xf32>,
        %masked_sort3A_225 = arith.constant dense<true> : vector<16xi1>
        %masked_sort3A_226 = arith.constant -2147483648 : i32
        %masked_sort3A_227 = vector.broadcast %masked_sort3A_226 : i32 to vector<16xi32>
        %masked_sort3A_228 = arith.xori %select_n3A_189, %masked_sort3A_227 : vector<16xi32>
        %masked_sort3A_229, %masked_sort3A_230, %masked_sort3A_231 = tpu.sort %masked_sort3A_228, %get3A_168 masked %masked_sort3A_225 : (vector<16xi32>, vector<16xi32>, vector<16xi1>) -> (vector<16xi1>, vector<16xi32>, vector<16xi32>)
        %masked_sort3A_232 = arith.xori %masked_sort3A_230, %masked_sort3A_227 : vector<16xi32>
        %add3A_233 = arith.constant 128 : i32
        %add3A_234 = arith.addi %mul3A_52, %add3A_233 : i32
        %add3A_235 = arith.addi %add3A_234, %min3A_157 : i32
        %swap3A_236 = arith.index_cast %add3A_235 : i32 to index
        %swap3A_237 = tpu.vector_load %arg11[%swap3A_236] {strides = array<i32>} : memref<8192xi32, #tpu.memory_space<vmem>>, vector<16xi32>,
        tpu.vector_store %arg11[%swap3A_236], %masked_sort3A_231 {strides = array<i32>} : memref<8192xi32, #tpu.memory_space<vmem>>, vector<16xi32>,
        %add3A_238 = arith.addi %min3A_154, %reduce_sum3A_175 : i32
        %min3A_239 = arith.constant 112 : i32
        %min3A_240 = arith.minsi %add3A_238, %min3A_239 : i32
        %add3A_241 = arith.addi %min3A_157, %reduce_sum3A_180 : i32
        %min3A_242 = arith.constant 112 : i32
        %min3A_243 = arith.minsi %add3A_241, %min3A_242 : i32
        scf.yield %min3A_240, %min3A_243 : i32, i32
      }
      %scan3A_60 = arith.constant 100 : i32
      %add3A_61 = arith.addi %mul3A_52, %scan3A_59#0 : i32
      %swap3A = arith.index_cast %add3A_61 : i32 to index
      %swap3A_62 = tpu.vector_load %arg10[%swap3A] {strides = array<i32>} : memref<8192xf32, #tpu.memory_space<vmem>>, vector<16xf32>,
      tpu.vector_store %arg10[%swap3A], %broadcast_in_dim3A_5 {strides = array<i32>} : memref<8192xf32, #tpu.memory_space<vmem>>, vector<16xf32>,
      %add3A_63 = arith.addi %mul3A_52, %scan3A_59#0 : i32
      %swap3A_64 = arith.index_cast %add3A_63 : i32 to index
      %swap3A_65 = tpu.vector_load %arg11[%swap3A_64] {strides = array<i32>} : memref<8192xi32, #tpu.memory_space<vmem>>, vector<16xi32>,
      tpu.vector_store %arg11[%swap3A_64], %broadcast_in_dim3A_7 {strides = array<i32>} : memref<8192xi32, #tpu.memory_space<vmem>>, vector<16xi32>,
      %add3A_66 = arith.constant 128 : i32
      %add3A_67 = arith.addi %mul3A_52, %add3A_66 : i32
      %add3A_68 = arith.addi %add3A_67, %scan3A_59#1 : i32
      %swap3A_69 = arith.index_cast %add3A_68 : i32 to index
      %swap3A_70 = tpu.vector_load %arg10[%swap3A_69] {strides = array<i32>} : memref<8192xf32, #tpu.memory_space<vmem>>, vector<16xf32>,
      tpu.vector_store %arg10[%swap3A_69], %broadcast_in_dim3A_5 {strides = array<i32>} : memref<8192xf32, #tpu.memory_space<vmem>>, vector<16xf32>,
      %add3A_71 = arith.constant 128 : i32
      %add3A_72 = arith.addi %mul3A_52, %add3A_71 : i32
      %add3A_73 = arith.addi %add3A_72, %scan3A_59#1 : i32
      %swap3A_74 = arith.index_cast %add3A_73 : i32 to index
      %swap3A_75 = tpu.vector_load %arg11[%swap3A_74] {strides = array<i32>} : memref<8192xi32, #tpu.memory_space<vmem>>, vector<16xi32>,
      tpu.vector_store %arg11[%swap3A_74], %broadcast_in_dim3A_7 {strides = array<i32>} : memref<8192xi32, #tpu.memory_space<vmem>>, vector<16xi32>,
      %scan3A_76 = arith.constant 0 : i32
      scf.yield %scan3A_76 : i32
    }
    %scan3A_39 = arith.constant 16 : i32
    %mul3A_40 = arith.constant 256 : i32
    %mul3A_41 = arith.muli %mul3A_2, %mul3A_40 : i32
    "tpu.region"() ({
      %run_scoped3A = tpu.sem_alloc : memref<!tpu.dma_semaphore, #tpu.memory_space<semaphore_mem>>
      %dma_start3A = tpu.memref_slice %arg5[%mul3A_41] : memref<262144xf32, #tpu.memory_space<hbm>> -> memref<8192xf32, #tpu.memory_space<hbm>>
      %dma_start3A_44 = tpu.memref_slice %arg5[%mul3A_41] : memref<262144xf32, #tpu.memory_space<hbm>> -> memref<8192xf32, #tpu.memory_space<hbm>>
      tpu.enqueue_dma source(%arg10 : memref<8192xf32, #tpu.memory_space<vmem>>) target(%dma_start3A_44 : memref<8192xf32, #tpu.memory_space<hbm>>) target_semaphore(%run_scoped3A : memref<!tpu.dma_semaphore, #tpu.memory_space<semaphore_mem>>)
      %dma_wait3A = tpu.memref_slice %arg5[%mul3A_41] : memref<262144xf32, #tpu.memory_space<hbm>> -> memref<8192xf32, #tpu.memory_space<hbm>>
      %dma_wait3A_45 = tpu.memref_slice %arg5[%mul3A_41] : memref<262144xf32, #tpu.memory_space<hbm>> -> memref<8192xf32, #tpu.memory_space<hbm>>
      tpu.wait_dma2 semaphore(%run_scoped3A : memref<!tpu.dma_semaphore, #tpu.memory_space<semaphore_mem>>) src(%arg10 : memref<8192xf32, #tpu.memory_space<vmem>>) dst(%dma_wait3A_45 : memref<8192xf32, #tpu.memory_space<hbm>>)
      tpu.yield
    }) : () -> ()
    %mul3A_42 = arith.constant 256 : i32
    %mul3A_43 = arith.muli %mul3A_2, %mul3A_42 : i32
    "tpu.region"() ({
      %run_scoped3A = tpu.sem_alloc : memref<!tpu.dma_semaphore, #tpu.memory_space<semaphore_mem>>
      %dma_start3A = tpu.memref_slice %arg6[%mul3A_43] : memref<262144xi32, #tpu.memory_space<hbm>> -> memref<8192xi32, #tpu.memory_space<hbm>>
      %dma_start3A_44 = tpu.memref_slice %arg6[%mul3A_43] : memref<262144xi32, #tpu.memory_space<hbm>> -> memref<8192xi32, #tpu.memory_space<hbm>>
      tpu.enqueue_dma source(%arg11 : memref<8192xi32, #tpu.memory_space<vmem>>) target(%dma_start3A_44 : memref<8192xi32, #tpu.memory_space<hbm>>) target_semaphore(%run_scoped3A : memref<!tpu.dma_semaphore, #tpu.memory_space<semaphore_mem>>)
      %dma_wait3A = tpu.memref_slice %arg6[%mul3A_43] : memref<262144xi32, #tpu.memory_space<hbm>> -> memref<8192xi32, #tpu.memory_space<hbm>>
      %dma_wait3A_45 = tpu.memref_slice %arg6[%mul3A_43] : memref<262144xi32, #tpu.memory_space<hbm>> -> memref<8192xi32, #tpu.memory_space<hbm>>
      tpu.wait_dma2 semaphore(%run_scoped3A : memref<!tpu.dma_semaphore, #tpu.memory_space<semaphore_mem>>) src(%arg11 : memref<8192xi32, #tpu.memory_space<vmem>>) dst(%dma_wait3A_45 : memref<8192xi32, #tpu.memory_space<hbm>>)
      tpu.yield
    }) : () -> ()
    return
  }
}

#map = affine_map<(d0, d1) -> (0, 0)>
#map1 = affine_map<(d0, d1) -> (0)>
module attributes {stable_mosaic.version = 14 : i64} {
  func.func @_gather_sc(%arg0: i32, %arg1: i32, %arg2: memref<3276800x32xf32, #tpu.memory_space<hbm>>, %arg3: memref<102400xi32, #tpu.memory_space<hbm>>, %arg4: memref<102400x32xf32, #tpu.memory_space<hbm>>, %arg5: memref<3200xi32, #tpu.memory_space<vmem>>, %arg6: memref<3200x32xf32, #tpu.memory_space<vmem>>, %arg7: memref<!tpu.dma_semaphore, #tpu.memory_space<semaphore_mem>>) attributes {dimension_semantics = [#tpu.dimension_semantics<core_parallel>, #tpu.dimension_semantics<subcore_parallel>], iteration_bounds = array<i64: 2, 16>, scalar_prefetch = 0 : i64, scratch_operands = 3 : i64, tpu.core_type = #tpu.core_type<sc_vector_subcore>, window_params = [{transform_indices = #map}, {transform_indices = #map1}, {transform_indices = #map}]} {
    %mul3A = arith.constant 2 : i32
    %mul3A_0 = arith.muli %arg1, %mul3A : i32
    %add3A = arith.addi %mul3A_0, %arg0 : i32
    %mul3A_1 = arith.constant 3200 : i32
    %mul3A_2 = arith.muli %add3A, %mul3A_1 : i32
    "tpu.region"() ({
      %run_scoped3A = tpu.sem_alloc : memref<!tpu.dma_semaphore, #tpu.memory_space<semaphore_mem>>
      %dma_start3A_7 = tpu.memref_slice %arg3[%mul3A_2] : memref<102400xi32, #tpu.memory_space<hbm>> -> memref<3200xi32, #tpu.memory_space<hbm>>
      %dma_start3A_8 = tpu.memref_slice %arg3[%mul3A_2] : memref<102400xi32, #tpu.memory_space<hbm>> -> memref<3200xi32, #tpu.memory_space<hbm>>
      tpu.enqueue_dma source(%dma_start3A_8 : memref<3200xi32, #tpu.memory_space<hbm>>) target(%arg5 : memref<3200xi32, #tpu.memory_space<vmem>>) target_semaphore(%run_scoped3A : memref<!tpu.dma_semaphore, #tpu.memory_space<semaphore_mem>>)
      %dma_wait3A_9 = tpu.memref_slice %arg3[%mul3A_2] : memref<102400xi32, #tpu.memory_space<hbm>> -> memref<3200xi32, #tpu.memory_space<hbm>>
      %dma_wait3A_10 = tpu.memref_slice %arg3[%mul3A_2] : memref<102400xi32, #tpu.memory_space<hbm>> -> memref<3200xi32, #tpu.memory_space<hbm>>
      tpu.wait_dma2 semaphore(%run_scoped3A : memref<!tpu.dma_semaphore, #tpu.memory_space<semaphore_mem>>) src(%dma_wait3A_10 : memref<3200xi32, #tpu.memory_space<hbm>>) dst(%arg5 : memref<3200xi32, #tpu.memory_space<vmem>>)
      tpu.yield
    }) : () -> ()
    %dma_start3A = arith.constant 0 : i32
    %dma_start3A_3 = arith.constant 0 : i32
    %dma_start3A_4 = tpu.memref_slice %arg2[%dma_start3A, %dma_start3A_3] : memref<3276800x32xf32, #tpu.memory_space<hbm>> -> memref<3276800x32xf32, #tpu.memory_space<hbm>>
    tpu.enqueue_indirect_dma source(%dma_start3A_4 : memref<3276800x32xf32, #tpu.memory_space<hbm>>) target(%arg6 : memref<3200x32xf32, #tpu.memory_space<vmem>>) offsets(%arg5 : memref<3200xi32, #tpu.memory_space<vmem>>) semaphore(%arg7 : memref<!tpu.dma_semaphore, #tpu.memory_space<semaphore_mem>>)
    %dma_wait3A = arith.constant 0 : i32
    %dma_wait3A_5 = arith.constant 0 : i32
    %dma_wait3A_6 = tpu.memref_slice %arg2[%dma_wait3A, %dma_wait3A_5] : memref<3276800x32xf32, #tpu.memory_space<hbm>> -> memref<3276800x32xf32, #tpu.memory_space<hbm>>
    tpu.wait_indirect_dma semaphore(%arg7 : memref<!tpu.dma_semaphore, #tpu.memory_space<semaphore_mem>>) src(%dma_wait3A_6 : memref<3276800x32xf32, #tpu.memory_space<hbm>>) dst(%arg6 : memref<3200x32xf32, #tpu.memory_space<vmem>>)
    "tpu.region"() ({
      %run_scoped3A = tpu.sem_alloc : memref<!tpu.dma_semaphore, #tpu.memory_space<semaphore_mem>>
      %dma_start3A_7 = arith.constant 0 : i32
      %dma_start3A_8 = tpu.memref_slice %arg4[%mul3A_2, %dma_start3A_7] : memref<102400x32xf32, #tpu.memory_space<hbm>> -> memref<3200x32xf32, #tpu.memory_space<hbm>>
      %dma_start3A_9 = arith.constant 0 : i32
      %dma_start3A_10 = tpu.memref_slice %arg4[%mul3A_2, %dma_start3A_9] : memref<102400x32xf32, #tpu.memory_space<hbm>> -> memref<3200x32xf32, #tpu.memory_space<hbm>>
      tpu.enqueue_dma source(%arg6 : memref<3200x32xf32, #tpu.memory_space<vmem>>) target(%dma_start3A_10 : memref<3200x32xf32, #tpu.memory_space<hbm>>) target_semaphore(%run_scoped3A : memref<!tpu.dma_semaphore, #tpu.memory_space<semaphore_mem>>)
      %dma_wait3A_11 = arith.constant 0 : i32
      %dma_wait3A_12 = tpu.memref_slice %arg4[%mul3A_2, %dma_wait3A_11] : memref<102400x32xf32, #tpu.memory_space<hbm>> -> memref<3200x32xf32, #tpu.memory_space<hbm>>
      %dma_wait3A_13 = arith.constant 0 : i32
      %dma_wait3A_14 = tpu.memref_slice %arg4[%mul3A_2, %dma_wait3A_13] : memref<102400x32xf32, #tpu.memory_space<hbm>> -> memref<3200x32xf32, #tpu.memory_space<hbm>>
      tpu.wait_dma2 semaphore(%run_scoped3A : memref<!tpu.dma_semaphore, #tpu.memory_space<semaphore_mem>>) src(%arg6 : memref<3200x32xf32, #tpu.memory_space<vmem>>) dst(%dma_wait3A_14 : memref<3200x32xf32, #tpu.memory_space<hbm>>)
      tpu.yield
    }) : () -> ()
    return
  }
}

module attributes {stable_mosaic.version = 14 : i64} {
  func.func @_scores_body(%arg0: i32, %arg1: memref<1024x64xf32, #tpu.memory_space<vmem>>, %arg2: memref<3200x64xf32, #tpu.memory_space<vmem>>, %arg3: memref<64x64xf32, #tpu.memory_space<vmem>>, %arg4: memref<1024x3200xf32, #tpu.memory_space<vmem>>, %arg5: memref<1x100x1024xf32, #tpu.memory_space<vmem>>) attributes {dimension_semantics = [#tpu.dimension_semantics<arbitrary>], iteration_bounds = array<i64: 32>, scalar_prefetch = 0 : i64, scratch_operands = 0 : i64, tpu.core_type = #tpu.core_type<tc>, window_params = [{pipeline_mode = #tpu.pipeline_mode<synchronous>, transform_indices = @transform_0, window_bounds = array<i64: 1024, 64>}, {transform_indices = @transform_1, window_bounds = array<i64: 3200, 64>}, {pipeline_mode = #tpu.pipeline_mode<synchronous>, transform_indices = @transform_2, window_bounds = array<i64: 64, 64>}, {transform_indices = @transform_3, window_bounds = array<i64: 1024, 3200>}, {transform_indices = @transform_4, window_bounds = array<i64: 1, 100, 1024>}]} {
    %get3A = arith.constant 0 : index
    %get3A_0 = arith.constant 0 : index
    %get3A_1 = vector.load %arg1[%get3A, %get3A_0] : memref<1024x64xf32, #tpu.memory_space<vmem>>, vector<1024x64xf32>
    %get3A_2 = arith.constant 0 : index
    %get3A_3 = arith.constant 0 : index
    %get3A_4 = vector.load %arg3[%get3A_2, %get3A_3] : memref<64x64xf32, #tpu.memory_space<vmem>>, vector<64x64xf32>
    %get3A_5 = arith.constant 0 : index
    %get3A_6 = arith.constant 0 : index
    %get3A_7 = vector.load %arg2[%get3A_5, %get3A_6] : memref<3200x64xf32, #tpu.memory_space<vmem>>, vector<3200x64xf32>
    %dot_general3A = arith.constant dense<0.000000e+00> : vector<1024x64xf32>
    %dot_general3A_8 = tpu.matmul %get3A_1, %get3A_4, %dot_general3A {dimension_numbers = #tpu.dot_dimension_numbers<[1], [1], [0], [0], [0, 0, 1, 0], [], []>, transpose_lhs_hint = false} : vector<1024x64xf32>, vector<64x64xf32>, vector<1024x64xf32> -> vector<1024x64xf32>
    %dot_general3A_9 = arith.constant dense<0.000000e+00> : vector<1024x3200xf32>
    %dot_general3A_10 = tpu.matmul %dot_general3A_8, %get3A_7, %dot_general3A_9 {dimension_numbers = #tpu.dot_dimension_numbers<[1], [1], [0], [0], [0, 0, 1, 0], [], []>, transpose_lhs_hint = false} : vector<1024x64xf32>, vector<3200x64xf32>, vector<1024x3200xf32> -> vector<1024x3200xf32>
    %mul3A = arith.constant 3200 : i32
    %mul3A_11 = arith.muli %arg0, %mul3A : i32
    %iota3A = tpu.iota {dimensions = array<i32: 1>} : vector<1024x3200xi32>
    %add3A = vector.broadcast %mul3A_11 : i32 to vector<1024x3200xi32>
    %add3A_12 = arith.addi %add3A, %iota3A : vector<1024x3200xi32>
    %lt3A = arith.constant 100000 : i32
    %lt3A_13 = vector.broadcast %lt3A : i32 to vector<1024x3200xi32>
    %lt3A_14 = arith.cmpi slt, %add3A_12, %lt3A_13 : vector<1024x3200xi32>
    %jit3A = arith.constant -3.400000e+38 : f32
    %broadcast_in_dim3A = vector.broadcast %jit3A : f32 to vector<1024x3200xf32>
    %select_n3A = arith.select %lt3A_14, %dot_general3A_10, %broadcast_in_dim3A : vector<1024x3200xi1>, vector<1024x3200xf32>
    %swap3A = arith.constant 0 : index
    %swap3A_15 = arith.constant 0 : index
    %swap3A_16 = vector.load %arg4[%swap3A, %swap3A_15] : memref<1024x3200xf32, #tpu.memory_space<vmem>>, vector<1024x3200xf32>
    tpu.vector_store %arg4[%swap3A, %swap3A_15], %select_n3A {strides = array<i32>} : memref<1024x3200xf32, #tpu.memory_space<vmem>>, vector<1024x3200xf32>,
    %dot_general3A_17 = arith.constant dense<0.000000e+00> : vector<3200x1024xf32>
    %dot_general3A_18 = tpu.matmul %get3A_7, %dot_general3A_8, %dot_general3A_17 {dimension_numbers = #tpu.dot_dimension_numbers<[1], [1], [0], [0], [0, 0, 1, 0], [], []>, transpose_lhs_hint = false} : vector<3200x64xf32>, vector<1024x64xf32>, vector<3200x1024xf32> -> vector<3200x1024xf32>
    %mul3A_19 = arith.constant 3200 : i32
    %mul3A_20 = arith.muli %arg0, %mul3A_19 : i32
    %iota3A_21 = tpu.iota {dimensions = array<i32: 0>} : vector<3200x1024xi32>
    %add3A_22 = vector.broadcast %mul3A_20 : i32 to vector<3200x1024xi32>
    %add3A_23 = arith.addi %add3A_22, %iota3A_21 : vector<3200x1024xi32>
    %lt3A_24 = arith.constant 100000 : i32
    %lt3A_25 = vector.broadcast %lt3A_24 : i32 to vector<3200x1024xi32>
    %lt3A_26 = arith.cmpi slt, %add3A_23, %lt3A_25 : vector<3200x1024xi32>
    %jit3A_27 = arith.constant -3.400000e+38 : f32
    %broadcast_in_dim3A_28 = vector.broadcast %jit3A_27 : f32 to vector<3200x1024xf32>
    %select_n3A_29 = arith.select %lt3A_26, %dot_general3A_18, %broadcast_in_dim3A_28 : vector<3200x1024xi1>, vector<3200x1024xf32>
    %reshape3A = vector.shape_cast %select_n3A_29 : vector<3200x1024xf32> to vector<100x32x1024xf32>
    %reduce_max3A = arith.constant dense<0xFF800000> : vector<100x1024xf32>
    %reduce_max3A_30 = vector.multi_reduction <maximumf>, %reshape3A, %reduce_max3A [1] : vector<100x32x1024xf32> to vector<100x1024xf32>
    %reshape3A_31 = vector.shape_cast %reduce_max3A_30 : vector<100x1024xf32> to vector<1x100x1024xf32>
    %swap3A_32 = arith.constant 0 : index
    %swap3A_33 = arith.constant 0 : index
    %swap3A_34 = arith.constant 0 : index
    %swap3A_35 = vector.load %arg5[%swap3A_32, %swap3A_33, %swap3A_34] : memref<1x100x1024xf32, #tpu.memory_space<vmem>>, vector<1x100x1024xf32>
    tpu.vector_store %arg5[%swap3A_32, %swap3A_33, %swap3A_34], %reshape3A_31 {strides = array<i32>} : memref<1x100x1024xf32, #tpu.memory_space<vmem>>, vector<1x100x1024xf32>,
    return
  }
  func.func @transform_0(%arg0: i32) -> (i32, i32) {
    %c0_i32 = arith.constant 0 : i32
    %c0_i32_0 = arith.constant 0 : i32
    %c0_i32_1 = arith.constant 0 : i32
    return %c0_i32, %c0_i32_0 : i32, i32
  }
  func.func @transform_1(%arg0: i32) -> (i32, i32) {
    %c0_i32 = arith.constant 0 : i32
    %c0_i32_0 = arith.constant 0 : i32
    return %arg0, %c0_i32 : i32, i32
  }
  func.func @transform_2(%arg0: i32) -> (i32, i32) {
    %c0_i32 = arith.constant 0 : i32
    %c0_i32_0 = arith.constant 0 : i32
    %c0_i32_1 = arith.constant 0 : i32
    return %c0_i32, %c0_i32_0 : i32, i32
  }
  func.func @transform_3(%arg0: i32) -> (i32, i32) {
    %c0_i32 = arith.constant 0 : i32
    %c0_i32_0 = arith.constant 0 : i32
    return %c0_i32, %arg0 : i32, i32
  }
  func.func @transform_4(%arg0: i32) -> (i32, i32, i32) {
    %c0_i32 = arith.constant 0 : i32
    %c0_i32_0 = arith.constant 0 : i32
    %c0_i32_1 = arith.constant 0 : i32
    return %arg0, %c0_i32, %c0_i32_0 : i32, i32, i32
  }
}

module attributes {stable_mosaic.version = 14 : i64} {
  func.func @_radix_tau_body(%arg0: i32, %arg1: memref<128x3200xf32, #tpu.memory_space<vmem>>, %arg2: memref<128x128xf32, #tpu.memory_space<vmem>>) attributes {dimension_semantics = [#tpu.dimension_semantics<arbitrary>], iteration_bounds = array<i64: 8>, scalar_prefetch = 0 : i64, scratch_operands = 0 : i64, tpu.core_type = #tpu.core_type<tc>, window_params = [{transform_indices = @transform_0, window_bounds = array<i64: 128, 3200>}, {transform_indices = @transform_1, window_bounds = array<i64: 128, 128>}]} {
    %get3A = arith.constant 0 : index
    %get3A_0 = arith.constant 0 : index
    %get3A_1 = vector.load %arg1[%get3A, %get3A_0] : memref<128x3200xf32, #tpu.memory_space<vmem>>, vector<128x3200xf32>
    %add3A = arith.constant 0.000000e+00 : f32
    %add3A_2 = vector.broadcast %add3A : f32 to vector<128x3200xf32>
    %add3A_3 = arith.addf %get3A_1, %add3A_2 : vector<128x3200xf32>
    %bitcast_convert_type3A = tpu.bitcast %add3A_3 : vector<128x3200xf32> -> vector<128x3200xi32>
    %lt3A = arith.constant 0 : i32
    %lt3A_4 = vector.broadcast %lt3A : i32 to vector<128x3200xi32>
    %lt3A_5 = arith.cmpi slt, %bitcast_convert_type3A, %lt3A_4 : vector<128x3200xi32>
    %xor3A = arith.constant 2147483647 : i32
    %xor3A_6 = vector.broadcast %xor3A : i32 to vector<128x3200xi32>
    %xor3A_7 = arith.xori %bitcast_convert_type3A, %xor3A_6 : vector<128x3200xi32>
    %select_n3A = arith.select %lt3A_5, %xor3A_7, %bitcast_convert_type3A : vector<128x3200xi1>, vector<128x3200xi32>
    %broadcast_in_dim3A = arith.constant 0 : i32
    %broadcast_in_dim3A_8 = vector.broadcast %broadcast_in_dim3A : i32 to vector<128x1xi32>
    %scan3A = arith.constant 0 : i32
    %scan3A_9 = arith.constant 32 : i32
    %scan3A_10 = arith.addi %scan3A, %scan3A_9 : i32
    %scan3A_11 = arith.constant 1 : i32
    %scan3A_12 = scf.for %scan3A_29 = %scan3A to %scan3A_10 step %scan3A_11 iter_args(%scan3A_30 = %broadcast_in_dim3A_8) -> (vector<128x1xi32>)  : i32 {
      %sub3A = arith.constant 31 : i32
      %sub3A_31 = arith.subi %sub3A, %scan3A_29 : i32
      %shift_left3A = arith.constant 1 : i32
      %shift_left3A_32 = arith.shli %shift_left3A, %sub3A_31 : i32
      %or3A = vector.broadcast %shift_left3A_32 : i32 to vector<128x1xi32>
      %or3A_33 = arith.ori %scan3A_30, %or3A : vector<128x1xi32>
      %xor3A_34 = arith.constant -2147483648 : i32
      %xor3A_35 = vector.broadcast %xor3A_34 : i32 to vector<128x1xi32>
      %xor3A_36 = arith.xori %or3A_33, %xor3A_35 : vector<128x1xi32>
      %ge3A = vector.broadcast %xor3A_36 : vector<128x1xi32> to vector<128x3200xi32>
      %ge3A_37 = arith.cmpi sge, %select_n3A, %ge3A : vector<128x3200xi32>
      %convert_element_type3A = arith.extui %ge3A_37 : vector<128x3200xi1> to vector<128x3200xi32>
      %reduce_sum3A = arith.constant dense<0> : vector<128xi32>
      %reduce_sum3A_38 = vector.multi_reduction <add>, %convert_element_type3A, %reduce_sum3A [1] : vector<128x3200xi32> to vector<128xi32>
      %broadcast_in_dim3A_39 = vector.shape_cast %reduce_sum3A_38 : vector<128xi32> to vector<128x1xi32>
      %ge3A_40 = arith.constant 100 : i32
      %ge3A_41 = vector.broadcast %ge3A_40 : i32 to vector<128x1xi32>
      %ge3A_42 = arith.cmpi sge, %broadcast_in_dim3A_39, %ge3A_41 : vector<128x1xi32>
      %select_n3A_43 = arith.select %ge3A_42, %or3A_33, %scan3A_30 : vector<128x1xi1>, vector<128x1xi32>
      scf.yield %select_n3A_43 : vector<128x1xi32>
    }
    %scan3A_13 = arith.constant 32 : i32
    %xor3A_14 = arith.constant -2147483648 : i32
    %xor3A_15 = vector.broadcast %xor3A_14 : i32 to vector<128x1xi32>
    %xor3A_16 = arith.xori %scan3A_12, %xor3A_15 : vector<128x1xi32>
    %lt3A_17 = arith.constant 0 : i32
    %lt3A_18 = vector.broadcast %lt3A_17 : i32 to vector<128x1xi32>
    %lt3A_19 = arith.cmpi slt, %xor3A_16, %lt3A_18 : vector<128x1xi32>
    %xor3A_20 = arith.constant 2147483647 : i32
    %xor3A_21 = vector.broadcast %xor3A_20 : i32 to vector<128x1xi32>
    %xor3A_22 = arith.xori %xor3A_16, %xor3A_21 : vector<128x1xi32>
    %select_n3A_23 = arith.select %lt3A_19, %xor3A_22, %xor3A_16 : vector<128x1xi1>, vector<128x1xi32>
    %bitcast_convert_type3A_24 = tpu.bitcast %select_n3A_23 : vector<128x1xi32> -> vector<128x1xf32>
    %broadcast_in_dim3A_25 = vector.shape_cast %bitcast_convert_type3A_24 : vector<128x1xf32> to vector<128x1xf32>
    %broadcast_in_dim3A_26 = vector.broadcast %broadcast_in_dim3A_25 : vector<128x1xf32> to vector<128x128xf32>
    %swap3A = arith.constant 0 : index
    %swap3A_27 = arith.constant 0 : index
    %swap3A_28 = vector.load %arg2[%swap3A, %swap3A_27] : memref<128x128xf32, #tpu.memory_space<vmem>>, vector<128x128xf32>
    tpu.vector_store %arg2[%swap3A, %swap3A_27], %broadcast_in_dim3A_26 {strides = array<i32>} : memref<128x128xf32, #tpu.memory_space<vmem>>, vector<128x128xf32>,
    return
  }
  func.func @transform_0(%arg0: i32) -> (i32, i32) {
    %c0_i32 = arith.constant 0 : i32
    %c0_i32_0 = arith.constant 0 : i32
    return %arg0, %c0_i32 : i32, i32
  }
  func.func @transform_1(%arg0: i32) -> (i32, i32) {
    %c0_i32 = arith.constant 0 : i32
    %c0_i32_0 = arith.constant 0 : i32
    return %arg0, %c0_i32 : i32, i32
  }
}

module attributes {stable_mosaic.version = 14 : i64} {
  func.func @_topk_lane_body(%arg0: i32, %arg1: memref<128x256xf32, #tpu.memory_space<vmem>>, %arg2: memref<128x256xi32, #tpu.memory_space<vmem>>, %arg3: memref<128x128xi32, #tpu.memory_space<vmem>>) attributes {dimension_semantics = [#tpu.dimension_semantics<arbitrary>], iteration_bounds = array<i64: 8>, scalar_prefetch = 0 : i64, scratch_operands = 0 : i64, tpu.core_type = #tpu.core_type<tc>, window_params = [{transform_indices = @transform_0, window_bounds = array<i64: 128, 256>}, {transform_indices = @transform_1, window_bounds = array<i64: 128, 256>}, {transform_indices = @transform_2, window_bounds = array<i64: 128, 128>}]} {
    %get3A = arith.constant 0 : index
    %get3A_0 = arith.constant 0 : index
    %get3A_1 = vector.load %arg1[%get3A, %get3A_0] : memref<128x256xf32, #tpu.memory_space<vmem>>, vector<128x256xf32>
    %get3A_2 = arith.constant 0 : index
    %get3A_3 = arith.constant 0 : index
    %get3A_4 = vector.load %arg2[%get3A_2, %get3A_3] : memref<128x256xi32, #tpu.memory_space<vmem>>, vector<128x256xi32>
    %iota3A = tpu.iota {dimensions = array<i32: 1>} : vector<128x128xi32>
    %broadcast_in_dim3A = arith.constant 0 : i32
    %broadcast_in_dim3A_5 = vector.broadcast %broadcast_in_dim3A : i32 to vector<128x128xi32>
    %scan3A = arith.constant 0 : i32
    %scan3A_6 = arith.constant 100 : i32
    %scan3A_7 = arith.addi %scan3A, %scan3A_6 : i32
    %scan3A_8 = arith.constant 1 : i32
    %scan3A_9:2 = scf.for %scan3A_13 = %scan3A to %scan3A_7 step %scan3A_8 iter_args(%scan3A_14 = %get3A_1, %scan3A_15 = %broadcast_in_dim3A_5) -> (vector<128x256xf32>, vector<128x128xi32>)  : i32 {
      %reduce_max3A = arith.constant dense<0xFF800000> : vector<128xf32>
      %reduce_max3A_16 = vector.multi_reduction <maximumf>, %scan3A_14, %reduce_max3A [1] : vector<128x256xf32> to vector<128xf32>
      %broadcast_in_dim3A_17 = vector.shape_cast %reduce_max3A_16 : vector<128xf32> to vector<128x1xf32>
      %eq3A = vector.broadcast %broadcast_in_dim3A_17 : vector<128x1xf32> to vector<128x256xf32>
      %eq3A_18 = arith.cmpf oeq, %scan3A_14, %eq3A : vector<128x256xf32>
      %jit3A = arith.constant 2147483647 : i32
      %broadcast_in_dim3A_19 = vector.broadcast %jit3A : i32 to vector<128x256xi32>
      %select_n3A = arith.select %eq3A_18, %get3A_4, %broadcast_in_dim3A_19 : vector<128x256xi1>, vector<128x256xi32>
      %reduce_min3A = arith.constant dense<2147483647> : vector<128xi32>
      %reduce_min3A_20 = vector.multi_reduction <minsi>, %select_n3A, %reduce_min3A [1] : vector<128x256xi32> to vector<128xi32>
      %broadcast_in_dim3A_21 = vector.shape_cast %reduce_min3A_20 : vector<128xi32> to vector<128x1xi32>
      %eq3A_22 = vector.broadcast %scan3A_13 : i32 to vector<128x128xi32>
      %eq3A_23 = arith.cmpi eq, %iota3A, %eq3A_22 : vector<128x128xi32>
      %broadcast_in_dim3A_24 = vector.shape_cast %broadcast_in_dim3A_21 : vector<128x1xi32> to vector<128x1xi32>
      %broadcast_in_dim3A_25 = vector.broadcast %broadcast_in_dim3A_24 : vector<128x1xi32> to vector<128x128xi32>
      %select_n3A_26 = arith.select %eq3A_23, %broadcast_in_dim3A_25, %scan3A_15 : vector<128x128xi1>, vector<128x128xi32>
      %eq3A_27 = vector.broadcast %broadcast_in_dim3A_21 : vector<128x1xi32> to vector<128x256xi32>
      %eq3A_28 = arith.cmpi eq, %get3A_4, %eq3A_27 : vector<128x256xi32>
      %jit3A_29 = arith.constant -3.400000e+38 : f32
      %broadcast_in_dim3A_30 = vector.broadcast %jit3A_29 : f32 to vector<128x256xf32>
      %select_n3A_31 = arith.select %eq3A_28, %broadcast_in_dim3A_30, %scan3A_14 : vector<128x256xi1>, vector<128x256xf32>
      scf.yield %select_n3A_31, %select_n3A_26 : vector<128x256xf32>, vector<128x128xi32>
    }
    %scan3A_10 = arith.constant 100 : i32
    %swap3A = arith.constant 0 : index
    %swap3A_11 = arith.constant 0 : index
    %swap3A_12 = vector.load %arg3[%swap3A, %swap3A_11] : memref<128x128xi32, #tpu.memory_space<vmem>>, vector<128x128xi32>
    tpu.vector_store %arg3[%swap3A, %swap3A_11], %scan3A_9#1 {strides = array<i32>} : memref<128x128xi32, #tpu.memory_space<vmem>>, vector<128x128xi32>,
    return
  }
  func.func @transform_0(%arg0: i32) -> (i32, i32) {
    %c0_i32 = arith.constant 0 : i32
    %c0_i32_0 = arith.constant 0 : i32
    return %arg0, %c0_i32 : i32, i32
  }
  func.func @transform_1(%arg0: i32) -> (i32, i32) {
    %c0_i32 = arith.constant 0 : i32
    %c0_i32_0 = arith.constant 0 : i32
    return %arg0, %c0_i32 : i32, i32
  }
  func.func @transform_2(%arg0: i32) -> (i32, i32) {
    %c0_i32 = arith.constant 0 : i32
    %c0_i32_0 = arith.constant 0 : i32
    return %arg0, %c0_i32 : i32, i32
  }
}

</mosaic_0001>

<sc_bundles>
// kernel: kernel.10.cloned.1.call-start
scs
__scs_entry_jumppad:
0x0: {  	(pc) =	sbr.rel $0x88, $3  }
0x1: {  	(tag) =	ssettag $0x0;
	lr =	simm.s32 $0x1  }
0x2: {  	[smem:$0x3F9E] =	sst lr;
	_ =	strace $0xD0000000  }
0x3: {  	_ = 	snop  }
0x4: {  	_ = 	snop  }
0x5: {  	_ = 	snop  }
0x6: {  	_ = 	snop  }
0x7: {  	_ = 	snop  }
__scs_overlays_trampoline_lowered:
0x8: {  	[smem:$0x3FAD] =	sst s0  }
0x9: {  	[smem:$0x3FAE] =	sst s1  }
0xa: {  	[smem:$0x3FAF] =	sst s2  }
0xb: {  	[smem:$0x3FB0] =	sst s3  }
0xc: {  	[smem:$0x3FB1] =	sst s4  }
0xd: {  	[smem:$0x3FB2] =	sst s5  }
0xe: {  	[smem:$0x3FB3] =	sst s6  }
0xf: {  	[smem:$0x3FB4] =	sst s7  }
0x10: {  	[smem:$0x3FB5] =	sst s8  }
0x11: {  	[smem:$0x3FB6] =	sst s9;
	s0 =	simm.s32 @!p0 $0x0  }
0x12: {  	s1 =	sld [smem:$0x3F9C];
	s0 =	simm.s32 @p0 $0x1  }
0x13: {  	[smem:$0x3FB7] =	sst s0;
	s0 =	simm.s32 @!p1 $0x0  }
0x14: {  	s2 =	sld [smem:$0x3F9B];
	s0 =	simm.s32 @p1 $0x1  }
0x15: {  	[smem:$0x3FB8] =	sst s0;
	s0 =	simm.s32 @!p2 $0x0  }
0x16: {  	s3 =	sld [smem:$0x3FDB];
	s0 =	simm.s32 @p2 $0x1  }
0x17: {  	s4 =	simm.s32 $0x1BF5;
	[smem:$0x3FBA] =	sst s0  }
0x18: {  	s0 =	sld [smem:$0x3F9D];
	_ =	swait.ge [sflag:s4], $0x0  }
0x19: {  	s7 =	sld [smem:$0x3F9E]  }
0x1a: {  	s8 =	sadd.s32 $0xFFFFE003, lr  }
0x1b: {  	s9 =	sadd.s32 $0xFFFFFEF7, lr;
	s5 =	simm.s32 $0xFFFFFFFF;
	p2 =	slt.u32 s8, $0xFFFFF086  }
0x1c: {  	p1 =	slt.u32 s9, $0xF7A;
	s5 =	simm.s32 @!p2 $0x0  }
0x1d: {  	s5 =	simm.s32 @p1 $0x1;
	p0 =	seq.s32 s7, s2  }
0x1e: {  	s7 =	smul.u32 @!p0 $0xF7A, s2;
	p2 =	seq.s32 @!p0 s5, $0x0  }
0x1f: {  	s9 =	smul.u32 $0xF7A, s1;
	s8 =	simm.s32 @!p0 $0x1BF5;
	p2 =	por !p2, p0  }
0x20: {  	[sflag:s8] =	ssyncset.s32 @!p0 $0xFFFFF086;
	s6 =	sadd.s32 @!p0 s3, s7;
	s7 =	simm.s32 @!p0 $0x108  }
0x21: {  	s3 =	sadd.s32 s3, s9;
	s6 =	sadd.s32 @!p0 $0x88, s6;
	s7 =	simm.s32 @p2 $0x1082  }
0x22: {  	[simem:s7], [sflag:s8] =	dma.local @!p0 [hbm:s6], $0xF7A  }
0x23: {  	s9 =	sor.u32 $0xD0000000, s2;
	s6 =	simm.s32 $0x108;
	_ =	swait.ge @!p0 [sflag:s8], $0x0  }
0x24: {  	s3 =	sadd.s32 $0x88, s3;
	s6 =	simm.s32 @!p1 $0x1082;
	[sflag:s4] =	ssyncset.s32 $0xFFFFF086  }
0x25: {  	[simem:s6], [sflag:s4] =	dma.local [hbm:s3], $0xF7A  }
0x26: {  	[smem:$0x3F9E] =	sst s1;
	(tag) =	ssettag s2;
	_ =	strace s9  }
0x27: {  	s1 =	sld [smem:$0x3FAE]  }
0x28: {  	s2 =	sld [smem:$0x3FAF]  }
0x29: {  	s4 =	sld [smem:$0x3FB1]  }
0x2a: {  	p0 =	seq.s32 s5, $0x0;
	s5 =	sld [smem:$0x3FB2]  }
0x2b: {  	s6 =	sld [smem:$0x3FB3]  }
0x2c: {  	s7 =	sld [smem:$0x3FB4]  }
0x2d: {  	s3 =	simm.s32 $0x108;
	s8 =	sld [smem:$0x3FB5]  }
0x2e: {  	s3 =	simm.s32 @!p0 $0x1082;
	s9 =	sld [smem:$0x3FB6]  }
0x2f: {  	lr =	sadd.s32 s0, s3;
	s0 =	sld [smem:$0x3FAD]  }
0x30: {  	s3 =	sld [smem:$0x3FB0]  }
0x31: {  	[smem:$0x3FB9] =	sst s10  }
0x32: {  	s10 =	sld [smem:$0x3FB7];
	_ =	sdelay $0x3  }
0x33: {  	p0 =	seq.s32 s10, $0x1;
	s10 =	sld [smem:$0x3FB9];
	_ =	sdelay $0x3  }
0x34: {  	[smem:$0x3FB9] =	sst s10  }
0x35: {  	s10 =	sld [smem:$0x3FB8];
	_ =	sdelay $0x3  }
0x36: {  	p1 =	seq.s32 s10, $0x1;
	s10 =	sld [smem:$0x3FB9];
	_ =	sdelay $0x3  }
0x37: {  	[smem:$0x3FB9] =	sst s10  }
0x38: {  	s10 =	sld [smem:$0x3FBA]  }
0x39: {  	_ = 	snop;
	(pc) =	sbr.ind lr, $3  }
0x3a: {  	_ = 	snop  }
0x3b: {  	_ = 	snop  }
0x3c: {  	p2 =	seq.s32 s10, $0x1;
	s10 =	sld [smem:$0x3FB9]  }
0x3d: {  	_ =	shalt  }
0x3e: {  	_ =	shalt  }
0x3f: {  	_ =	shalt  }
0x40: {  	_ =	shalt  }
0x41: {  	_ =	shalt  }
0x42: {  	_ =	shalt  }
0x43: {  	_ =	shalt  }
0x44: {  	_ =	shalt  }
0x45: {  	_ =	shalt  }
0x46: {  	_ =	shalt  }
0x47: {  	_ =	shalt  }
0x48: {  	_ =	shalt  }
0x49: {  	_ =	shalt  }
0x4a: {  	_ =	shalt  }
0x4b: {  	_ =	shalt  }
0x4c: {  	_ =	shalt  }
0x4d: {  	_ =	shalt  }
0x4e: {  	_ =	shalt  }
0x4f: {  	_ =	shalt  }
0x50: {  	_ =	shalt  }
0x51: {  	_ =	shalt  }
0x52: {  	_ =	shalt  }
0x53: {  	_ =	shalt  }
0x54: {  	_ =	shalt  }
0x55: {  	_ =	shalt  }
0x56: {  	_ =	shalt  }
0x57: {  	_ =	shalt  }
0x58: {  	_ =	shalt  }
0x59: {  	_ =	shalt  }
0x5a: {  	_ =	shalt  }
0x5b: {  	_ =	shalt  }
0x5c: {  	_ =	shalt  }
0x5d: {  	_ =	shalt  }
0x5e: {  	_ =	shalt  }
0x5f: {  	_ =	shalt  }
0x60: {  	_ =	shalt  }
0x61: {  	_ =	shalt  }
0x62: {  	_ =	shalt  }
0x63: {  	_ =	shalt  }
0x64: {  	_ =	shalt  }
0x65: {  	_ =	shalt  }
0x66: {  	_ =	shalt  }
0x67: {  	_ =	shalt  }
0x68: {  	_ =	shalt  }
0x69: {  	_ =	shalt  }
0x6a: {  	_ =	shalt  }
0x6b: {  	_ =	shalt  }
0x6c: {  	_ =	shalt  }
0x6d: {  	_ =	shalt  }
0x6e: {  	_ =	shalt  }
0x6f: {  	_ =	shalt  }
0x70: {  	_ =	shalt  }
0x71: {  	_ =	shalt  }
0x72: {  	_ =	shalt  }
0x73: {  	_ =	shalt  }
0x74: {  	_ =	shalt  }
0x75: {  	_ =	shalt  }
0x76: {  	_ =	shalt  }
0x77: {  	_ =	shalt  }
0x78: {  	_ =	shalt  }
0x79: {  	_ =	shalt  }
0x7a: {  	_ =	shalt  }
0x7b: {  	_ =	shalt  }
0x7c: {  	_ =	shalt  }
0x7d: {  	_ =	shalt  }
0x7e: {  	_ =	shalt  }
0x7f: {  	_ =	shalt  }
0x80: {  	_ =	shalt  }
0x81: {  	_ =	shalt  }
0x82: {  	_ =	shalt  }
0x83: {  	_ =	shalt  }
0x84: {  	_ =	shalt  }
0x85: {  	_ =	shalt  }
0x86: {  	_ =	shalt  }
0x87: {  	_ =	shalt  }
.Lfunc_end0:
.L_simem_size_0:
called_computation.1_lowered:
.L_overlay_start_0:
0x88: {  	s2 =	sld [smem:$0x3FD9]  }
0x89: {  	s3 =	sld [smem:$0x3FFE];
	_ =	sdelay $0x1  }
0x8a: {  	s1 =	srdreg.scid  }
0x8b: {  	s0 =	sand.u32 $0x1, s1  }
0x8c: {  	s16 =	sshll.u32 s0, $0xA;
	s2 =	sadd.s32 s3, s2  }
0x8d: {  	s2 =	sadd.s32 s2, s16  }
0x8e: {  	[smem:$0x3FC5] =	sst s2  }
0x8f: {  	_ = 	snop  }
0x90: {  	(tm) =	ssettm $0x1  }
0x91: {  	s17 =	sld [smem:$0x3FFB];
	_ =	sdelay $0x3  }
0x92: {  	_ =	strace s17  }
0x93: {  	s2 =	sld [smem:$0x3FFC];
	_ =	sdelay $0x3  }
0x94: {  	_ =	strace s2  }
0x95: {  	s2 =	sld [smem:$0x3FFD];
	_ =	sdelay $0x3  }
0x96: {  	_ =	strace s2  }
0x97: {  	_ =	strace $0x8FFFFFFF  }
0x98: {  	s18 =	sld [smem:$0x3FDB];
	_ =	sdelay $0x1  }
0x99: {  	s19 =	simm.s32 $_scs_section_size  }
0x9a: {  	s4 =	simm.s32 $_size__tile_overlayer_lowered;
	s5 =	simm.s32 $_tile_overlayer_lowered  }
0x9b: {  	s22 =	simm.s32 $0x1BFF;
	s21 =	sshll.u32 s5, $0x1;
	s2 =	sadd.s32 s19, s18  }
0x9c: {  	s6 =	simm.s32 $0x0;
	s20 =	sshll.u32 s4, $0x1;
	s4 =	sadd.s32 s21, s2  }
0x9d: {  	[timem:s6], [sflag:s22] =	dma.local [hbm:s4], s20  }
0x9e: {  	_ =	swait.ge [sflag:s22], s20  }
0x9f: {  	s3 =	ssub.s32 $0x0, s20;
	[sflag:s22] =	ssyncset.done $0x0  }
0xa0: {  	[sflag:s22] =	ssyncadd.s32 s3;
	_ =	sdelay $0x1  }
0xa1: {  	s23 =	simm.s32 $0x1B8B  }
0xa2: {  	_ =	swait.ge [sflag:s23], $0x1  }
0xa3: {  	[sflag:s23] =	ssyncset.done $0x0  }
0xa4: {  	s25 =	simm.s32 $0x1B8E;
	s24 =	sld [smem:$0x3FFE];
	[sflag:s23] =	ssyncadd.s32 $0xFFFFFFFF  }
0xa5: {  	s26 =	simm.s32 $execute0_lowered;
	[smem:$0x3FD2] =	sst s25  }
0xa6: {  	s4 =	sshll.u32 s26, $0x1;
	_ =	strace $0x80000046;
	[dreg:$0x1] =	wrdreg $0xFFFFFFFF  }
0xa7: {  	s28 =	simm.s32 $_size_execute0_lowered;
	s2 =	sadd.s32 s2, s4;
	[dreg:$0x0] =	wrdreg $0x0  }
0xa8: {  	s4 =	sshll.u32 s28, $0x1;
	[dreg:$0x2] =	wrdreg s2  }
0xa9: {  	[dreg:$0x3] =	wrdreg s4  }
0xaa: {  	[dreg:$0x4] =	wrdreg $0xC0  }
0xab: {  	_ =	task [dreg:s6], $0x5FFFF  }
0xac: {  	[dreg:$0x1] =	wrdreg $0xFFFFFFFF  }
0xad: {  	[dreg:$0x0] =	wrdreg $0x60  }
0xae: {  	[dreg:$0x2] =	wrdreg s24  }
0xaf: {  	[dreg:$0x3] =	wrdreg $0xA  }
0xb0: {  	_ =	task.clear_ibuf [dreg:s6], $0x4FFFF;
	_ =	strace $0x90000046  }
0xb1: {  	s29 =	simm.s32 $0xA;
	_ =	strace $0x80000048  }
0xb2: {  	_ =	swait.ge [sflag:s29], $0x1  }
0xb3: {  	[sflag:s29] =	ssyncadd.s32 $0xFFFFFFFF  }
0xb4: {  	_ =	strace $0x90000048  }
0xb5: {  	_ =	sfence  }
0xb6: {  	s30 =	sld [smem:$0x0];
	_ =	sdelay $0x2  }
0xb7: {  	s31 =	sshll.u32 s1, $0xD;
	s1 =	sshrl.u32 s1, $0x2  }
0xb8: {  	s3 =	sand.u32 $0x4000, s31;
	s1 =	sadd.s32 s1, s30  }
0xb9: {  	s0 =	sor.u32 s3, s0;
	s1 =	sshll.u32 s1, $0x11  }
0xba: {  	s0 =	sor.u32 s1, s0  }
0xbb: {  	s0 =	sadd.s32 $0x8F2B, s0  }
0xbc: {  	[sflag:s0] =	ssyncadd.remote.s32 $0x1  }
0xbd: {  	_ =	sfence.sel $0xFFFF  }
0xbe: {  	[dreg:$0x0] =	wrdreg $0xFFFFFFFF;
	(pc) =	sbr.abs _section_cstart, $3  }
0xbf: {  	[dreg:$0x1] =	wrdreg $0xFFFFFFFF  }
0xc0: {  	_ =	task.clear_ibuf [dreg:s6], $0x2FFFF;
	_ =	strace $0x9FFFFFFF  }
0xc1: {  	(tm) =	ssettm $0x7FFFFFFF  }
tec
execute0_lowered:
.L_overlay_start_1:
0x0: {  	(tag) =	ssettag $0x1  }
0x1: {  	s3 =	rddreg [dreg:$0x0]  }
0x2: {  	s0 =	rddreg [dreg:$0x1];
	s2 =	simm.s32 $0x0;
	s4 =	srdreg.scid  }
0x3: {  	s1 =	stileid.u32;
	s12 =	simm.s32 $0x1;
	s13 =	simm.s32 $0xC800  }
0x4: {  	s14 =	simm.s32 $0x1A000;
	s15 =	simm.s32 $0x1C000;
	s16 =	simm.s32 $0x0  }
0x5: {  	[smem:$0x7FF] =	sst s2;
	s4 =	sand.u32 $0x1, s4;
	s5 =	sshll.u32 s1, $0x1  }
0x6: {  	s6 =	sadd.s32 $0x2600, s3;
	s7 =	sadd.s32 $0x6A600, s3;
	s5 =	sor.u32 s4, s5  }
0x7: {  	_ =	strace $0x80000047;
	s4 =	ssub.s32 $0x2, s4;
	s8 =	sshll.u32 s5, $0x9  }
0x8: {  	s9 =	smul.u32 $0x19000, s5;
	s10 =	sshll.u32 s5, $0xA;
	s11 =	sshrl.u32 s4, $0x1  }
0x9: {  	s5 =	smul.u32 $0x3200, s5;
	s8 =	sadd.s32 s8, s3;
	s10 =	sadd.s32 s10, s3  }
0xa: {  	s11 =	ssub.s32 s4, s11;
	s9 =	sshrl.u32 s9, $0x3;
	s3 =	sadd.s32 $0x66600, s8  }
0xb: {  	s4 =	sadd.s32 s6, s5;
	s5 =	sadd.s32 s7, s5;
	s8 =	sadd.s32 $0xCE600, s10  }
0xc: {  	v0 =	vimm.f32 $-3.399999950e+38;
	v1 =	vimm.s32 $0x7FFFFFFF;
	v4 =	vlaneseq.u32;
	s31 =	sadd.s32 $0x1900, s9;
	s9 =	sadd.s32 $0xD6600, s10;
	s10 =	smax.u32 s11, $0x1  }
0xd: {  	v2 =	vimm.s32 $0x0;
	v3 =	vor.u32 $0x80000010, v4;
	v4 =	vor.u32 $0x80000000, v4;
	s11 =	simm.s32 $0x19000;
	s6 =	sadd.s32 s6, s31;
	s7 =	sadd.s32 s7, s31  }
.LBB2_1:
0xe: {  	[tilespmem:s11], [sflag:$0x1] =	stream.linear.gather [hbm4b:s3+s2], $0x1000, $0x38;
	[tilespmem:$0x1E000] =	vst v63  }
0xf: {  	_ =	swait.ge [sflag:s12], $0x1000  }
0x10: {  	[sflag:s12] =	ssyncset.done $0x0  }
0x11: {  	s17 =	simm.s32 $0x40;
	s18 =	simm.s32 $0x0;
	[sflag:s12] =	ssyncadd.s32 $0xFFFFF000  }
.LBB2_2:
0x12: {  	p0 =	sne.s32 s17, $0x7FC0;
	[tilespmem:s18+$0x1A000] =	vst v0;
	s19 =	smov.u32 s17;
	s17 =	sadd.s32 $0x40, s17  }
.Ltmp0:
0x13: {  	[tilespmem:s18+$0x1C000] =	vst v1;
	(pc) =	sbr.rel @p0 .LBB2_2-.Ltmp0, $2  }
0x14: {  	_ =	sdelay $0x2  }
0x15: {  	s18 =	sshra.s32 s19, $0x2  }
0x16: {  	[tilespmem:s18+$0x1A000] =	vst v0  }
0x17: {  	[tilespmem:s18+$0x1C000] =	vst v1;
	s17 =	simm.s32 $0x0  }
0x18: {  	[tilespmem:s17], [sflag:$0x1] =	stream.linear.gather [hbm4b:s4+s17], $0xC800, $0x38;
	[tilespmem:$0x1E000] =	vst v63  }
0x19: {  	_ =	swait.ge [sflag:s12], $0xC800  }
0x1a: {  	[sflag:s12] =	ssyncset.done $0x0  }
0x1b: {  	[sflag:s12] =	ssyncadd.s32 $0xFFFF3800  }
0x1c: {  	[tilespmem:s13], [sflag:$0x1] =	stream.linear.gather [hbm4b:s5+s17], $0xC800, $0x38;
	[tilespmem:$0x1E000] =	vst v63  }
0x1d: {  	_ =	swait.ge [sflag:s12], $0xC800  }
0x1e: {  	s18 =	simm.s32 $0xC810;
	[sflag:s12] =	ssyncset.done $0x0  }
0x1f: {  	s19 =	simm.s32 $0x0;
	s20 =	simm.s32 $0x0;
	[sflag:s12] =	ssyncadd.s32 $0xFFFF3800  }
.LBB2_4:
0x20: {  	v9 =	vmov s19;
	_ =	sdelay $0x1  }
0x21: {  	s21 =	sshll.u32 s20, $0x7  }
0x22: {  	v7 =	vmov s18;
	s21 =	sand.u32 $0x3FFFFF80, s21  }
0x23: {  	s23 =	simm.s32 $0x0;
	v8 =	vld [tilespmem:s21+$0x19000]  }
0x24: {  	v5 =	vld.idx.msk [tilespmem:v9+s23+$0x0 ss:$0x1], $0xffff;
	_ =	sdelay $0x2  }
0x25: {  	v6 =	vld.idx.msk [tilespmem:v7+s23+$0xFFFFFFF0 ss:$0x1], $0xffff;
	_ =	sdelay $0x1  }
0x26: {  	vm0 =	vgt.f32 v5, v8  }
0x27: {  	v10 =	vsel vm0, v4, v3  }
0x28: {  	vm1 =	veq.f32 v5, v8;
	(xrf1) =	vsort.ascd.msk.u32 $0xffff, v10, v5  }
0x29: {  	v11 =	vsel vm1, v4, v3;
	(xrf1) =	vsort.ascd.msk.u32 $0xffff, v10, v6  }
0x2a: {  	(xrf1) =	vsort.ascd.msk.u32 $0xffff, v11, v5  }
0x2b: {  	(xrf1) =	vsort.ascd.msk.u32 $0xffff, v11, v6;
	_ =	sdelay $0x5  }
0x2c: {  	s22 =	sshll.u32 s20, $0x8  }
0x2d: {  	v6 =	vmov s22  }
0x2e: {  	s21 =	sor.u32 $0x80, s22  }
0x2f: {  	v5 =	vmov s21;
	_ =	sdelay $0x1  }
0x30: {  	_, v10, _ =	vpop (xrf1)  }
0x31: {  	[tilespmem:v6+s17+$0x1A000 ss:$0x1] =	vst.idx.msk $0xffff, v10;
	_, v10, _ =	vpop (xrf1)  }
0x32: {  	[tilespmem:v6+s17+$0x1C000 ss:$0x1] =	vst.idx.msk $0xffff, v10;
	_, v10, _ =	vpop (xrf1)  }
0x33: {  	[tilespmem:v5+s17+$0x1A000 ss:$0x1] =	vst.idx.msk $0xffff, v10;
	_, v10, _ =	vpop (xrf1)  }
0x34: {  	v11 =	vsel vm0, $0x1, v2;
	[tilespmem:v5+s17+$0x1C000 ss:$0x1] =	vst.idx.msk $0xffff, v10  }
0x35: {  	(xrf0) =	vadd.scan.msk.s32 $0xffff, v11;
	v10 =	vld.idx.msk [tilespmem:v9+s23+$0x10 ss:$0x1], $0xffff  }
0x36: {  	v11 =	vsel vm1, $0x1, v2  }
0x37: {  	(xrf0) =	vadd.scan.msk.s32 $0xffff, v11;
	_ =	sdelay $0x2  }
0x38: {  	vm14 =	vgt.f32 v10, v8  }
0x39: {  	v11, _, _ =	vpop (xrf0);
	vm15 =	veq.f32 v10, v8;
	v12 =	vsel vm14, $0x1, v2  }
0x3a: {  	(v2sf) =	vpush v11, $0xF;
	v11 =	vld.idx.msk [tilespmem:v7+s23+$0x0 ss:$0x1], $0xffff;
	v13 =	vsel vm15, $0x1, v2;
	(xrf0) =	vadd.scan.msk.s32 $0xffff, v12  }
0x3b: {  	v61, _, _ =	vpop (xrf0);
	(xrf0) =	vadd.scan.msk.s32 $0xffff, v13  }
0x3c: {  	(v2sf) =	vpush v61, $0xF  }
0x3d: {  	v62 =	vsel vm14, v4, v3  }
0x3e: {  	(xrf1) =	vsort.ascd.msk.u32 $0xffff, v62, v10  }
0x3f: {  	v63 =	vsel vm15, v4, v3;
	(xrf1) =	vsort.ascd.msk.u32 $0xffff, v62, v11  }
0x40: {  	(xrf1) =	vsort.ascd.msk.u32 $0xffff, v63, v10;
	v10, _, _ =	vpop (xrf0)  }
0x41: {  	(xrf1) =	vsort.ascd.msk.u32 $0xffff, v63, v11;
	(v2sf) =	vpush v10, $0xF;
	v10, _, _ =	vpop (xrf0)  }
0x42: {  	(v2sf) =	vpush v10, $0xF;
	_ =	sdelay $0x6  }
0x43: {  	s30 =	spop (v2sf)  }
0x44: {  	s23 =	sadd.s32 $0x0, s30  }
0x45: {  	s24 =	spop (v2sf);
	p0 =	slt.s32 s23, $0x70  }
0x46: {  	s24 =	sadd.s32 $0x0, s24;
	s23 =	simm.s32 @!p0 $0x70;
	_, v10, _ =	vpop (xrf1)  }
0x47: {  	p0 =	slt.s32 s24, $0x70;
	[tilespmem:v6+s23+$0x1A000 ss:$0x1] =	vst.idx.msk $0xffff, v10;
	_, v10, _ =	vpop (xrf1)  }
0x48: {  	s24 =	simm.s32 @!p0 $0x70;
	[tilespmem:v6+s23+$0x1C000 ss:$0x1] =	vst.idx.msk $0xffff, v10;
	_, v10, _ =	vpop (xrf1)  }
0x49: {  	[tilespmem:v5+s24+$0x1A000 ss:$0x1] =	vst.idx.msk $0xffff, v10;
	_, v10, _ =	vpop (xrf1)  }
0x4a: {  	s26 =	simm.s32 $0x20;
	[tilespmem:v5+s24+$0x1C000 ss:$0x1] =	vst.idx.msk $0xffff, v10;
	s25 =	spop (v2sf)  }
0x4b: {  	v10 =	vld.idx.msk [tilespmem:v9+s26+$0x0 ss:$0x1], $0xffff;
	s23 =	sadd.s32 s23, s25;
	s31 =	spop (v2sf)  }
0x4c: {  	s29 =	simm.s32 $0x100;
	v11 =	vld.idx.msk [tilespmem:v7+s26+$0xFFFFFFF0 ss:$0x1], $0xffff;
	p1 =	slt.s32 s23, $0x70;
	s24 =	sadd.s32 s24, s31  }
.LBB2_5:
0x4d: {  	s23 =	simm.s32 @!p1 $0x70  }
0x4e: {  	p1 =	slt.s32 s24, $0x70;
	s28 =	smov.u32 s29;
	s25 =	sadd.s32 $0x80, s29  }
0x4f: {  	p0 =	sne.s32 s29, $0x3180;
	s24 =	simm.s32 @!p1 $0x70  }
0x50: {  	vm0 =	vgt.f32 v10, v8;
	vm1 =	veq.f32 v10, v8  }
0x51: {  	v12 =	vsel vm0, $0x1, v2;
	v13 =	vsel vm0, v4, v3;
	v14 =	vsel vm1, v4, v3  }
0x52: {  	v15 =	vsel vm1, $0x1, v2;
	(xrf1) =	vsort.ascd.msk.u32 $0xffff, v13, v10  }
0x53: {  	(xrf1) =	vsort.ascd.msk.u32 $0xffff, v13, v11  }
0x54: {  	(xrf1) =	vsort.ascd.msk.u32 $0xffff, v14, v10  }
0x55: {  	(xrf1) =	vsort.ascd.msk.u32 $0xffff, v14, v11  }
0x56: {  	(xrf0) =	vadd.scan.msk.s32 $0xffff, v12  }
0x57: {  	(xrf0) =	vadd.scan.msk.s32 $0xffff, v15;
	_ =	sdelay $0x4  }
0x58: {  	v10, _, _ =	vpop (xrf0)  }
0x59: {  	(v2sf) =	vpush v10, $0xF;
	v10, _, _ =	vpop (xrf0)  }
0x5a: {  	(v2sf) =	vpush v10, $0xF;
	_ =	sdelay $0x1  }
0x5b: {  	_, v10, _ =	vpop (xrf1)  }
0x5c: {  	[tilespmem:v6+s23+$0x1A000 ss:$0x1] =	vst.idx.msk $0xffff, v10;
	_, v10, _ =	vpop (xrf1)  }
0x5d: {  	[tilespmem:v6+s23+$0x1C000 ss:$0x1] =	vst.idx.msk $0xffff, v10;
	_, v10, _ =	vpop (xrf1)  }
0x5e: {  	[tilespmem:v5+s24+$0x1A000 ss:$0x1] =	vst.idx.msk $0xffff, v10;
	_, v10, _ =	vpop (xrf1)  }
0x5f: {  	[tilespmem:v5+s24+$0x1C000 ss:$0x1] =	vst.idx.msk $0xffff, v10  }
0x60: {  	v10 =	vld.idx.msk [tilespmem:v9+s26+$0x10 ss:$0x1], $0xffff;
	_ =	sdelay $0x4  }
0x61: {  	v11 =	vld.idx.msk [tilespmem:v7+s26+$0x0 ss:$0x1], $0xffff  }
0x62: {  	vm0 =	vgt.f32 v10, v8;
	vm1 =	veq.f32 v10, v8  }
0x63: {  	v12 =	vsel vm0, $0x1, v2;
	v13 =	vsel vm1, $0x1, v2;
	v14 =	vsel vm0, v4, v3;
	s26 =	spop (v2sf)  }
0x64: {  	v15 =	vsel vm1, v4, v3;
	s23 =	sadd.s32 s23, s26;
	s26 =	spop (v2sf);
	(xrf0) =	vadd.scan.msk.s32 $0xffff, v12  }
0x65: {  	p2 =	slt.s32 s23, $0x70;
	s24 =	sadd.s32 s24, s26;
	(xrf0) =	vadd.scan.msk.s32 $0xffff, v13  }
0x66: {  	p1 =	slt.s32 s24, $0x70;
	(xrf1) =	vsort.ascd.msk.u32 $0xffff, v14, v10  }
0x67: {  	(xrf1) =	vsort.ascd.msk.u32 $0xffff, v14, v11  }
0x68: {  	(xrf1) =	vsort.ascd.msk.u32 $0xffff, v15, v10  }
0x69: {  	(xrf1) =	vsort.ascd.msk.u32 $0xffff, v15, v11  }
0x6a: {  	v10, _, _ =	vpop (xrf0)  }
0x6b: {  	(v2sf) =	vpush v10, $0xF;
	v10, _, _ =	vpop (xrf0)  }
0x6c: {  	(v2sf) =	vpush v10, $0xF;
	_ =	sdelay $0x7  }
0x6d: {  	s23 =	simm.s32 @!p2 $0x70;
	_, v10, _ =	vpop (xrf1)  }
0x6e: {  	[tilespmem:v6+s23+$0x1A000 ss:$0x1] =	vst.idx.msk $0xffff, v10;
	_, v10, _ =	vpop (xrf1)  }
0x6f: {  	s24 =	simm.s32 @!p1 $0x70;
	[tilespmem:v6+s23+$0x1C000 ss:$0x1] =	vst.idx.msk $0xffff, v10;
	_, v10, _ =	vpop (xrf1)  }
0x70: {  	[tilespmem:v5+s24+$0x1A000 ss:$0x1] =	vst.idx.msk $0xffff, v10;
	_, v10, _ =	vpop (xrf1)  }
.Ltmp1:
0x71: {  	s26 =	sshra.s32 s28, $0x2;
	[tilespmem:v5+s24+$0x1C000 ss:$0x1] =	vst.idx.msk $0xffff, v10;
	(pc) =	sbr.rel @p0 .LBB2_5-.Ltmp1, $4  }
0x72: {  	v10 =	vld.idx.msk [tilespmem:v9+s26+$0x0 ss:$0x1], $0xffff  }
0x73: {  	s28 =	spop (v2sf)  }
0x74: {  	s23 =	sadd.s32 s23, s28;
	s28 =	spop (v2sf)  }
0x75: {  	s29 =	smov.u32 s25;
	v11 =	vld.idx.msk [tilespmem:v7+s26+$0xFFFFFFF0 ss:$0x1], $0xffff;
	p1 =	slt.s32 s23, $0x70;
	s24 =	sadd.s32 s24, s28  }
0x76: {  	_ = 	snop  }
0x77: {  	vm0 =	vgt.f32 v10, v8  }
0x78: {  	v12 =	vsel vm0, v4, v3  }
0x79: {  	vm1 =	veq.f32 v10, v8;
	(xrf1) =	vsort.ascd.msk.u32 $0xffff, v12, v10  }
0x7a: {  	v13 =	vsel vm1, v4, v3;
	(xrf1) =	vsort.ascd.msk.u32 $0xffff, v12, v11  }
0x7b: {  	(xrf1) =	vsort.ascd.msk.u32 $0xffff, v13, v10  }
0x7c: {  	(xrf1) =	vsort.ascd.msk.u32 $0xffff, v13, v11;
	_ =	sdelay $0xa  }
0x7d: {  	s23 =	simm.s32 @!p1 $0x70;
	_, v51, _ =	vpop (xrf1)  }
0x7e: {  	p0 =	slt.s32 s24, $0x70;
	[tilespmem:v6+s23+$0x1A000 ss:$0x1] =	vst.idx.msk $0xffff, v51;
	_, v52, _ =	vpop (xrf1)  }
0x7f: {  	s24 =	simm.s32 @!p0 $0x70;
	[tilespmem:v6+s23+$0x1C000 ss:$0x1] =	vst.idx.msk $0xffff, v52;
	_, v53, _ =	vpop (xrf1)  }
0x80: {  	[tilespmem:v5+s24+$0x1A000 ss:$0x1] =	vst.idx.msk $0xffff, v53;
	_, v54, _ =	vpop (xrf1)  }
0x81: {  	[tilespmem:v5+s24+$0x1C000 ss:$0x1] =	vst.idx.msk $0xffff, v54  }
0x82: {  	v9 =	vld.idx.msk [tilespmem:v9+s26+$0x10 ss:$0x1], $0xffff;
	_ =	sdelay $0x2  }
0x83: {  	v55 =	vsel vm0, $0x1, v2  }
0x84: {  	v56 =	vsel vm1, $0x1, v2;
	(xrf0) =	vadd.scan.msk.s32 $0xffff, v55  }
0x85: {  	(xrf0) =	vadd.scan.msk.s32 $0xffff, v56;
	vm14 =	vgt.f32 v9, v8  }
0x86: {  	vm15 =	veq.f32 v9, v8;
	v57 =	vsel vm14, $0x1, v2  }
0x87: {  	v8 =	vsel vm15, $0x1, v2;
	(xrf0) =	vadd.scan.msk.s32 $0xffff, v57  }
0x88: {  	(xrf0) =	vadd.scan.msk.s32 $0xffff, v8;
	_ =	sdelay $0x1  }
0x89: {  	v58, _, _ =	vpop (xrf0)  }
0x8a: {  	(v2sf) =	vpush v58, $0xF;
	v59, _, _ =	vpop (xrf0);
	v7 =	vld.idx.msk [tilespmem:v7+s26+$0x0 ss:$0x1], $0xffff  }
0x8b: {  	(v2sf) =	vpush v59, $0xF  }
0x8c: {  	v60, _, _ =	vpop (xrf0)  }
0x8d: {  	v61 =	vsel vm14, v4, v3;
	(v2sf) =	vpush v60, $0xF;
	v62, _, _ =	vpop (xrf0)  }
0x8e: {  	(xrf1) =	vsort.ascd.msk.u32 $0xffff, v61, v9;
	(v2sf) =	vpush v62, $0xF  }
0x8f: {  	(xrf1) =	vsort.ascd.msk.u32 $0xffff, v61, v7  }
0x90: {  	v63 =	vsel vm15, v4, v3  }
0x91: {  	(xrf1) =	vsort.ascd.msk.u32 $0xffff, v63, v9  }
0x92: {  	(xrf1) =	vsort.ascd.msk.u32 $0xffff, v63, v7;
	_ =	sdelay $0x6  }
0x93: {  	s25 =	spop (v2sf)  }
0x94: {  	s23 =	sadd.s32 s23, s25;
	s29 =	spop (v2sf)  }
0x95: {  	p0 =	slt.s32 s23, $0x70;
	s24 =	sadd.s32 s24, s29  }
0x96: {  	s23 =	simm.s32 @!p0 $0x70;
	p0 =	slt.s32 s24, $0x70;
	_, v7, _ =	vpop (xrf1);
	s30 =	spop (v2sf)  }
0x97: {  	s24 =	simm.s32 @!p0 $0x70;
	[tilespmem:v6+s23+$0x1A000 ss:$0x1] =	vst.idx.msk $0xffff, v7;
	_, v7, _ =	vpop (xrf1);
	s25 =	sadd.s32 s23, s30;
	s31 =	spop (v2sf)  }
0x98: {  	[tilespmem:v6+s23+$0x1C000 ss:$0x1] =	vst.idx.msk $0xffff, v7;
	p0 =	slt.s32 s25, $0x70;
	s23 =	sadd.s32 s24, s31  }
0x99: {  	s20 =	sadd.s32 $0x1, s20;
	_, v6, _ =	vpop (xrf1);
	s25 =	simm.s32 @!p0 $0x70;
	p0 =	slt.s32 s23, $0x70  }
0x9a: {  	[tilespmem:v5+s24+$0x1A000 ss:$0x1] =	vst.idx.msk $0xffff, v6;
	_, v6, _ =	vpop (xrf1);
	s23 =	simm.s32 @!p0 $0x70;
	p0 =	sne.s32 s20, $0x10  }
.Ltmp2:
0x9b: {  	[tilespmem:v5+s24+$0x1C000 ss:$0x1] =	vst.idx.msk $0xffff, v6;
	s22 =	sadd.s32 s22, s25;
	(pc) =	sbr.rel @p0 .LBB2_4-.Ltmp2, $4  }
0x9c: {  	[tilespmem:s22+$0x1A000] =	vst v0  }
0x9d: {  	[tilespmem:s22+$0x1C000] =	vst v1;
	s21 =	sadd.s32 s21, s23  }
0x9e: {  	[tilespmem:s21+$0x1A000] =	vst v0  }
0x9f: {  	s19 =	sadd.s32 $0xC80, s19;
	s18 =	sadd.s32 $0xC80, s18;
	[tilespmem:s21+$0x1C000] =	vst v1  }
0xa0: {  	s17 =	simm.s32 $0x0  }
0xa1: {  	[tilespmem:s17], [sflag:$0x1] =	stream.linear.gather [hbm4b:s6+s17], $0xC800, $0x38;
	[tilespmem:$0x1E000] =	vst v63  }
0xa2: {  	_ =	swait.ge [sflag:s12], $0xC800  }
0xa3: {  	[sflag:s12] =	ssyncset.done $0x0  }
0xa4: {  	[sflag:s12] =	ssyncadd.s32 $0xFFFF3800  }
0xa5: {  	[tilespmem:s13], [sflag:$0x1] =	stream.linear.gather [hbm4b:s7+s17], $0xC800, $0x38;
	[tilespmem:$0x1E000] =	vst v63  }
0xa6: {  	_ =	swait.ge [sflag:s12], $0xC800  }
0xa7: {  	s18 =	simm.s32 $0xC810;
	[sflag:s12] =	ssyncset.done $0x0  }
0xa8: {  	s19 =	simm.s32 $0x0;
	s20 =	simm.s32 $0x0;
	[sflag:s12] =	ssyncadd.s32 $0xFFFF3800  }
.LBB2_8:
0xa9: {  	v9 =	vmov s19  }
0xaa: {  	s21 =	sor.u32 $0x10, s20  }
0xab: {  	s22 =	sshll.u32 s21, $0x7  }
0xac: {  	v7 =	vmov s18;
	s22 =	sand.u32 $0x3FFFFF80, s22  }
0xad: {  	s23 =	simm.s32 $0x0;
	v8 =	vld [tilespmem:s22+$0x19000]  }
0xae: {  	v5 =	vld.idx.msk [tilespmem:v9+s23+$0x0 ss:$0x1], $0xffff;
	_ =	sdelay $0x2  }
0xaf: {  	v6 =	vld.idx.msk [tilespmem:v7+s23+$0xFFFFFFF0 ss:$0x1], $0xffff;
	_ =	sdelay $0x1  }
0xb0: {  	vm0 =	vgt.f32 v5, v8  }
0xb1: {  	v10 =	vsel vm0, v4, v3  }
0xb2: {  	vm1 =	veq.f32 v5, v8;
	(xrf1) =	vsort.ascd.msk.u32 $0xffff, v10, v5  }
0xb3: {  	v11 =	vsel vm1, v4, v3;
	(xrf1) =	vsort.ascd.msk.u32 $0xffff, v10, v6  }
0xb4: {  	(xrf1) =	vsort.ascd.msk.u32 $0xffff, v11, v5  }
0xb5: {  	(xrf1) =	vsort.ascd.msk.u32 $0xffff, v11, v6;
	_ =	sdelay $0x5  }
0xb6: {  	s22 =	sshll.u32 s21, $0x8  }
0xb7: {  	v6 =	vmov s22  }
0xb8: {  	s21 =	sor.u32 $0x80, s22  }
0xb9: {  	v5 =	vmov s21;
	_ =	sdelay $0x1  }
0xba: {  	_, v10, _ =	vpop (xrf1)  }
0xbb: {  	[tilespmem:v6+s17+$0x1A000 ss:$0x1] =	vst.idx.msk $0xffff, v10;
	_, v10, _ =	vpop (xrf1)  }
0xbc: {  	[tilespmem:v6+s17+$0x1C000 ss:$0x1] =	vst.idx.msk $0xffff, v10;
	_, v10, _ =	vpop (xrf1)  }
0xbd: {  	[tilespmem:v5+s17+$0x1A000 ss:$0x1] =	vst.idx.msk $0xffff, v10;
	_, v10, _ =	vpop (xrf1)  }
0xbe: {  	v11 =	vsel vm0, $0x1, v2;
	[tilespmem:v5+s17+$0x1C000 ss:$0x1] =	vst.idx.msk $0xffff, v10  }
0xbf: {  	(xrf0) =	vadd.scan.msk.s32 $0xffff, v11;
	v10 =	vld.idx.msk [tilespmem:v9+s23+$0x10 ss:$0x1], $0xffff  }
0xc0: {  	v11 =	vsel vm1, $0x1, v2  }
0xc1: {  	(xrf0) =	vadd.scan.msk.s32 $0xffff, v11;
	_ =	sdelay $0x2  }
0xc2: {  	vm14 =	vgt.f32 v10, v8  }
0xc3: {  	v11, _, _ =	vpop (xrf0);
	vm15 =	veq.f32 v10, v8;
	v12 =	vsel vm14, $0x1, v2  }
0xc4: {  	(v2sf) =	vpush v11, $0xF;
	v11 =	vld.idx.msk [tilespmem:v7+s23+$0x0 ss:$0x1], $0xffff;
	v13 =	vsel vm15, $0x1, v2;
	(xrf0) =	vadd.scan.msk.s32 $0xffff, v12  }
0xc5: {  	v61, _, _ =	vpop (xrf0);
	(xrf0) =	vadd.scan.msk.s32 $0xffff, v13  }
0xc6: {  	(v2sf) =	vpush v61, $0xF  }
0xc7: {  	v62 =	vsel vm14, v4, v3  }
0xc8: {  	(xrf1) =	vsort.ascd.msk.u32 $0xffff, v62, v10  }
0xc9: {  	v63 =	vsel vm15, v4, v3;
	(xrf1) =	vsort.ascd.msk.u32 $0xffff, v62, v11  }
0xca: {  	(xrf1) =	vsort.ascd.msk.u32 $0xffff, v63, v10;
	v10, _, _ =	vpop (xrf0)  }
0xcb: {  	(xrf1) =	vsort.ascd.msk.u32 $0xffff, v63, v11;
	(v2sf) =	vpush v10, $0xF;
	v10, _, _ =	vpop (xrf0)  }
0xcc: {  	(v2sf) =	vpush v10, $0xF;
	_ =	sdelay $0x6  }
0xcd: {  	s30 =	spop (v2sf)  }
0xce: {  	s23 =	sadd.s32 $0x0, s30  }
0xcf: {  	s24 =	spop (v2sf);
	p0 =	slt.s32 s23, $0x70  }
0xd0: {  	s24 =	sadd.s32 $0x0, s24;
	s23 =	simm.s32 @!p0 $0x70;
	_, v10, _ =	vpop (xrf1)  }
0xd1: {  	p0 =	slt.s32 s24, $0x70;
	[tilespmem:v6+s23+$0x1A000 ss:$0x1] =	vst.idx.msk $0xffff, v10;
	_, v10, _ =	vpop (xrf1)  }
0xd2: {  	s24 =	simm.s32 @!p0 $0x70;
	[tilespmem:v6+s23+$0x1C000 ss:$0x1] =	vst.idx.msk $0xffff, v10;
	_, v10, _ =	vpop (xrf1)  }
0xd3: {  	[tilespmem:v5+s24+$0x1A000 ss:$0x1] =	vst.idx.msk $0xffff, v10;
	_, v10, _ =	vpop (xrf1)  }
0xd4: {  	s26 =	simm.s32 $0x20;
	[tilespmem:v5+s24+$0x1C000 ss:$0x1] =	vst.idx.msk $0xffff, v10;
	s25 =	spop (v2sf)  }
0xd5: {  	v10 =	vld.idx.msk [tilespmem:v9+s26+$0x0 ss:$0x1], $0xffff;
	s23 =	sadd.s32 s23, s25;
	s31 =	spop (v2sf)  }
0xd6: {  	s29 =	simm.s32 $0x100;
	v11 =	vld.idx.msk [tilespmem:v7+s26+$0xFFFFFFF0 ss:$0x1], $0xffff;
	p1 =	slt.s32 s23, $0x70;
	s24 =	sadd.s32 s24, s31  }
.LBB2_9:
0xd7: {  	s23 =	simm.s32 @!p1 $0x70  }
0xd8: {  	p1 =	slt.s32 s24, $0x70;
	s28 =	smov.u32 s29;
	s25 =	sadd.s32 $0x80, s29  }
0xd9: {  	p0 =	sne.s32 s29, $0x3180;
	s24 =	simm.s32 @!p1 $0x70  }
0xda: {  	vm0 =	vgt.f32 v10, v8;
	vm1 =	veq.f32 v10, v8  }
0xdb: {  	v12 =	vsel vm0, $0x1, v2;
	v13 =	vsel vm0, v4, v3;
	v14 =	vsel vm1, v4, v3  }
0xdc: {  	v15 =	vsel vm1, $0x1, v2;
	(xrf1) =	vsort.ascd.msk.u32 $0xffff, v13, v10  }
0xdd: {  	(xrf1) =	vsort.ascd.msk.u32 $0xffff, v13, v11  }
0xde: {  	(xrf1) =	vsort.ascd.msk.u32 $0xffff, v14, v10  }
0xdf: {  	(xrf1) =	vsort.ascd.msk.u32 $0xffff, v14, v11  }
0xe0: {  	(xrf0) =	vadd.scan.msk.s32 $0xffff, v12  }
0xe1: {  	(xrf0) =	vadd.scan.msk.s32 $0xffff, v15;
	_ =	sdelay $0x4  }
0xe2: {  	v10, _, _ =	vpop (xrf0)  }
0xe3: {  	(v2sf) =	vpush v10, $0xF;
	v10, _, _ =	vpop (xrf0)  }
0xe4: {  	(v2sf) =	vpush v10, $0xF;
	_ =	sdelay $0x1  }
0xe5: {  	_, v10, _ =	vpop (xrf1)  }
0xe6: {  	[tilespmem:v6+s23+$0x1A000 ss:$0x1] =	vst.idx.msk $0xffff, v10;
	_, v10, _ =	vpop (xrf1)  }
0xe7: {  	[tilespmem:v6+s23+$0x1C000 ss:$0x1] =	vst.idx.msk $0xffff, v10;
	_, v10, _ =	vpop (xrf1)  }
0xe8: {  	[tilespmem:v5+s24+$0x1A000 ss:$0x1] =	vst.idx.msk $0xffff, v10;
	_, v10, _ =	vpop (xrf1)  }
0xe9: {  	[tilespmem:v5+s24+$0x1C000 ss:$0x1] =	vst.idx.msk $0xffff, v10  }
0xea: {  	v10 =	vld.idx.msk [tilespmem:v9+s26+$0x10 ss:$0x1], $0xffff;
	_ =	sdelay $0x4  }
0xeb: {  	v11 =	vld.idx.msk [tilespmem:v7+s26+$0x0 ss:$0x1], $0xffff  }
0xec: {  	vm0 =	vgt.f32 v10, v8;
	vm1 =	veq.f32 v10, v8  }
0xed: {  	v12 =	vsel vm0, $0x1, v2;
	v13 =	vsel vm1, $0x1, v2;
	v14 =	vsel vm0, v4, v3;
	s26 =	spop (v2sf)  }
0xee: {  	v15 =	vsel vm1, v4, v3;
	s23 =	sadd.s32 s23, s26;
	s26 =	spop (v2sf);
	(xrf0) =	vadd.scan.msk.s32 $0xffff, v12  }
0xef: {  	p2 =	slt.s32 s23, $0x70;
	s24 =	sadd.s32 s24, s26;
	(xrf0) =	vadd.scan.msk.s32 $0xffff, v13  }
0xf0: {  	p1 =	slt.s32 s24, $0x70;
	(xrf1) =	vsort.ascd.msk.u32 $0xffff, v14, v10  }
0xf1: {  	(xrf1) =	vsort.ascd.msk.u32 $0xffff, v14, v11  }
0xf2: {  	(xrf1) =	vsort.ascd.msk.u32 $0xffff, v15, v10  }
0xf3: {  	(xrf1) =	vsort.ascd.msk.u32 $0xffff, v15, v11  }
0xf4: {  	v10, _, _ =	vpop (xrf0)  }
0xf5: {  	(v2sf) =	vpush v10, $0xF;
	v10, _, _ =	vpop (xrf0)  }
0xf6: {  	(v2sf) =	vpush v10, $0xF;
	_ =	sdelay $0x7  }
0xf7: {  	s23 =	simm.s32 @!p2 $0x70;
	_, v10, _ =	vpop (xrf1)  }
0xf8: {  	[tilespmem:v6+s23+$0x1A000 ss:$0x1] =	vst.idx.msk $0xffff, v10;
	_, v10, _ =	vpop (xrf1)  }
0xf9: {  	s24 =	simm.s32 @!p1 $0x70;
	[tilespmem:v6+s23+$0x1C000 ss:$0x1] =	vst.idx.msk $0xffff, v10;
	_, v10, _ =	vpop (xrf1)  }
0xfa: {  	[tilespmem:v5+s24+$0x1A000 ss:$0x1] =	vst.idx.msk $0xffff, v10;
	_, v10, _ =	vpop (xrf1)  }
.Ltmp3:
0xfb: {  	s26 =	sshra.s32 s28, $0x2;
	[tilespmem:v5+s24+$0x1C000 ss:$0x1] =	vst.idx.msk $0xffff, v10;
	(pc) =	sbr.rel @p0 .LBB2_9-.Ltmp3, $4  }
0xfc: {  	v10 =	vld.idx.msk [tilespmem:v9+s26+$0x0 ss:$0x1], $0xffff  }
0xfd: {  	s28 =	spop (v2sf)  }
0xfe: {  	s23 =	sadd.s32 s23, s28;
	s28 =	spop (v2sf)  }
0xff: {  	s29 =	smov.u32 s25;
	v11 =	vld.idx.msk [tilespmem:v7+s26+$0xFFFFFFF0 ss:$0x1], $0xffff;
	p1 =	slt.s32 s23, $0x70;
	s24 =	sadd.s32 s24, s28  }
0x100: {  	_ = 	snop  }
0x101: {  	vm0 =	vgt.f32 v10, v8  }
0x102: {  	v12 =	vsel vm0, v4, v3  }
0x103: {  	vm1 =	veq.f32 v10, v8;
	(xrf1) =	vsort.ascd.msk.u32 $0xffff, v12, v10  }
0x104: {  	v13 =	vsel vm1, v4, v3;
	(xrf1) =	vsort.ascd.msk.u32 $0xffff, v12, v11  }
0x105: {  	(xrf1) =	vsort.ascd.msk.u32 $0xffff, v13, v10  }
0x106: {  	(xrf1) =	vsort.ascd.msk.u32 $0xffff, v13, v11;
	_ =	sdelay $0xa  }
0x107: {  	s23 =	simm.s32 @!p1 $0x70;
	_, v51, _ =	vpop (xrf1)  }
0x108: {  	p0 =	slt.s32 s24, $0x70;
	[tilespmem:v6+s23+$0x1A000 ss:$0x1] =	vst.idx.msk $0xffff, v51;
	_, v52, _ =	vpop (xrf1)  }
0x109: {  	s24 =	simm.s32 @!p0 $0x70;
	[tilespmem:v6+s23+$0x1C000 ss:$0x1] =	vst.idx.msk $0xffff, v52;
	_, v53, _ =	vpop (xrf1)  }
0x10a: {  	[tilespmem:v5+s24+$0x1A000 ss:$0x1] =	vst.idx.msk $0xffff, v53;
	_, v54, _ =	vpop (xrf1)  }
0x10b: {  	[tilespmem:v5+s24+$0x1C000 ss:$0x1] =	vst.idx.msk $0xffff, v54  }
0x10c: {  	v9 =	vld.idx.msk [tilespmem:v9+s26+$0x10 ss:$0x1], $0xffff;
	_ =	sdelay $0x2  }
0x10d: {  	v55 =	vsel vm0, $0x1, v2  }
0x10e: {  	v56 =	vsel vm1, $0x1, v2;
	(xrf0) =	vadd.scan.msk.s32 $0xffff, v55  }
0x10f: {  	(xrf0) =	vadd.scan.msk.s32 $0xffff, v56;
	vm14 =	vgt.f32 v9, v8  }
0x110: {  	vm15 =	veq.f32 v9, v8;
	v57 =	vsel vm14, $0x1, v2  }
0x111: {  	v8 =	vsel vm15, $0x1, v2;
	(xrf0) =	vadd.scan.msk.s32 $0xffff, v57  }
0x112: {  	(xrf0) =	vadd.scan.msk.s32 $0xffff, v8;
	_ =	sdelay $0x1  }
0x113: {  	v58, _, _ =	vpop (xrf0)  }
0x114: {  	(v2sf) =	vpush v58, $0xF;
	v59, _, _ =	vpop (xrf0);
	v7 =	vld.idx.msk [tilespmem:v7+s26+$0x0 ss:$0x1], $0xffff  }
0x115: {  	(v2sf) =	vpush v59, $0xF  }
0x116: {  	v60, _, _ =	vpop (xrf0)  }
0x117: {  	v61 =	vsel vm14, v4, v3;
	(v2sf) =	vpush v60, $0xF;
	v62, _, _ =	vpop (xrf0)  }
0x118: {  	(xrf1) =	vsort.ascd.msk.u32 $0xffff, v61, v9;
	(v2sf) =	vpush v62, $0xF  }
0x119: {  	(xrf1) =	vsort.ascd.msk.u32 $0xffff, v61, v7  }
0x11a: {  	v63 =	vsel vm15, v4, v3  }
0x11b: {  	(xrf1) =	vsort.ascd.msk.u32 $0xffff, v63, v9  }
0x11c: {  	(xrf1) =	vsort.ascd.msk.u32 $0xffff, v63, v7;
	_ =	sdelay $0x6  }
0x11d: {  	s25 =	spop (v2sf)  }
0x11e: {  	s23 =	sadd.s32 s23, s25;
	s29 =	spop (v2sf)  }
0x11f: {  	p0 =	slt.s32 s23, $0x70;
	s24 =	sadd.s32 s24, s29  }
0x120: {  	s23 =	simm.s32 @!p0 $0x70;
	p0 =	slt.s32 s24, $0x70;
	_, v7, _ =	vpop (xrf1);
	s30 =	spop (v2sf)  }
0x121: {  	s24 =	simm.s32 @!p0 $0x70;
	[tilespmem:v6+s23+$0x1A000 ss:$0x1] =	vst.idx.msk $0xffff, v7;
	_, v7, _ =	vpop (xrf1);
	s25 =	sadd.s32 s23, s30;
	s31 =	spop (v2sf)  }
0x122: {  	[tilespmem:v6+s23+$0x1C000 ss:$0x1] =	vst.idx.msk $0xffff, v7;
	p0 =	slt.s32 s25, $0x70;
	s23 =	sadd.s32 s24, s31  }
0x123: {  	s20 =	sadd.s32 $0x1, s20;
	_, v6, _ =	vpop (xrf1);
	s25 =	simm.s32 @!p0 $0x70;
	p0 =	slt.s32 s23, $0x70  }
0x124: {  	[tilespmem:v5+s24+$0x1A000 ss:$0x1] =	vst.idx.msk $0xffff, v6;
	_, v6, _ =	vpop (xrf1);
	s23 =	simm.s32 @!p0 $0x70;
	p0 =	sne.s32 s20, $0x10  }
.Ltmp4:
0x125: {  	[tilespmem:v5+s24+$0x1C000 ss:$0x1] =	vst.idx.msk $0xffff, v6;
	s22 =	sadd.s32 s22, s25;
	(pc) =	sbr.rel @p0 .LBB2_8-.Ltmp4, $4  }
0x126: {  	[tilespmem:s22+$0x1A000] =	vst v0  }
0x127: {  	[tilespmem:s22+$0x1C000] =	vst v1;
	s21 =	sadd.s32 s21, s23  }
0x128: {  	[tilespmem:s21+$0x1A000] =	vst v0  }
0x129: {  	s19 =	sadd.s32 $0xC80, s19;
	s18 =	sadd.s32 $0xC80, s18;
	[tilespmem:s21+$0x1C000] =	vst v1  }
0x12a: {  	[hbm4b:s8+s2] =	stream.linear.scatter [tilespmem:s14], [sflag:$0x1], $0x2000, $0x38;
	[tilespmem:$0x1E000] =	vst v63  }
0x12b: {  	s16 =	sadd.s32 $0x1, s16;
	_ =	swait.ge [sflag:s12], $0x2000  }
0x12c: {  	p0 =	sne.s32 s16, s10;
	[sflag:s12] =	ssyncset.done $0x0  }
.Ltmp5:
0x12d: {  	[sflag:s12] =	ssyncadd.s32 $0xFFFFE000;
	(pc) =	sbr.rel @p0 .LBB2_1-.Ltmp5, $4  }
0x12e: {  	[hbm4b:s9+s2] =	stream.linear.scatter [tilespmem:s15], [sflag:$0x1], $0x2000, $0x38;
	[tilespmem:$0x1E000] =	vst v63  }
0x12f: {  	_ =	swait.ge [sflag:s12], $0x2000  }
0x130: {  	[sflag:s12] =	ssyncset.done $0x0  }
0x131: {  	[sflag:s12] =	ssyncadd.s32 $0xFFFFE000  }
0x132: {  	_ =	sfence.sel $0x180000  }
0x133: {  	[bflag:$0x0] =	sbarrier.arrive $0xFFFF  }
0x134: {  	p0 =	sne.s32 s1, $0x0;
	_ =	strace $0x90000047  }
0x135: {  	s0 =	sadd.s32 @!p0 $0x100000, s0;
	[bflag:$0x2] =	sbarrier.arrive $0xFFFF  }
0x136: {  	[sflag:s0] =	ssyncadd.tile.s32 @!p0 $0x1;
	_ =	shalt  }
.Lfunc_end2:
_tile_overlayer_lowered:
.L_overlay_start_2:
0x137: {  	(tag) =	ssettag $0x2  }
0x138: {  	s0 =	rddreg [dreg:$0x0];
	s2 =	stileid.u32  }
0x139: {  	s1 =	rddreg [dreg:$0x1];
	p0 =	sne.s32 s2, $0x0  }
0x13a: {  	s3 =	rddreg [dreg:$0x2];
	[bflag:$0x3] =	sbarrier.arrive $0xFFFF;
	s2 =	simm.s32 @!p0 $0x1C01  }
0x13b: {  	[timem:s3], [sflag:s2] =	dma.local @!p0 [hbm:s0], s1  }
0x13c: {  	s0 =	simm.s32 @!p0 $0x1  }
0x13d: {  	_ =	swait.ge @!p0 [sflag:s0], s1  }
0x13e: {  	s1 =	ssub.s32 @!p0 $0x0, s1;
	[sflag:s0] =	ssyncset.done @!p0 $0x0  }
0x13f: {  	[sflag:s0] =	ssyncadd.s32 @!p0 s1  }
0x140: {  	[bflag:$0x3] =	sbarrier.arrive $0xFFFF  }
0x141: {  	_ =	shalt  }

// kernel: kernel.13.cloned.1.call-start
scs
__scs_entry_jumppad:
0x0: {  	(pc) =	sbr.rel $0x88, $3  }
0x1: {  	(tag) =	ssettag $0x0;
	lr =	simm.s32 $0x1  }
0x2: {  	[smem:$0x3F9E] =	sst lr;
	_ =	strace $0xD0000000  }
0x3: {  	_ = 	snop  }
0x4: {  	_ = 	snop  }
0x5: {  	_ = 	snop  }
0x6: {  	_ = 	snop  }
0x7: {  	_ = 	snop  }
__scs_overlays_trampoline_lowered:
0x8: {  	[smem:$0x3FAD] =	sst s0  }
0x9: {  	[smem:$0x3FAE] =	sst s1  }
0xa: {  	[smem:$0x3FAF] =	sst s2  }
0xb: {  	[smem:$0x3FB0] =	sst s3  }
0xc: {  	[smem:$0x3FB1] =	sst s4  }
0xd: {  	[smem:$0x3FB2] =	sst s5  }
0xe: {  	[smem:$0x3FB3] =	sst s6  }
0xf: {  	[smem:$0x3FB4] =	sst s7  }
0x10: {  	[smem:$0x3FB5] =	sst s8  }
0x11: {  	[smem:$0x3FB6] =	sst s9;
	s0 =	simm.s32 @!p0 $0x0  }
0x12: {  	s1 =	sld [smem:$0x3F9C];
	s0 =	simm.s32 @p0 $0x1  }
0x13: {  	[smem:$0x3FB7] =	sst s0;
	s0 =	simm.s32 @!p1 $0x0  }
0x14: {  	s2 =	sld [smem:$0x3F9B];
	s0 =	simm.s32 @p1 $0x1  }
0x15: {  	[smem:$0x3FB8] =	sst s0;
	s0 =	simm.s32 @!p2 $0x0  }
0x16: {  	s3 =	sld [smem:$0x3FDB];
	s0 =	simm.s32 @p2 $0x1  }
0x17: {  	s4 =	simm.s32 $0x1BF5;
	[smem:$0x3FBA] =	sst s0  }
0x18: {  	s0 =	sld [smem:$0x3F9D];
	_ =	swait.ge [sflag:s4], $0x0  }
0x19: {  	s7 =	sld [smem:$0x3F9E]  }
0x1a: {  	s8 =	sadd.s32 $0xFFFFE003, lr  }
0x1b: {  	s9 =	sadd.s32 $0xFFFFFEF7, lr;
	s5 =	simm.s32 $0xFFFFFFFF;
	p2 =	slt.u32 s8, $0xFFFFF086  }
0x1c: {  	p1 =	slt.u32 s9, $0xF7A;
	s5 =	simm.s32 @!p2 $0x0  }
0x1d: {  	s5 =	simm.s32 @p1 $0x1;
	p0 =	seq.s32 s7, s2  }
0x1e: {  	s7 =	smul.u32 @!p0 $0xF7A, s2;
	p2 =	seq.s32 @!p0 s5, $0x0  }
0x1f: {  	s9 =	smul.u32 $0xF7A, s1;
	s8 =	simm.s32 @!p0 $0x1BF5;
	p2 =	por !p2, p0  }
0x20: {  	[sflag:s8] =	ssyncset.s32 @!p0 $0xFFFFF086;
	s6 =	sadd.s32 @!p0 s3, s7;
	s7 =	simm.s32 @!p0 $0x108  }
0x21: {  	s3 =	sadd.s32 s3, s9;
	s6 =	sadd.s32 @!p0 $0x88, s6;
	s7 =	simm.s32 @p2 $0x1082  }
0x22: {  	[simem:s7], [sflag:s8] =	dma.local @!p0 [hbm:s6], $0xF7A  }
0x23: {  	s9 =	sor.u32 $0xD0000000, s2;
	s6 =	simm.s32 $0x108;
	_ =	swait.ge @!p0 [sflag:s8], $0x0  }
0x24: {  	s3 =	sadd.s32 $0x88, s3;
	s6 =	simm.s32 @!p1 $0x1082;
	[sflag:s4] =	ssyncset.s32 $0xFFFFF086  }
0x25: {  	[simem:s6], [sflag:s4] =	dma.local [hbm:s3], $0xF7A  }
0x26: {  	[smem:$0x3F9E] =	sst s1;
	(tag) =	ssettag s2;
	_ =	strace s9  }
0x27: {  	s1 =	sld [smem:$0x3FAE]  }
0x28: {  	s2 =	sld [smem:$0x3FAF]  }
0x29: {  	s4 =	sld [smem:$0x3FB1]  }
0x2a: {  	p0 =	seq.s32 s5, $0x0;
	s5 =	sld [smem:$0x3FB2]  }
0x2b: {  	s6 =	sld [smem:$0x3FB3]  }
0x2c: {  	s7 =	sld [smem:$0x3FB4]  }
0x2d: {  	s3 =	simm.s32 $0x108;
	s8 =	sld [smem:$0x3FB5]  }
0x2e: {  	s3 =	simm.s32 @!p0 $0x1082;
	s9 =	sld [smem:$0x3FB6]  }
0x2f: {  	lr =	sadd.s32 s0, s3;
	s0 =	sld [smem:$0x3FAD]  }
0x30: {  	s3 =	sld [smem:$0x3FB0]  }
0x31: {  	[smem:$0x3FB9] =	sst s10  }
0x32: {  	s10 =	sld [smem:$0x3FB7];
	_ =	sdelay $0x3  }
0x33: {  	p0 =	seq.s32 s10, $0x1;
	s10 =	sld [smem:$0x3FB9];
	_ =	sdelay $0x3  }
0x34: {  	[smem:$0x3FB9] =	sst s10  }
0x35: {  	s10 =	sld [smem:$0x3FB8];
	_ =	sdelay $0x3  }
0x36: {  	p1 =	seq.s32 s10, $0x1;
	s10 =	sld [smem:$0x3FB9];
	_ =	sdelay $0x3  }
0x37: {  	[smem:$0x3FB9] =	sst s10  }
0x38: {  	s10 =	sld [smem:$0x3FBA]  }
0x39: {  	_ = 	snop;
	(pc) =	sbr.ind lr, $3  }
0x3a: {  	_ = 	snop  }
0x3b: {  	_ = 	snop  }
0x3c: {  	p2 =	seq.s32 s10, $0x1;
	s10 =	sld [smem:$0x3FB9]  }
0x3d: {  	_ =	shalt  }
0x3e: {  	_ =	shalt  }
0x3f: {  	_ =	shalt  }
0x40: {  	_ =	shalt  }
0x41: {  	_ =	shalt  }
0x42: {  	_ =	shalt  }
0x43: {  	_ =	shalt  }
0x44: {  	_ =	shalt  }
0x45: {  	_ =	shalt  }
0x46: {  	_ =	shalt  }
0x47: {  	_ =	shalt  }
0x48: {  	_ =	shalt  }
0x49: {  	_ =	shalt  }
0x4a: {  	_ =	shalt  }
0x4b: {  	_ =	shalt  }
0x4c: {  	_ =	shalt  }
0x4d: {  	_ =	shalt  }
0x4e: {  	_ =	shalt  }
0x4f: {  	_ =	shalt  }
0x50: {  	_ =	shalt  }
0x51: {  	_ =	shalt  }
0x52: {  	_ =	shalt  }
0x53: {  	_ =	shalt  }
0x54: {  	_ =	shalt  }
0x55: {  	_ =	shalt  }
0x56: {  	_ =	shalt  }
0x57: {  	_ =	shalt  }
0x58: {  	_ =	shalt  }
0x59: {  	_ =	shalt  }
0x5a: {  	_ =	shalt  }
0x5b: {  	_ =	shalt  }
0x5c: {  	_ =	shalt  }
0x5d: {  	_ =	shalt  }
0x5e: {  	_ =	shalt  }
0x5f: {  	_ =	shalt  }
0x60: {  	_ =	shalt  }
0x61: {  	_ =	shalt  }
0x62: {  	_ =	shalt  }
0x63: {  	_ =	shalt  }
0x64: {  	_ =	shalt  }
0x65: {  	_ =	shalt  }
0x66: {  	_ =	shalt  }
0x67: {  	_ =	shalt  }
0x68: {  	_ =	shalt  }
0x69: {  	_ =	shalt  }
0x6a: {  	_ =	shalt  }
0x6b: {  	_ =	shalt  }
0x6c: {  	_ =	shalt  }
0x6d: {  	_ =	shalt  }
0x6e: {  	_ =	shalt  }
0x6f: {  	_ =	shalt  }
0x70: {  	_ =	shalt  }
0x71: {  	_ =	shalt  }
0x72: {  	_ =	shalt  }
0x73: {  	_ =	shalt  }
0x74: {  	_ =	shalt  }
0x75: {  	_ =	shalt  }
0x76: {  	_ =	shalt  }
0x77: {  	_ =	shalt  }
0x78: {  	_ =	shalt  }
0x79: {  	_ =	shalt  }
0x7a: {  	_ =	shalt  }
0x7b: {  	_ =	shalt  }
0x7c: {  	_ =	shalt  }
0x7d: {  	_ =	shalt  }
0x7e: {  	_ =	shalt  }
0x7f: {  	_ =	shalt  }
0x80: {  	_ =	shalt  }
0x81: {  	_ =	shalt  }
0x82: {  	_ =	shalt  }
0x83: {  	_ =	shalt  }
0x84: {  	_ =	shalt  }
0x85: {  	_ =	shalt  }
0x86: {  	_ =	shalt  }
0x87: {  	_ =	shalt  }
.Lfunc_end0:
.L_simem_size_0:
called_computation.2_lowered:
.L_overlay_start_0:
0x88: {  	s2 =	sld [smem:$0x3FD9]  }
0x89: {  	s3 =	sld [smem:$0x3FFE];
	_ =	sdelay $0x1  }
0x8a: {  	s1 =	srdreg.scid  }
0x8b: {  	s0 =	sand.u32 $0x1, s1  }
0x8c: {  	s17 =	sshll.u32 s0, $0xA;
	s2 =	sadd.s32 s3, s2  }
0x8d: {  	s2 =	sadd.s32 s2, s17  }
0x8e: {  	[smem:$0x3FC5] =	sst s2  }
0x8f: {  	_ = 	snop  }
0x90: {  	s2 =	sld [smem:$0x3FD0];
	(tm) =	ssettm $0x1  }
0x91: {  	s18 =	sld [smem:$0x3FFB];
	_ =	sdelay $0x3  }
0x92: {  	_ =	strace s18  }
0x93: {  	s3 =	sld [smem:$0x3FFC];
	_ =	sdelay $0x3  }
0x94: {  	_ =	strace s3  }
0x95: {  	s3 =	sld [smem:$0x3FFD];
	_ =	sdelay $0x3  }
0x96: {  	_ =	strace s3  }
0x97: {  	_ =	strace $0x8FFFFFFF  }
0x98: {  	s19 =	sld [smem:$0x3FDB];
	_ =	sdelay $0x1  }
0x99: {  	s4 =	simm.s32 $_scs_section_size  }
0x9a: {  	s5 =	simm.s32 $_size__tile_overlayer_lowered;
	s6 =	simm.s32 $_tile_overlayer_lowered  }
0x9b: {  	s22 =	simm.s32 $0x1BFF;
	s21 =	sshll.u32 s6, $0x1;
	s3 =	sadd.s32 s4, s19  }
0x9c: {  	s7 =	simm.s32 $0x0;
	s20 =	sshll.u32 s5, $0x1;
	s5 =	sadd.s32 s21, s3  }
0x9d: {  	[timem:s7], [sflag:s22] =	dma.local [hbm:s5], s20  }
0x9e: {  	_ =	swait.ge [sflag:s22], s20  }
0x9f: {  	s4 =	ssub.s32 $0x0, s20;
	[sflag:s22] =	ssyncset.done $0x0  }
0xa0: {  	[sflag:s22] =	ssyncadd.s32 s4;
	_ =	sdelay $0x1  }
0xa1: {  	s23 =	simm.s32 $0x1B8B  }
0xa2: {  	_ =	swait.ge [sflag:s23], $0x1  }
0xa3: {  	[sflag:s23] =	ssyncset.done $0x0  }
0xa4: {  	s25 =	simm.s32 $0x1B8E;
	s24 =	sld [smem:$0x3FFE];
	[sflag:s23] =	ssyncadd.s32 $0xFFFFFFFF  }
0xa5: {  	s26 =	simm.s32 $execute0_lowered;
	[smem:$0x3FD2] =	sst s25  }
0xa6: {  	s5 =	sshll.u32 s26, $0x1;
	_ =	strace $0x8000004C;
	[dreg:$0x1] =	wrdreg $0xFFFFFFFF  }
0xa7: {  	s28 =	simm.s32 $_size_execute0_lowered;
	s3 =	sadd.s32 s3, s5;
	[dreg:$0x0] =	wrdreg $0x0  }
0xa8: {  	s5 =	sshll.u32 s28, $0x1;
	[dreg:$0x2] =	wrdreg s3  }
0xa9: {  	[dreg:$0x3] =	wrdreg s5  }
0xaa: {  	[dreg:$0x4] =	wrdreg $0xC0  }
0xab: {  	_ =	task [dreg:s7], $0x5FFFF  }
0xac: {  	[dreg:$0x1] =	wrdreg $0xFFFFFFFF  }
0xad: {  	[dreg:$0x0] =	wrdreg $0x60  }
0xae: {  	[dreg:$0x2] =	wrdreg s24  }
0xaf: {  	[dreg:$0x3] =	wrdreg s2  }
0xb0: {  	[dreg:$0x4] =	wrdreg $0x9  }
0xb1: {  	_ =	task.clear_ibuf [dreg:s7], $0x5FFFF;
	_ =	strace $0x9000004C  }
0xb2: {  	s29 =	simm.s32 $0x9;
	_ =	strace $0x8000004E  }
0xb3: {  	_ =	swait.ge [sflag:s29], $0x1  }
0xb4: {  	[sflag:s29] =	ssyncadd.s32 $0xFFFFFFFF  }
0xb5: {  	_ =	strace $0x9000004E  }
0xb6: {  	_ =	sfence  }
0xb7: {  	s30 =	sld [smem:$0x0];
	_ =	sdelay $0x2  }
0xb8: {  	s31 =	sshll.u32 s1, $0xD;
	s1 =	sshrl.u32 s1, $0x2  }
0xb9: {  	s3 =	sand.u32 $0x4000, s31;
	s1 =	sadd.s32 s1, s30  }
0xba: {  	s0 =	sor.u32 s3, s0;
	s1 =	sshll.u32 s1, $0x11  }
0xbb: {  	s0 =	sor.u32 s1, s0  }
0xbc: {  	s0 =	sadd.s32 $0x8F2B, s0  }
0xbd: {  	[sflag:s0] =	ssyncadd.remote.s32 $0x1  }
0xbe: {  	_ =	sfence.sel $0xFFFF  }
0xbf: {  	[dreg:$0x0] =	wrdreg $0xFFFFFFFF;
	(pc) =	sbr.abs _section_cstart, $3  }
0xc0: {  	[dreg:$0x1] =	wrdreg $0xFFFFFFFF  }
0xc1: {  	_ =	task.clear_ibuf [dreg:s7], $0x2FFFF;
	_ =	strace $0x9FFFFFFF  }
0xc2: {  	(tm) =	ssettm $0x7FFFFFFF  }
0xc3: {  	_ =	shalt  }
tec
execute0_lowered:
.L_overlay_start_1:
0x0: {  	(tag) =	ssettag $0x1  }
0x1: {  	s1 =	srdreg.scid  }
0x2: {  	s0 =	stileid.u32;
	s8 =	rddreg [dreg:$0x0]  }
0x3: {  	s3 =	rddreg [dreg:$0x1];
	s6 =	sand.u32 $0x1, s1;
	s30 =	sshll.u32 s0, $0x1  }
0x4: {  	s2 =	simm.s32 $0x0;
	s1 =	rddreg [dreg:$0x2];
	s7 =	sor.u32 s6, s30  }
0x5: {  	[smem:$0x7FF] =	sst s2;
	s4 =	smul.u32 $0x190, s7  }
0x6: {  	s5 =	sadd.s32 $0xF99000, s8;
	_ =	strace $0x8000004D;
	s10 =	ssub.s32 $0x2, s6  }
0x7: {  	s6 =	simm.s32 $0xC80;
	s4 =	sadd.s32 s3, s4;
	s3 =	simm.s32 $0x2  }
0x8: {  	[tilespmem:s2], [sflag:$0x2] =	stream.linear.gather [hbm4b:s4+s2], $0xC80, $0x38;
	[tilespmem:$0x19C80] =	vst v63  }
0x9: {  	s9 =	smul.u32 $0x3200, s7;
	s11 =	sshrl.u32 s10, $0x1;
	_ =	swait.ge [sflag:s3], $0xC80  }
0xa: {  	s7 =	simm.s32 $0x1;
	s31 =	ssub.s32 s10, s11;
	[sflag:s3] =	ssyncset.done $0x0  }
0xb: {  	s8 =	sadd.s32 s9, s8;
	s9 =	smax.u32 s31, $0x1;
	[sflag:s3] =	ssyncadd.s32 $0xFFFFF380  }
0xc: {  	[tilespmem:s6], [sflag:$0x1] =	stream.indirect.gather [hbm4b:s5+s6], $0x20, s2, s6, $0xb8;
	[tilespmem:$0x19C80] =	vst v63  }
0xd: {  	p0 =	sne.s32 s9, $0x1;
	_ =	swait.ge [sflag:s7], $0x19000  }
.Ltmp0:
0xe: {  	[sflag:s7] =	ssyncset.done $0x0;
	(pc) =	sbr.rel @!p0 .LBB2_2-.Ltmp0, $4  }
0xf: {  	s8 =	sadd.s32 $0x6600, s8;
	[sflag:s7] =	ssyncadd.s32 $0xFFFE7000  }
0x10: {  	[hbm4b:s8+s2] =	stream.linear.scatter [tilespmem:s6], [sflag:$0x2], $0x19000, $0x38;
	[tilespmem:$0x19C80] =	vst v63  }
0x11: {  	_ =	swait.ge [sflag:s3], $0x19000  }
0x12: {  	s9 =	sadd.s32 $0xFFFFFFFF, s9;
	[sflag:s3] =	ssyncset.done $0x0  }
.LBB2_1:
0x13: {  	p0 =	sne.s32 s9, $0x1;
	s9 =	sadd.s32 $0xFFFFFFFF, s9;
	[sflag:s3] =	ssyncadd.s32 $0xFFFE7000  }
0x14: {  	[tilespmem:s2], [sflag:$0x2] =	stream.linear.gather [hbm4b:s4+s2], $0xC80, $0x38;
	[tilespmem:$0x19C80] =	vst v63  }
0x15: {  	_ =	swait.ge [sflag:s3], $0xC80  }
0x16: {  	[sflag:s3] =	ssyncset.done $0x0  }
0x17: {  	[sflag:s3] =	ssyncadd.s32 $0xFFFFF380  }
0x18: {  	[tilespmem:s6], [sflag:$0x1] =	stream.indirect.gather [hbm4b:s5+s6], $0x20, s2, s6, $0xb8;
	[tilespmem:$0x19C80] =	vst v63  }
0x19: {  	_ =	swait.ge [sflag:s7], $0x19000  }
.Ltmp1:
0x1a: {  	[sflag:s7] =	ssyncset.done $0x0;
	(pc) =	sbr.rel @p0 .LBB2_1-.Ltmp1, $4  }
0x1b: {  	[sflag:s7] =	ssyncadd.s32 $0xFFFE7000  }
0x1c: {  	[hbm4b:s8+s2] =	stream.linear.scatter [tilespmem:s6], [sflag:$0x2], $0x19000, $0x38;
	[tilespmem:$0x19C80] =	vst v63  }
0x1d: {  	_ =	swait.ge [sflag:s3], $0x19000  }
0x1e: {  	[sflag:s3] =	ssyncset.done $0x0  }
.LBB2_2:
0x1f: {  	[sflag:s3] =	ssyncadd.s32 $0xFFFE7000  }
0x20: {  	_ =	sfence.sel $0x180000  }
0x21: {  	[bflag:$0x0] =	sbarrier.arrive $0xFFFF  }
0x22: {  	p0 =	sne.s32 s0, $0x0;
	_ =	strace $0x9000004D  }
0x23: {  	s0 =	sadd.s32 @!p0 $0x100000, s1;
	[bflag:$0x2] =	sbarrier.arrive $0xFFFF  }
0x24: {  	[sflag:s0] =	ssyncadd.tile.s32 @!p0 $0x1;
	_ =	shalt  }
.Lfunc_end2:
_tile_overlayer_lowered:
.L_overlay_start_2:
0x25: {  	(tag) =	ssettag $0x2  }
0x26: {  	s0 =	rddreg [dreg:$0x0];
	s2 =	stileid.u32  }
0x27: {  	s1 =	rddreg [dreg:$0x1];
	p0 =	sne.s32 s2, $0x0  }
0x28: {  	s3 =	rddreg [dreg:$0x2];
	[bflag:$0x3] =	sbarrier.arrive $0xFFFF;
	s2 =	simm.s32 @!p0 $0x1C02  }
0x29: {  	[timem:s3], [sflag:s2] =	dma.local @!p0 [hbm:s0], s1  }
0x2a: {  	s0 =	simm.s32 @!p0 $0x2  }
0x2b: {  	_ =	swait.ge @!p0 [sflag:s0], s1  }
0x2c: {  	s1 =	ssub.s32 @!p0 $0x0, s1;
	[sflag:s0] =	ssyncset.done @!p0 $0x0  }
0x2d: {  	[sflag:s0] =	ssyncadd.s32 @!p0 s1  }
0x2e: {  	[bflag:$0x3] =	sbarrier.arrive $0xFFFF  }
0x2f: {  	_ =	shalt  }

// kernel: kernel.16.cloned.1.call-start
scs
__scs_entry_jumppad:
0x0: {  	(pc) =	sbr.rel $0x88, $3  }
0x1: {  	(tag) =	ssettag $0x0;
	lr =	simm.s32 $0x1  }
0x2: {  	[smem:$0x3F9E] =	sst lr;
	_ =	strace $0xD0000000  }
0x3: {  	_ = 	snop  }
0x4: {  	_ = 	snop  }
0x5: {  	_ = 	snop  }
0x6: {  	_ = 	snop  }
0x7: {  	_ = 	snop  }
__scs_overlays_trampoline_lowered:
0x8: {  	[smem:$0x3FAD] =	sst s0  }
0x9: {  	[smem:$0x3FAE] =	sst s1  }
0xa: {  	[smem:$0x3FAF] =	sst s2  }
0xb: {  	[smem:$0x3FB0] =	sst s3  }
0xc: {  	[smem:$0x3FB1] =	sst s4  }
0xd: {  	[smem:$0x3FB2] =	sst s5  }
0xe: {  	[smem:$0x3FB3] =	sst s6  }
0xf: {  	[smem:$0x3FB4] =	sst s7  }
0x10: {  	[smem:$0x3FB5] =	sst s8  }
0x11: {  	[smem:$0x3FB6] =	sst s9;
	s0 =	simm.s32 @!p0 $0x0  }
0x12: {  	s1 =	sld [smem:$0x3F9C];
	s0 =	simm.s32 @p0 $0x1  }
0x13: {  	[smem:$0x3FB7] =	sst s0;
	s0 =	simm.s32 @!p1 $0x0  }
0x14: {  	s2 =	sld [smem:$0x3F9B];
	s0 =	simm.s32 @p1 $0x1  }
0x15: {  	[smem:$0x3FB8] =	sst s0;
	s0 =	simm.s32 @!p2 $0x0  }
0x16: {  	s3 =	sld [smem:$0x3FDB];
	s0 =	simm.s32 @p2 $0x1  }
0x17: {  	s4 =	simm.s32 $0x1BF5;
	[smem:$0x3FBA] =	sst s0  }
0x18: {  	s0 =	sld [smem:$0x3F9D];
	_ =	swait.ge [sflag:s4], $0x0  }
0x19: {  	s7 =	sld [smem:$0x3F9E]  }
0x1a: {  	s8 =	sadd.s32 $0xFFFFE003, lr  }
0x1b: {  	s9 =	sadd.s32 $0xFFFFFEF7, lr;
	s5 =	simm.s32 $0xFFFFFFFF;
	p2 =	slt.u32 s8, $0xFFFFF086  }
0x1c: {  	p1 =	slt.u32 s9, $0xF7A;
	s5 =	simm.s32 @!p2 $0x0  }
0x1d: {  	s5 =	simm.s32 @p1 $0x1;
	p0 =	seq.s32 s7, s2  }
0x1e: {  	s7 =	smul.u32 @!p0 $0xF7A, s2;
	p2 =	seq.s32 @!p0 s5, $0x0  }
0x1f: {  	s9 =	smul.u32 $0xF7A, s1;
	s8 =	simm.s32 @!p0 $0x1BF5;
	p2 =	por !p2, p0  }
0x20: {  	[sflag:s8] =	ssyncset.s32 @!p0 $0xFFFFF086;
	s6 =	sadd.s32 @!p0 s3, s7;
	s7 =	simm.s32 @!p0 $0x108  }
0x21: {  	s3 =	sadd.s32 s3, s9;
	s6 =	sadd.s32 @!p0 $0x88, s6;
	s7 =	simm.s32 @p2 $0x1082  }
0x22: {  	[simem:s7], [sflag:s8] =	dma.local @!p0 [hbm:s6], $0xF7A  }
0x23: {  	s9 =	sor.u32 $0xD0000000, s2;
	s6 =	simm.s32 $0x108;
	_ =	swait.ge @!p0 [sflag:s8], $0x0  }
0x24: {  	s3 =	sadd.s32 $0x88, s3;
	s6 =	simm.s32 @!p1 $0x1082;
	[sflag:s4] =	ssyncset.s32 $0xFFFFF086  }
0x25: {  	[simem:s6], [sflag:s4] =	dma.local [hbm:s3], $0xF7A  }
0x26: {  	[smem:$0x3F9E] =	sst s1;
	(tag) =	ssettag s2;
	_ =	strace s9  }
0x27: {  	s1 =	sld [smem:$0x3FAE]  }
0x28: {  	s2 =	sld [smem:$0x3FAF]  }
0x29: {  	s4 =	sld [smem:$0x3FB1]  }
0x2a: {  	p0 =	seq.s32 s5, $0x0;
	s5 =	sld [smem:$0x3FB2]  }
0x2b: {  	s6 =	sld [smem:$0x3FB3]  }
0x2c: {  	s7 =	sld [smem:$0x3FB4]  }
0x2d: {  	s3 =	simm.s32 $0x108;
	s8 =	sld [smem:$0x3FB5]  }
0x2e: {  	s3 =	simm.s32 @!p0 $0x1082;
	s9 =	sld [smem:$0x3FB6]  }
0x2f: {  	lr =	sadd.s32 s0, s3;
	s0 =	sld [smem:$0x3FAD]  }
0x30: {  	s3 =	sld [smem:$0x3FB0]  }
0x31: {  	[smem:$0x3FB9] =	sst s10  }
0x32: {  	s10 =	sld [smem:$0x3FB7];
	_ =	sdelay $0x3  }
0x33: {  	p0 =	seq.s32 s10, $0x1;
	s10 =	sld [smem:$0x3FB9];
	_ =	sdelay $0x3  }
0x34: {  	[smem:$0x3FB9] =	sst s10  }
0x35: {  	s10 =	sld [smem:$0x3FB8];
	_ =	sdelay $0x3  }
0x36: {  	p1 =	seq.s32 s10, $0x1;
	s10 =	sld [smem:$0x3FB9];
	_ =	sdelay $0x3  }
0x37: {  	[smem:$0x3FB9] =	sst s10  }
0x38: {  	s10 =	sld [smem:$0x3FBA]  }
0x39: {  	_ = 	snop;
	(pc) =	sbr.ind lr, $3  }
0x3a: {  	_ = 	snop  }
0x3b: {  	_ = 	snop  }
0x3c: {  	p2 =	seq.s32 s10, $0x1;
	s10 =	sld [smem:$0x3FB9]  }
0x3d: {  	_ =	shalt  }
0x3e: {  	_ =	shalt  }
0x3f: {  	_ =	shalt  }
0x40: {  	_ =	shalt  }
0x41: {  	_ =	shalt  }
0x42: {  	_ =	shalt  }
0x43: {  	_ =	shalt  }
0x44: {  	_ =	shalt  }
0x45: {  	_ =	shalt  }
0x46: {  	_ =	shalt  }
0x47: {  	_ =	shalt  }
0x48: {  	_ =	shalt  }
0x49: {  	_ =	shalt  }
0x4a: {  	_ =	shalt  }
0x4b: {  	_ =	shalt  }
0x4c: {  	_ =	shalt  }
0x4d: {  	_ =	shalt  }
0x4e: {  	_ =	shalt  }
0x4f: {  	_ =	shalt  }
0x50: {  	_ =	shalt  }
0x51: {  	_ =	shalt  }
0x52: {  	_ =	shalt  }
0x53: {  	_ =	shalt  }
0x54: {  	_ =	shalt  }
0x55: {  	_ =	shalt  }
0x56: {  	_ =	shalt  }
0x57: {  	_ =	shalt  }
0x58: {  	_ =	shalt  }
0x59: {  	_ =	shalt  }
0x5a: {  	_ =	shalt  }
0x5b: {  	_ =	shalt  }
0x5c: {  	_ =	shalt  }
0x5d: {  	_ =	shalt  }
0x5e: {  	_ =	shalt  }
0x5f: {  	_ =	shalt  }
0x60: {  	_ =	shalt  }
0x61: {  	_ =	shalt  }
0x62: {  	_ =	shalt  }
0x63: {  	_ =	shalt  }
0x64: {  	_ =	shalt  }
0x65: {  	_ =	shalt  }
0x66: {  	_ =	shalt  }
0x67: {  	_ =	shalt  }
0x68: {  	_ =	shalt  }
0x69: {  	_ =	shalt  }
0x6a: {  	_ =	shalt  }
0x6b: {  	_ =	shalt  }
0x6c: {  	_ =	shalt  }
0x6d: {  	_ =	shalt  }
0x6e: {  	_ =	shalt  }
0x6f: {  	_ =	shalt  }
0x70: {  	_ =	shalt  }
0x71: {  	_ =	shalt  }
0x72: {  	_ =	shalt  }
0x73: {  	_ =	shalt  }
0x74: {  	_ =	shalt  }
0x75: {  	_ =	shalt  }
0x76: {  	_ =	shalt  }
0x77: {  	_ =	shalt  }
0x78: {  	_ =	shalt  }
0x79: {  	_ =	shalt  }
0x7a: {  	_ =	shalt  }
0x7b: {  	_ =	shalt  }
0x7c: {  	_ =	shalt  }
0x7d: {  	_ =	shalt  }
0x7e: {  	_ =	shalt  }
0x7f: {  	_ =	shalt  }
0x80: {  	_ =	shalt  }
0x81: {  	_ =	shalt  }
0x82: {  	_ =	shalt  }
0x83: {  	_ =	shalt  }
0x84: {  	_ =	shalt  }
0x85: {  	_ =	shalt  }
0x86: {  	_ =	shalt  }
0x87: {  	_ =	shalt  }
.Lfunc_end0:
.L_simem_size_0:
called_computation.3_lowered:
.L_overlay_start_0:
0x88: {  	s2 =	sld [smem:$0x3FD9]  }
0x89: {  	s3 =	sld [smem:$0x3FFE];
	_ =	sdelay $0x1  }
0x8a: {  	s1 =	srdreg.scid  }
0x8b: {  	s0 =	sand.u32 $0x1, s1  }
0x8c: {  	s16 =	sshll.u32 s0, $0xA;
	s2 =	sadd.s32 s3, s2  }
0x8d: {  	s2 =	sadd.s32 s2, s16  }
0x8e: {  	[smem:$0x3FC5] =	sst s2  }
0x8f: {  	_ = 	snop  }
0x90: {  	(tm) =	ssettm $0x1  }
0x91: {  	s17 =	sld [smem:$0x3FFB];
	_ =	sdelay $0x3  }
0x92: {  	_ =	strace s17  }
0x93: {  	s2 =	sld [smem:$0x3FFC];
	_ =	sdelay $0x3  }
0x94: {  	_ =	strace s2  }
0x95: {  	s2 =	sld [smem:$0x3FFD];
	_ =	sdelay $0x3  }
0x96: {  	_ =	strace s2  }
0x97: {  	_ =	strace $0x8FFFFFFF  }
0x98: {  	s18 =	sld [smem:$0x3FDB];
	_ =	sdelay $0x1  }
0x99: {  	s19 =	simm.s32 $_scs_section_size  }
0x9a: {  	s4 =	simm.s32 $_size__tile_overlayer_lowered;
	s5 =	simm.s32 $_tile_overlayer_lowered  }
0x9b: {  	s22 =	simm.s32 $0x1BFF;
	s21 =	sshll.u32 s5, $0x1;
	s2 =	sadd.s32 s19, s18  }
0x9c: {  	s6 =	simm.s32 $0x0;
	s20 =	sshll.u32 s4, $0x1;
	s4 =	sadd.s32 s21, s2  }
0x9d: {  	[timem:s6], [sflag:s22] =	dma.local [hbm:s4], s20  }
0x9e: {  	_ =	swait.ge [sflag:s22], s20  }
0x9f: {  	s3 =	ssub.s32 $0x0, s20;
	[sflag:s22] =	ssyncset.done $0x0  }
0xa0: {  	[sflag:s22] =	ssyncadd.s32 s3;
	_ =	sdelay $0x1  }
0xa1: {  	s23 =	simm.s32 $0x1B8B  }
0xa2: {  	_ =	swait.ge [sflag:s23], $0x1  }
0xa3: {  	[sflag:s23] =	ssyncset.done $0x0  }
0xa4: {  	s25 =	simm.s32 $0x1B8E;
	s24 =	sld [smem:$0x3FFE];
	[sflag:s23] =	ssyncadd.s32 $0xFFFFFFFF  }
0xa5: {  	s26 =	simm.s32 $execute0_lowered;
	[smem:$0x3FD2] =	sst s25  }
0xa6: {  	s4 =	sshll.u32 s26, $0x1;
	_ =	strace $0x8000004F;
	[dreg:$0x1] =	wrdreg $0xFFFFFFFF  }
0xa7: {  	s28 =	simm.s32 $_size_execute0_lowered;
	s2 =	sadd.s32 s2, s4;
	[dreg:$0x0] =	wrdreg $0x0  }
0xa8: {  	s4 =	sshll.u32 s28, $0x1;
	[dreg:$0x2] =	wrdreg s2  }
0xa9: {  	[dreg:$0x3] =	wrdreg s4  }
0xaa: {  	[dreg:$0x4] =	wrdreg $0xC0  }
0xab: {  	_ =	task [dreg:s6], $0x5FFFF  }
0xac: {  	[dreg:$0x1] =	wrdreg $0xFFFFFFFF  }
0xad: {  	[dreg:$0x0] =	wrdreg $0x60  }
0xae: {  	[dreg:$0x2] =	wrdreg s24  }
0xaf: {  	[dreg:$0x3] =	wrdreg $0x9  }
0xb0: {  	_ =	task.clear_ibuf [dreg:s6], $0x4FFFF;
	_ =	strace $0x9000004F  }
0xb1: {  	s29 =	simm.s32 $0x9;
	_ =	strace $0x80000051  }
0xb2: {  	_ =	swait.ge [sflag:s29], $0x1  }
0xb3: {  	[sflag:s29] =	ssyncadd.s32 $0xFFFFFFFF  }
0xb4: {  	_ =	strace $0x90000051  }
0xb5: {  	_ =	sfence  }
0xb6: {  	s30 =	sld [smem:$0x0];
	_ =	sdelay $0x2  }
0xb7: {  	s31 =	sshll.u32 s1, $0xD;
	s1 =	sshrl.u32 s1, $0x2  }
0xb8: {  	s3 =	sand.u32 $0x4000, s31;
	s1 =	sadd.s32 s1, s30  }
0xb9: {  	s0 =	sor.u32 s3, s0;
	s1 =	sshll.u32 s1, $0x11  }
0xba: {  	s0 =	sor.u32 s1, s0  }
0xbb: {  	s0 =	sadd.s32 $0x8F2B, s0  }
0xbc: {  	[sflag:s0] =	ssyncadd.remote.s32 $0x1  }
0xbd: {  	_ =	sfence.sel $0xFFFF  }
0xbe: {  	[dreg:$0x0] =	wrdreg $0xFFFFFFFF;
	(pc) =	sbr.abs _section_cstart, $3  }
0xbf: {  	[dreg:$0x1] =	wrdreg $0xFFFFFFFF  }
0xc0: {  	_ =	task.clear_ibuf [dreg:s6], $0x2FFFF;
	_ =	strace $0x9FFFFFFF  }
0xc1: {  	(tm) =	ssettm $0x7FFFFFFF  }
tec
execute0_lowered:
.L_overlay_start_1:
0x0: {  	(tag) =	ssettag $0x1  }
0x1: {  	s3 =	rddreg [dreg:$0x0]  }
0x2: {  	s0 =	rddreg [dreg:$0x1];
	s2 =	simm.s32 $0x0;
	s4 =	srdreg.scid  }
0x3: {  	s1 =	stileid.u32;
	s12 =	simm.s32 $0x1;
	s13 =	simm.s32 $0xC800  }
0x4: {  	s14 =	simm.s32 $0x1A000;
	s15 =	simm.s32 $0x1C000;
	s16 =	simm.s32 $0x0  }
0x5: {  	[smem:$0x7FF] =	sst s2;
	s4 =	sand.u32 $0x1, s4;
	s5 =	sshll.u32 s1, $0x1  }
0x6: {  	s6 =	sadd.s32 $0x6600, s3;
	s7 =	sadd.s32 $0x20A600, s3;
	s5 =	sor.u32 s4, s5  }
0x7: {  	_ =	strace $0x80000050;
	s4 =	ssub.s32 $0x2, s4;
	s8 =	sshll.u32 s5, $0x9  }
0x8: {  	s9 =	smul.u32 $0x19000, s5;
	s10 =	sshll.u32 s5, $0xA;
	s11 =	sshrl.u32 s4, $0x1  }
0x9: {  	s5 =	smul.u32 $0x3200, s5;
	s8 =	sadd.s32 s8, s3;
	s10 =	sadd.s32 s10, s3  }
0xa: {  	s11 =	ssub.s32 s4, s11;
	s9 =	sshrl.u32 s9, $0x3;
	s3 =	sadd.s32 $0x2600, s8  }
0xb: {  	s4 =	sadd.s32 s6, s5;
	s5 =	sadd.s32 s7, s5;
	s8 =	sadd.s32 $0x6A600, s10  }
0xc: {  	v0 =	vimm.f32 $-3.399999950e+38;
	v1 =	vimm.s32 $0x7FFFFFFF;
	v4 =	vlaneseq.u32;
	s31 =	sadd.s32 $0x1900, s9;
	s9 =	sadd.s32 $0x72600, s10;
	s10 =	smax.u32 s11, $0x1  }
0xd: {  	v2 =	vimm.s32 $0x0;
	v3 =	vor.u32 $0x80000010, v4;
	v4 =	vor.u32 $0x80000000, v4;
	s11 =	simm.s32 $0x19000;
	s6 =	sadd.s32 s6, s31;
	s7 =	sadd.s32 s7, s31  }
.LBB2_1:
0xe: {  	[tilespmem:s11], [sflag:$0x1] =	stream.linear.gather [hbm4b:s3+s2], $0x1000, $0x38;
	[tilespmem:$0x1E000] =	vst v63  }
0xf: {  	_ =	swait.ge [sflag:s12], $0x1000  }
0x10: {  	[sflag:s12] =	ssyncset.done $0x0  }
0x11: {  	s17 =	simm.s32 $0x40;
	s18 =	simm.s32 $0x0;
	[sflag:s12] =	ssyncadd.s32 $0xFFFFF000  }
.LBB2_2:
0x12: {  	p0 =	sne.s32 s17, $0x7FC0;
	[tilespmem:s18+$0x1A000] =	vst v0;
	s19 =	smov.u32 s17;
	s17 =	sadd.s32 $0x40, s17  }
.Ltmp0:
0x13: {  	[tilespmem:s18+$0x1C000] =	vst v1;
	(pc) =	sbr.rel @p0 .LBB2_2-.Ltmp0, $2  }
0x14: {  	_ =	sdelay $0x2  }
0x15: {  	s18 =	sshra.s32 s19, $0x2  }
0x16: {  	[tilespmem:s18+$0x1A000] =	vst v0  }
0x17: {  	[tilespmem:s18+$0x1C000] =	vst v1;
	s17 =	simm.s32 $0x0  }
0x18: {  	[tilespmem:s17], [sflag:$0x1] =	stream.linear.gather [hbm4b:s4+s17], $0xC800, $0x38;
	[tilespmem:$0x1E000] =	vst v63  }
0x19: {  	_ =	swait.ge [sflag:s12], $0xC800  }
0x1a: {  	[sflag:s12] =	ssyncset.done $0x0  }
0x1b: {  	[sflag:s12] =	ssyncadd.s32 $0xFFFF3800  }
0x1c: {  	[tilespmem:s13], [sflag:$0x1] =	stream.linear.gather [hbm4b:s5+s17], $0xC800, $0x38;
	[tilespmem:$0x1E000] =	vst v63  }
0x1d: {  	_ =	swait.ge [sflag:s12], $0xC800  }
0x1e: {  	s18 =	simm.s32 $0xC810;
	[sflag:s12] =	ssyncset.done $0x0  }
0x1f: {  	s19 =	simm.s32 $0x0;
	s20 =	simm.s32 $0x0;
	[sflag:s12] =	ssyncadd.s32 $0xFFFF3800  }
.LBB2_4:
0x20: {  	v9 =	vmov s19;
	_ =	sdelay $0x1  }
0x21: {  	s21 =	sshll.u32 s20, $0x7  }
0x22: {  	v7 =	vmov s18;
	s21 =	sand.u32 $0x3FFFFF80, s21  }
0x23: {  	s23 =	simm.s32 $0x0;
	v8 =	vld [tilespmem:s21+$0x19000]  }
0x24: {  	v5 =	vld.idx.msk [tilespmem:v9+s23+$0x0 ss:$0x1], $0xffff;
	_ =	sdelay $0x2  }
0x25: {  	v6 =	vld.idx.msk [tilespmem:v7+s23+$0xFFFFFFF0 ss:$0x1], $0xffff;
	_ =	sdelay $0x1  }
0x26: {  	vm0 =	vgt.f32 v5, v8  }
0x27: {  	v10 =	vsel vm0, v4, v3  }
0x28: {  	vm1 =	veq.f32 v5, v8;
	(xrf1) =	vsort.ascd.msk.u32 $0xffff, v10, v5  }
0x29: {  	v11 =	vsel vm1, v4, v3;
	(xrf1) =	vsort.ascd.msk.u32 $0xffff, v10, v6  }
0x2a: {  	(xrf1) =	vsort.ascd.msk.u32 $0xffff, v11, v5  }
0x2b: {  	(xrf1) =	vsort.ascd.msk.u32 $0xffff, v11, v6;
	_ =	sdelay $0x5  }
0x2c: {  	s22 =	sshll.u32 s20, $0x8  }
0x2d: {  	v6 =	vmov s22  }
0x2e: {  	s21 =	sor.u32 $0x80, s22  }
0x2f: {  	v5 =	vmov s21;
	_ =	sdelay $0x1  }
0x30: {  	_, v10, _ =	vpop (xrf1)  }
0x31: {  	[tilespmem:v6+s17+$0x1A000 ss:$0x1] =	vst.idx.msk $0xffff, v10;
	_, v10, _ =	vpop (xrf1)  }
0x32: {  	[tilespmem:v6+s17+$0x1C000 ss:$0x1] =	vst.idx.msk $0xffff, v10;
	_, v10, _ =	vpop (xrf1)  }
0x33: {  	[tilespmem:v5+s17+$0x1A000 ss:$0x1] =	vst.idx.msk $0xffff, v10;
	_, v10, _ =	vpop (xrf1)  }
0x34: {  	v11 =	vsel vm0, $0x1, v2;
	[tilespmem:v5+s17+$0x1C000 ss:$0x1] =	vst.idx.msk $0xffff, v10  }
0x35: {  	(xrf0) =	vadd.scan.msk.s32 $0xffff, v11;
	v10 =	vld.idx.msk [tilespmem:v9+s23+$0x10 ss:$0x1], $0xffff  }
0x36: {  	v11 =	vsel vm1, $0x1, v2  }
0x37: {  	(xrf0) =	vadd.scan.msk.s32 $0xffff, v11;
	_ =	sdelay $0x2  }
0x38: {  	vm14 =	vgt.f32 v10, v8  }
0x39: {  	v11, _, _ =	vpop (xrf0);
	vm15 =	veq.f32 v10, v8;
	v12 =	vsel vm14, $0x1, v2  }
0x3a: {  	(v2sf) =	vpush v11, $0xF;
	v11 =	vld.idx.msk [tilespmem:v7+s23+$0x0 ss:$0x1], $0xffff;
	v13 =	vsel vm15, $0x1, v2;
	(xrf0) =	vadd.scan.msk.s32 $0xffff, v12  }
0x3b: {  	v61, _, _ =	vpop (xrf0);
	(xrf0) =	vadd.scan.msk.s32 $0xffff, v13  }
0x3c: {  	(v2sf) =	vpush v61, $0xF  }
0x3d: {  	v62 =	vsel vm14, v4, v3  }
0x3e: {  	(xrf1) =	vsort.ascd.msk.u32 $0xffff, v62, v10  }
0x3f: {  	v63 =	vsel vm15, v4, v3;
	(xrf1) =	vsort.ascd.msk.u32 $0xffff, v62, v11  }
0x40: {  	(xrf1) =	vsort.ascd.msk.u32 $0xffff, v63, v10;
	v10, _, _ =	vpop (xrf0)  }
0x41: {  	(xrf1) =	vsort.ascd.msk.u32 $0xffff, v63, v11;
	(v2sf) =	vpush v10, $0xF;
	v10, _, _ =	vpop (xrf0)  }
0x42: {  	(v2sf) =	vpush v10, $0xF;
	_ =	sdelay $0x6  }
0x43: {  	s30 =	spop (v2sf)  }
0x44: {  	s23 =	sadd.s32 $0x0, s30  }
0x45: {  	s24 =	spop (v2sf);
	p0 =	slt.s32 s23, $0x70  }
0x46: {  	s24 =	sadd.s32 $0x0, s24;
	s23 =	simm.s32 @!p0 $0x70;
	_, v10, _ =	vpop (xrf1)  }
0x47: {  	p0 =	slt.s32 s24, $0x70;
	[tilespmem:v6+s23+$0x1A000 ss:$0x1] =	vst.idx.msk $0xffff, v10;
	_, v10, _ =	vpop (xrf1)  }
0x48: {  	s24 =	simm.s32 @!p0 $0x70;
	[tilespmem:v6+s23+$0x1C000 ss:$0x1] =	vst.idx.msk $0xffff, v10;
	_, v10, _ =	vpop (xrf1)  }
0x49: {  	[tilespmem:v5+s24+$0x1A000 ss:$0x1] =	vst.idx.msk $0xffff, v10;
	_, v10, _ =	vpop (xrf1)  }
0x4a: {  	s26 =	simm.s32 $0x20;
	[tilespmem:v5+s24+$0x1C000 ss:$0x1] =	vst.idx.msk $0xffff, v10;
	s25 =	spop (v2sf)  }
0x4b: {  	v10 =	vld.idx.msk [tilespmem:v9+s26+$0x0 ss:$0x1], $0xffff;
	s23 =	sadd.s32 s23, s25;
	s31 =	spop (v2sf)  }
0x4c: {  	s29 =	simm.s32 $0x100;
	v11 =	vld.idx.msk [tilespmem:v7+s26+$0xFFFFFFF0 ss:$0x1], $0xffff;
	p1 =	slt.s32 s23, $0x70;
	s24 =	sadd.s32 s24, s31  }
.LBB2_5:
0x4d: {  	s23 =	simm.s32 @!p1 $0x70  }
0x4e: {  	p1 =	slt.s32 s24, $0x70;
	s28 =	smov.u32 s29;
	s25 =	sadd.s32 $0x80, s29  }
0x4f: {  	p0 =	sne.s32 s29, $0x3180;
	s24 =	simm.s32 @!p1 $0x70  }
0x50: {  	vm0 =	vgt.f32 v10, v8;
	vm1 =	veq.f32 v10, v8  }
0x51: {  	v12 =	vsel vm0, $0x1, v2;
	v13 =	vsel vm0, v4, v3;
	v14 =	vsel vm1, v4, v3  }
0x52: {  	v15 =	vsel vm1, $0x1, v2;
	(xrf1) =	vsort.ascd.msk.u32 $0xffff, v13, v10  }
0x53: {  	(xrf1) =	vsort.ascd.msk.u32 $0xffff, v13, v11  }
0x54: {  	(xrf1) =	vsort.ascd.msk.u32 $0xffff, v14, v10  }
0x55: {  	(xrf1) =	vsort.ascd.msk.u32 $0xffff, v14, v11  }
0x56: {  	(xrf0) =	vadd.scan.msk.s32 $0xffff, v12  }
0x57: {  	(xrf0) =	vadd.scan.msk.s32 $0xffff, v15;
	_ =	sdelay $0x4  }
0x58: {  	v10, _, _ =	vpop (xrf0)  }
0x59: {  	(v2sf) =	vpush v10, $0xF;
	v10, _, _ =	vpop (xrf0)  }
0x5a: {  	(v2sf) =	vpush v10, $0xF;
	_ =	sdelay $0x1  }
0x5b: {  	_, v10, _ =	vpop (xrf1)  }
0x5c: {  	[tilespmem:v6+s23+$0x1A000 ss:$0x1] =	vst.idx.msk $0xffff, v10;
	_, v10, _ =	vpop (xrf1)  }
0x5d: {  	[tilespmem:v6+s23+$0x1C000 ss:$0x1] =	vst.idx.msk $0xffff, v10;
	_, v10, _ =	vpop (xrf1)  }
0x5e: {  	[tilespmem:v5+s24+$0x1A000 ss:$0x1] =	vst.idx.msk $0xffff, v10;
	_, v10, _ =	vpop (xrf1)  }
0x5f: {  	[tilespmem:v5+s24+$0x1C000 ss:$0x1] =	vst.idx.msk $0xffff, v10  }
0x60: {  	v10 =	vld.idx.msk [tilespmem:v9+s26+$0x10 ss:$0x1], $0xffff;
	_ =	sdelay $0x4  }
0x61: {  	v11 =	vld.idx.msk [tilespmem:v7+s26+$0x0 ss:$0x1], $0xffff  }
0x62: {  	vm0 =	vgt.f32 v10, v8;
	vm1 =	veq.f32 v10, v8  }
0x63: {  	v12 =	vsel vm0, $0x1, v2;
	v13 =	vsel vm1, $0x1, v2;
	v14 =	vsel vm0, v4, v3;
	s26 =	spop (v2sf)  }
0x64: {  	v15 =	vsel vm1, v4, v3;
	s23 =	sadd.s32 s23, s26;
	s26 =	spop (v2sf);
	(xrf0) =	vadd.scan.msk.s32 $0xffff, v12  }
0x65: {  	p2 =	slt.s32 s23, $0x70;
	s24 =	sadd.s32 s24, s26;
	(xrf0) =	vadd.scan.msk.s32 $0xffff, v13  }
0x66: {  	p1 =	slt.s32 s24, $0x70;
	(xrf1) =	vsort.ascd.msk.u32 $0xffff, v14, v10  }
0x67: {  	(xrf1) =	vsort.ascd.msk.u32 $0xffff, v14, v11  }
0x68: {  	(xrf1) =	vsort.ascd.msk.u32 $0xffff, v15, v10  }
0x69: {  	(xrf1) =	vsort.ascd.msk.u32 $0xffff, v15, v11  }
0x6a: {  	v10, _, _ =	vpop (xrf0)  }
0x6b: {  	(v2sf) =	vpush v10, $0xF;
	v10, _, _ =	vpop (xrf0)  }
0x6c: {  	(v2sf) =	vpush v10, $0xF;
	_ =	sdelay $0x7  }
0x6d: {  	s23 =	simm.s32 @!p2 $0x70;
	_, v10, _ =	vpop (xrf1)  }
0x6e: {  	[tilespmem:v6+s23+$0x1A000 ss:$0x1] =	vst.idx.msk $0xffff, v10;
	_, v10, _ =	vpop (xrf1)  }
0x6f: {  	s24 =	simm.s32 @!p1 $0x70;
	[tilespmem:v6+s23+$0x1C000 ss:$0x1] =	vst.idx.msk $0xffff, v10;
	_, v10, _ =	vpop (xrf1)  }
0x70: {  	[tilespmem:v5+s24+$0x1A000 ss:$0x1] =	vst.idx.msk $0xffff, v10;
	_, v10, _ =	vpop (xrf1)  }
.Ltmp1:
0x71: {  	s26 =	sshra.s32 s28, $0x2;
	[tilespmem:v5+s24+$0x1C000 ss:$0x1] =	vst.idx.msk $0xffff, v10;
	(pc) =	sbr.rel @p0 .LBB2_5-.Ltmp1, $4  }
0x72: {  	v10 =	vld.idx.msk [tilespmem:v9+s26+$0x0 ss:$0x1], $0xffff  }
0x73: {  	s28 =	spop (v2sf)  }
0x74: {  	s23 =	sadd.s32 s23, s28;
	s28 =	spop (v2sf)  }
0x75: {  	s29 =	smov.u32 s25;
	v11 =	vld.idx.msk [tilespmem:v7+s26+$0xFFFFFFF0 ss:$0x1], $0xffff;
	p1 =	slt.s32 s23, $0x70;
	s24 =	sadd.s32 s24, s28  }
0x76: {  	_ = 	snop  }
0x77: {  	vm0 =	vgt.f32 v10, v8  }
0x78: {  	v12 =	vsel vm0, v4, v3  }
0x79: {  	vm1 =	veq.f32 v10, v8;
	(xrf1) =	vsort.ascd.msk.u32 $0xffff, v12, v10  }
0x7a: {  	v13 =	vsel vm1, v4, v3;
	(xrf1) =	vsort.ascd.msk.u32 $0xffff, v12, v11  }
0x7b: {  	(xrf1) =	vsort.ascd.msk.u32 $0xffff, v13, v10  }
0x7c: {  	(xrf1) =	vsort.ascd.msk.u32 $0xffff, v13, v11;
	_ =	sdelay $0xa  }
0x7d: {  	s23 =	simm.s32 @!p1 $0x70;
	_, v51, _ =	vpop (xrf1)  }
0x7e: {  	p0 =	slt.s32 s24, $0x70;
	[tilespmem:v6+s23+$0x1A000 ss:$0x1] =	vst.idx.msk $0xffff, v51;
	_, v52, _ =	vpop (xrf1)  }
0x7f: {  	s24 =	simm.s32 @!p0 $0x70;
	[tilespmem:v6+s23+$0x1C000 ss:$0x1] =	vst.idx.msk $0xffff, v52;
	_, v53, _ =	vpop (xrf1)  }
0x80: {  	[tilespmem:v5+s24+$0x1A000 ss:$0x1] =	vst.idx.msk $0xffff, v53;
	_, v54, _ =	vpop (xrf1)  }
0x81: {  	[tilespmem:v5+s24+$0x1C000 ss:$0x1] =	vst.idx.msk $0xffff, v54  }
0x82: {  	v9 =	vld.idx.msk [tilespmem:v9+s26+$0x10 ss:$0x1], $0xffff;
	_ =	sdelay $0x2  }
0x83: {  	v55 =	vsel vm0, $0x1, v2  }
0x84: {  	v56 =	vsel vm1, $0x1, v2;
	(xrf0) =	vadd.scan.msk.s32 $0xffff, v55  }
0x85: {  	(xrf0) =	vadd.scan.msk.s32 $0xffff, v56;
	vm14 =	vgt.f32 v9, v8  }
0x86: {  	vm15 =	veq.f32 v9, v8;
	v57 =	vsel vm14, $0x1, v2  }
0x87: {  	v8 =	vsel vm15, $0x1, v2;
	(xrf0) =	vadd.scan.msk.s32 $0xffff, v57  }
0x88: {  	(xrf0) =	vadd.scan.msk.s32 $0xffff, v8;
	_ =	sdelay $0x1  }
0x89: {  	v58, _, _ =	vpop (xrf0)  }
0x8a: {  	(v2sf) =	vpush v58, $0xF;
	v59, _, _ =	vpop (xrf0);
	v7 =	vld.idx.msk [tilespmem:v7+s26+$0x0 ss:$0x1], $0xffff  }
0x8b: {  	(v2sf) =	vpush v59, $0xF  }
0x8c: {  	v60, _, _ =	vpop (xrf0)  }
0x8d: {  	v61 =	vsel vm14, v4, v3;
	(v2sf) =	vpush v60, $0xF;
	v62, _, _ =	vpop (xrf0)  }
0x8e: {  	(xrf1) =	vsort.ascd.msk.u32 $0xffff, v61, v9;
	(v2sf) =	vpush v62, $0xF  }
0x8f: {  	(xrf1) =	vsort.ascd.msk.u32 $0xffff, v61, v7  }
0x90: {  	v63 =	vsel vm15, v4, v3  }
0x91: {  	(xrf1) =	vsort.ascd.msk.u32 $0xffff, v63, v9  }
0x92: {  	(xrf1) =	vsort.ascd.msk.u32 $0xffff, v63, v7;
	_ =	sdelay $0x6  }
0x93: {  	s25 =	spop (v2sf)  }
0x94: {  	s23 =	sadd.s32 s23, s25;
	s29 =	spop (v2sf)  }
0x95: {  	p0 =	slt.s32 s23, $0x70;
	s24 =	sadd.s32 s24, s29  }
0x96: {  	s23 =	simm.s32 @!p0 $0x70;
	p0 =	slt.s32 s24, $0x70;
	_, v7, _ =	vpop (xrf1);
	s30 =	spop (v2sf)  }
0x97: {  	s24 =	simm.s32 @!p0 $0x70;
	[tilespmem:v6+s23+$0x1A000 ss:$0x1] =	vst.idx.msk $0xffff, v7;
	_, v7, _ =	vpop (xrf1);
	s25 =	sadd.s32 s23, s30;
	s31 =	spop (v2sf)  }
0x98: {  	[tilespmem:v6+s23+$0x1C000 ss:$0x1] =	vst.idx.msk $0xffff, v7;
	p0 =	slt.s32 s25, $0x70;
	s23 =	sadd.s32 s24, s31  }
0x99: {  	s20 =	sadd.s32 $0x1, s20;
	_, v6, _ =	vpop (xrf1);
	s25 =	simm.s32 @!p0 $0x70;
	p0 =	slt.s32 s23, $0x70  }
0x9a: {  	[tilespmem:v5+s24+$0x1A000 ss:$0x1] =	vst.idx.msk $0xffff, v6;
	_, v6, _ =	vpop (xrf1);
	s23 =	simm.s32 @!p0 $0x70;
	p0 =	sne.s32 s20, $0x10  }
.Ltmp2:
0x9b: {  	[tilespmem:v5+s24+$0x1C000 ss:$0x1] =	vst.idx.msk $0xffff, v6;
	s22 =	sadd.s32 s22, s25;
	(pc) =	sbr.rel @p0 .LBB2_4-.Ltmp2, $4  }
0x9c: {  	[tilespmem:s22+$0x1A000] =	vst v0  }
0x9d: {  	[tilespmem:s22+$0x1C000] =	vst v1;
	s21 =	sadd.s32 s21, s23  }
0x9e: {  	[tilespmem:s21+$0x1A000] =	vst v0  }
0x9f: {  	s19 =	sadd.s32 $0xC80, s19;
	s18 =	sadd.s32 $0xC80, s18;
	[tilespmem:s21+$0x1C000] =	vst v1  }
0xa0: {  	s17 =	simm.s32 $0x0  }
0xa1: {  	[tilespmem:s17], [sflag:$0x1] =	stream.linear.gather [hbm4b:s6+s17], $0xC800, $0x38;
	[tilespmem:$0x1E000] =	vst v63  }
0xa2: {  	_ =	swait.ge [sflag:s12], $0xC800  }
0xa3: {  	[sflag:s12] =	ssyncset.done $0x0  }
0xa4: {  	[sflag:s12] =	ssyncadd.s32 $0xFFFF3800  }
0xa5: {  	[tilespmem:s13], [sflag:$0x1] =	stream.linear.gather [hbm4b:s7+s17], $0xC800, $0x38;
	[tilespmem:$0x1E000] =	vst v63  }
0xa6: {  	_ =	swait.ge [sflag:s12], $0xC800  }
0xa7: {  	s18 =	simm.s32 $0xC810;
	[sflag:s12] =	ssyncset.done $0x0  }
0xa8: {  	s19 =	simm.s32 $0x0;
	s20 =	simm.s32 $0x0;
	[sflag:s12] =	ssyncadd.s32 $0xFFFF3800  }
.LBB2_8:
0xa9: {  	v9 =	vmov s19  }
0xaa: {  	s21 =	sor.u32 $0x10, s20  }
0xab: {  	s22 =	sshll.u32 s21, $0x7  }
0xac: {  	v7 =	vmov s18;
	s22 =	sand.u32 $0x3FFFFF80, s22  }
0xad: {  	s23 =	simm.s32 $0x0;
	v8 =	vld [tilespmem:s22+$0x19000]  }
0xae: {  	v5 =	vld.idx.msk [tilespmem:v9+s23+$0x0 ss:$0x1], $0xffff;
	_ =	sdelay $0x2  }
0xaf: {  	v6 =	vld.idx.msk [tilespmem:v7+s23+$0xFFFFFFF0 ss:$0x1], $0xffff;
	_ =	sdelay $0x1  }
0xb0: {  	vm0 =	vgt.f32 v5, v8  }
0xb1: {  	v10 =	vsel vm0, v4, v3  }
0xb2: {  	vm1 =	veq.f32 v5, v8;
	(xrf1) =	vsort.ascd.msk.u32 $0xffff, v10, v5  }
0xb3: {  	v11 =	vsel vm1, v4, v3;
	(xrf1) =	vsort.ascd.msk.u32 $0xffff, v10, v6  }
0xb4: {  	(xrf1) =	vsort.ascd.msk.u32 $0xffff, v11, v5  }
0xb5: {  	(xrf1) =	vsort.ascd.msk.u32 $0xffff, v11, v6;
	_ =	sdelay $0x5  }
0xb6: {  	s22 =	sshll.u32 s21, $0x8  }
0xb7: {  	v6 =	vmov s22  }
0xb8: {  	s21 =	sor.u32 $0x80, s22  }
0xb9: {  	v5 =	vmov s21;
	_ =	sdelay $0x1  }
0xba: {  	_, v10, _ =	vpop (xrf1)  }
0xbb: {  	[tilespmem:v6+s17+$0x1A000 ss:$0x1] =	vst.idx.msk $0xffff, v10;
	_, v10, _ =	vpop (xrf1)  }
0xbc: {  	[tilespmem:v6+s17+$0x1C000 ss:$0x1] =	vst.idx.msk $0xffff, v10;
	_, v10, _ =	vpop (xrf1)  }
0xbd: {  	[tilespmem:v5+s17+$0x1A000 ss:$0x1] =	vst.idx.msk $0xffff, v10;
	_, v10, _ =	vpop (xrf1)  }
0xbe: {  	v11 =	vsel vm0, $0x1, v2;
	[tilespmem:v5+s17+$0x1C000 ss:$0x1] =	vst.idx.msk $0xffff, v10  }
0xbf: {  	(xrf0) =	vadd.scan.msk.s32 $0xffff, v11;
	v10 =	vld.idx.msk [tilespmem:v9+s23+$0x10 ss:$0x1], $0xffff  }
0xc0: {  	v11 =	vsel vm1, $0x1, v2  }
0xc1: {  	(xrf0) =	vadd.scan.msk.s32 $0xffff, v11;
	_ =	sdelay $0x2  }
0xc2: {  	vm14 =	vgt.f32 v10, v8  }
0xc3: {  	v11, _, _ =	vpop (xrf0);
	vm15 =	veq.f32 v10, v8;
	v12 =	vsel vm14, $0x1, v2  }
0xc4: {  	(v2sf) =	vpush v11, $0xF;
	v11 =	vld.idx.msk [tilespmem:v7+s23+$0x0 ss:$0x1], $0xffff;
	v13 =	vsel vm15, $0x1, v2;
	(xrf0) =	vadd.scan.msk.s32 $0xffff, v12  }
0xc5: {  	v61, _, _ =	vpop (xrf0);
	(xrf0) =	vadd.scan.msk.s32 $0xffff, v13  }
0xc6: {  	(v2sf) =	vpush v61, $0xF  }
0xc7: {  	v62 =	vsel vm14, v4, v3  }
0xc8: {  	(xrf1) =	vsort.ascd.msk.u32 $0xffff, v62, v10  }
0xc9: {  	v63 =	vsel vm15, v4, v3;
	(xrf1) =	vsort.ascd.msk.u32 $0xffff, v62, v11  }
0xca: {  	(xrf1) =	vsort.ascd.msk.u32 $0xffff, v63, v10;
	v10, _, _ =	vpop (xrf0)  }
0xcb: {  	(xrf1) =	vsort.ascd.msk.u32 $0xffff, v63, v11;
	(v2sf) =	vpush v10, $0xF;
	v10, _, _ =	vpop (xrf0)  }
0xcc: {  	(v2sf) =	vpush v10, $0xF;
	_ =	sdelay $0x6  }
0xcd: {  	s30 =	spop (v2sf)  }
0xce: {  	s23 =	sadd.s32 $0x0, s30  }
0xcf: {  	s24 =	spop (v2sf);
	p0 =	slt.s32 s23, $0x70  }
0xd0: {  	s24 =	sadd.s32 $0x0, s24;
	s23 =	simm.s32 @!p0 $0x70;
	_, v10, _ =	vpop (xrf1)  }
0xd1: {  	p0 =	slt.s32 s24, $0x70;
	[tilespmem:v6+s23+$0x1A000 ss:$0x1] =	vst.idx.msk $0xffff, v10;
	_, v10, _ =	vpop (xrf1)  }
0xd2: {  	s24 =	simm.s32 @!p0 $0x70;
	[tilespmem:v6+s23+$0x1C000 ss:$0x1] =	vst.idx.msk $0xffff, v10;
	_, v10, _ =	vpop (xrf1)  }
0xd3: {  	[tilespmem:v5+s24+$0x1A000 ss:$0x1] =	vst.idx.msk $0xffff, v10;
	_, v10, _ =	vpop (xrf1)  }
0xd4: {  	s26 =	simm.s32 $0x20;
	[tilespmem:v5+s24+$0x1C000 ss:$0x1] =	vst.idx.msk $0xffff, v10;
	s25 =	spop (v2sf)  }
0xd5: {  	v10 =	vld.idx.msk [tilespmem:v9+s26+$0x0 ss:$0x1], $0xffff;
	s23 =	sadd.s32 s23, s25;
	s31 =	spop (v2sf)  }
0xd6: {  	s29 =	simm.s32 $0x100;
	v11 =	vld.idx.msk [tilespmem:v7+s26+$0xFFFFFFF0 ss:$0x1], $0xffff;
	p1 =	slt.s32 s23, $0x70;
	s24 =	sadd.s32 s24, s31  }
.LBB2_9:
0xd7: {  	s23 =	simm.s32 @!p1 $0x70  }
0xd8: {  	p1 =	slt.s32 s24, $0x70;
	s28 =	smov.u32 s29;
	s25 =	sadd.s32 $0x80, s29  }
0xd9: {  	p0 =	sne.s32 s29, $0x3180;
	s24 =	simm.s32 @!p1 $0x70  }
0xda: {  	vm0 =	vgt.f32 v10, v8;
	vm1 =	veq.f32 v10, v8  }
0xdb: {  	v12 =	vsel vm0, $0x1, v2;
	v13 =	vsel vm0, v4, v3;
	v14 =	vsel vm1, v4, v3  }
0xdc: {  	v15 =	vsel vm1, $0x1, v2;
	(xrf1) =	vsort.ascd.msk.u32 $0xffff, v13, v10  }
0xdd: {  	(xrf1) =	vsort.ascd.msk.u32 $0xffff, v13, v11  }
0xde: {  	(xrf1) =	vsort.ascd.msk.u32 $0xffff, v14, v10  }
0xdf: {  	(xrf1) =	vsort.ascd.msk.u32 $0xffff, v14, v11  }
0xe0: {  	(xrf0) =	vadd.scan.msk.s32 $0xffff, v12  }
0xe1: {  	(xrf0) =	vadd.scan.msk.s32 $0xffff, v15;
	_ =	sdelay $0x4  }
0xe2: {  	v10, _, _ =	vpop (xrf0)  }
0xe3: {  	(v2sf) =	vpush v10, $0xF;
	v10, _, _ =	vpop (xrf0)  }
0xe4: {  	(v2sf) =	vpush v10, $0xF;
	_ =	sdelay $0x1  }
0xe5: {  	_, v10, _ =	vpop (xrf1)  }
0xe6: {  	[tilespmem:v6+s23+$0x1A000 ss:$0x1] =	vst.idx.msk $0xffff, v10;
	_, v10, _ =	vpop (xrf1)  }
0xe7: {  	[tilespmem:v6+s23+$0x1C000 ss:$0x1] =	vst.idx.msk $0xffff, v10;
	_, v10, _ =	vpop (xrf1)  }
0xe8: {  	[tilespmem:v5+s24+$0x1A000 ss:$0x1] =	vst.idx.msk $0xffff, v10;
	_, v10, _ =	vpop (xrf1)  }
0xe9: {  	[tilespmem:v5+s24+$0x1C000 ss:$0x1] =	vst.idx.msk $0xffff, v10  }
0xea: {  	v10 =	vld.idx.msk [tilespmem:v9+s26+$0x10 ss:$0x1], $0xffff;
	_ =	sdelay $0x4  }
0xeb: {  	v11 =	vld.idx.msk [tilespmem:v7+s26+$0x0 ss:$0x1], $0xffff  }
0xec: {  	vm0 =	vgt.f32 v10, v8;
	vm1 =	veq.f32 v10, v8  }
0xed: {  	v12 =	vsel vm0, $0x1, v2;
	v13 =	vsel vm1, $0x1, v2;
	v14 =	vsel vm0, v4, v3;
	s26 =	spop (v2sf)  }
0xee: {  	v15 =	vsel vm1, v4, v3;
	s23 =	sadd.s32 s23, s26;
	s26 =	spop (v2sf);
	(xrf0) =	vadd.scan.msk.s32 $0xffff, v12  }
0xef: {  	p2 =	slt.s32 s23, $0x70;
	s24 =	sadd.s32 s24, s26;
	(xrf0) =	vadd.scan.msk.s32 $0xffff, v13  }
0xf0: {  	p1 =	slt.s32 s24, $0x70;
	(xrf1) =	vsort.ascd.msk.u32 $0xffff, v14, v10  }
0xf1: {  	(xrf1) =	vsort.ascd.msk.u32 $0xffff, v14, v11  }
0xf2: {  	(xrf1) =	vsort.ascd.msk.u32 $0xffff, v15, v10  }
0xf3: {  	(xrf1) =	vsort.ascd.msk.u32 $0xffff, v15, v11  }
0xf4: {  	v10, _, _ =	vpop (xrf0)  }
0xf5: {  	(v2sf) =	vpush v10, $0xF;
	v10, _, _ =	vpop (xrf0)  }
0xf6: {  	(v2sf) =	vpush v10, $0xF;
	_ =	sdelay $0x7  }
0xf7: {  	s23 =	simm.s32 @!p2 $0x70;
	_, v10, _ =	vpop (xrf1)  }
0xf8: {  	[tilespmem:v6+s23+$0x1A000 ss:$0x1] =	vst.idx.msk $0xffff, v10;
	_, v10, _ =	vpop (xrf1)  }
0xf9: {  	s24 =	simm.s32 @!p1 $0x70;
	[tilespmem:v6+s23+$0x1C000 ss:$0x1] =	vst.idx.msk $0xffff, v10;
	_, v10, _ =	vpop (xrf1)  }
0xfa: {  	[tilespmem:v5+s24+$0x1A000 ss:$0x1] =	vst.idx.msk $0xffff, v10;
	_, v10, _ =	vpop (xrf1)  }
.Ltmp3:
0xfb: {  	s26 =	sshra.s32 s28, $0x2;
	[tilespmem:v5+s24+$0x1C000 ss:$0x1] =	vst.idx.msk $0xffff, v10;
	(pc) =	sbr.rel @p0 .LBB2_9-.Ltmp3, $4  }
0xfc: {  	v10 =	vld.idx.msk [tilespmem:v9+s26+$0x0 ss:$0x1], $0xffff  }
0xfd: {  	s28 =	spop (v2sf)  }
0xfe: {  	s23 =	sadd.s32 s23, s28;
	s28 =	spop (v2sf)  }
0xff: {  	s29 =	smov.u32 s25;
	v11 =	vld.idx.msk [tilespmem:v7+s26+$0xFFFFFFF0 ss:$0x1], $0xffff;
	p1 =	slt.s32 s23, $0x70;
	s24 =	sadd.s32 s24, s28  }
0x100: {  	_ = 	snop  }
0x101: {  	vm0 =	vgt.f32 v10, v8  }
0x102: {  	v12 =	vsel vm0, v4, v3  }
0x103: {  	vm1 =	veq.f32 v10, v8;
	(xrf1) =	vsort.ascd.msk.u32 $0xffff, v12, v10  }
0x104: {  	v13 =	vsel vm1, v4, v3;
	(xrf1) =	vsort.ascd.msk.u32 $0xffff, v12, v11  }
0x105: {  	(xrf1) =	vsort.ascd.msk.u32 $0xffff, v13, v10  }
0x106: {  	(xrf1) =	vsort.ascd.msk.u32 $0xffff, v13, v11;
	_ =	sdelay $0xa  }
0x107: {  	s23 =	simm.s32 @!p1 $0x70;
	_, v51, _ =	vpop (xrf1)  }
0x108: {  	p0 =	slt.s32 s24, $0x70;
	[tilespmem:v6+s23+$0x1A000 ss:$0x1] =	vst.idx.msk $0xffff, v51;
	_, v52, _ =	vpop (xrf1)  }
0x109: {  	s24 =	simm.s32 @!p0 $0x70;
	[tilespmem:v6+s23+$0x1C000 ss:$0x1] =	vst.idx.msk $0xffff, v52;
	_, v53, _ =	vpop (xrf1)  }
0x10a: {  	[tilespmem:v5+s24+$0x1A000 ss:$0x1] =	vst.idx.msk $0xffff, v53;
	_, v54, _ =	vpop (xrf1)  }
0x10b: {  	[tilespmem:v5+s24+$0x1C000 ss:$0x1] =	vst.idx.msk $0xffff, v54  }
0x10c: {  	v9 =	vld.idx.msk [tilespmem:v9+s26+$0x10 ss:$0x1], $0xffff;
	_ =	sdelay $0x2  }
0x10d: {  	v55 =	vsel vm0, $0x1, v2  }
0x10e: {  	v56 =	vsel vm1, $0x1, v2;
	(xrf0) =	vadd.scan.msk.s32 $0xffff, v55  }
0x10f: {  	(xrf0) =	vadd.scan.msk.s32 $0xffff, v56;
	vm14 =	vgt.f32 v9, v8  }
0x110: {  	vm15 =	veq.f32 v9, v8;
	v57 =	vsel vm14, $0x1, v2  }
0x111: {  	v8 =	vsel vm15, $0x1, v2;
	(xrf0) =	vadd.scan.msk.s32 $0xffff, v57  }
0x112: {  	(xrf0) =	vadd.scan.msk.s32 $0xffff, v8;
	_ =	sdelay $0x1  }
0x113: {  	v58, _, _ =	vpop (xrf0)  }
0x114: {  	(v2sf) =	vpush v58, $0xF;
	v59, _, _ =	vpop (xrf0);
	v7 =	vld.idx.msk [tilespmem:v7+s26+$0x0 ss:$0x1], $0xffff  }
0x115: {  	(v2sf) =	vpush v59, $0xF  }
0x116: {  	v60, _, _ =	vpop (xrf0)  }
0x117: {  	v61 =	vsel vm14, v4, v3;
	(v2sf) =	vpush v60, $0xF;
	v62, _, _ =	vpop (xrf0)  }
0x118: {  	(xrf1) =	vsort.ascd.msk.u32 $0xffff, v61, v9;
	(v2sf) =	vpush v62, $0xF  }
0x119: {  	(xrf1) =	vsort.ascd.msk.u32 $0xffff, v61, v7  }
0x11a: {  	v63 =	vsel vm15, v4, v3  }
0x11b: {  	(xrf1) =	vsort.ascd.msk.u32 $0xffff, v63, v9  }
0x11c: {  	(xrf1) =	vsort.ascd.msk.u32 $0xffff, v63, v7;
	_ =	sdelay $0x6  }
0x11d: {  	s25 =	spop (v2sf)  }
0x11e: {  	s23 =	sadd.s32 s23, s25;
	s29 =	spop (v2sf)  }
0x11f: {  	p0 =	slt.s32 s23, $0x70;
	s24 =	sadd.s32 s24, s29  }
0x120: {  	s23 =	simm.s32 @!p0 $0x70;
	p0 =	slt.s32 s24, $0x70;
	_, v7, _ =	vpop (xrf1);
	s30 =	spop (v2sf)  }
0x121: {  	s24 =	simm.s32 @!p0 $0x70;
	[tilespmem:v6+s23+$0x1A000 ss:$0x1] =	vst.idx.msk $0xffff, v7;
	_, v7, _ =	vpop (xrf1);
	s25 =	sadd.s32 s23, s30;
	s31 =	spop (v2sf)  }
0x122: {  	[tilespmem:v6+s23+$0x1C000 ss:$0x1] =	vst.idx.msk $0xffff, v7;
	p0 =	slt.s32 s25, $0x70;
	s23 =	sadd.s32 s24, s31  }
0x123: {  	s20 =	sadd.s32 $0x1, s20;
	_, v6, _ =	vpop (xrf1);
	s25 =	simm.s32 @!p0 $0x70;
	p0 =	slt.s32 s23, $0x70  }
0x124: {  	[tilespmem:v5+s24+$0x1A000 ss:$0x1] =	vst.idx.msk $0xffff, v6;
	_, v6, _ =	vpop (xrf1);
	s23 =	simm.s32 @!p0 $0x70;
	p0 =	sne.s32 s20, $0x10  }
.Ltmp4:
0x125: {  	[tilespmem:v5+s24+$0x1C000 ss:$0x1] =	vst.idx.msk $0xffff, v6;
	s22 =	sadd.s32 s22, s25;
	(pc) =	sbr.rel @p0 .LBB2_8-.Ltmp4, $4  }
0x126: {  	[tilespmem:s22+$0x1A000] =	vst v0  }
0x127: {  	[tilespmem:s22+$0x1C000] =	vst v1;
	s21 =	sadd.s32 s21, s23  }
0x128: {  	[tilespmem:s21+$0x1A000] =	vst v0  }
0x129: {  	s19 =	sadd.s32 $0xC80, s19;
	s18 =	sadd.s32 $0xC80, s18;
	[tilespmem:s21+$0x1C000] =	vst v1  }
0x12a: {  	[hbm4b:s8+s2] =	stream.linear.scatter [tilespmem:s14], [sflag:$0x1], $0x2000, $0x38;
	[tilespmem:$0x1E000] =	vst v63  }
0x12b: {  	s16 =	sadd.s32 $0x1, s16;
	_ =	swait.ge [sflag:s12], $0x2000  }
0x12c: {  	p0 =	sne.s32 s16, s10;
	[sflag:s12] =	ssyncset.done $0x0  }
.Ltmp5:
0x12d: {  	[sflag:s12] =	ssyncadd.s32 $0xFFFFE000;
	(pc) =	sbr.rel @p0 .LBB2_1-.Ltmp5, $4  }
0x12e: {  	[hbm4b:s9+s2] =	stream.linear.scatter [tilespmem:s15], [sflag:$0x1], $0x2000, $0x38;
	[tilespmem:$0x1E000] =	vst v63  }
0x12f: {  	_ =	swait.ge [sflag:s12], $0x2000  }
0x130: {  	[sflag:s12] =	ssyncset.done $0x0  }
0x131: {  	[sflag:s12] =	ssyncadd.s32 $0xFFFFE000  }
0x132: {  	_ =	sfence.sel $0x180000  }
0x133: {  	[bflag:$0x0] =	sbarrier.arrive $0xFFFF  }
0x134: {  	p0 =	sne.s32 s1, $0x0;
	_ =	strace $0x90000050  }
0x135: {  	s0 =	sadd.s32 @!p0 $0x100000, s0;
	[bflag:$0x2] =	sbarrier.arrive $0xFFFF  }
0x136: {  	[sflag:s0] =	ssyncadd.tile.s32 @!p0 $0x1;
	_ =	shalt  }
.Lfunc_end2:
_tile_overlayer_lowered:
.L_overlay_start_2:
0x137: {  	(tag) =	ssettag $0x2  }
0x138: {  	s0 =	rddreg [dreg:$0x0];
	s2 =	stileid.u32  }
0x139: {  	s1 =	rddreg [dreg:$0x1];
	p0 =	sne.s32 s2, $0x0  }
0x13a: {  	s3 =	rddreg [dreg:$0x2];
	[bflag:$0x3] =	sbarrier.arrive $0xFFFF;
	s2 =	simm.s32 @!p0 $0x1C01  }
0x13b: {  	[timem:s3], [sflag:s2] =	dma.local @!p0 [hbm:s0], s1  }
0x13c: {  	s0 =	simm.s32 @!p0 $0x1  }
0x13d: {  	_ =	swait.ge @!p0 [sflag:s0], s1  }
0x13e: {  	s1 =	ssub.s32 @!p0 $0x0, s1;
	[sflag:s0] =	ssyncset.done @!p0 $0x0  }
0x13f: {  	[sflag:s0] =	ssyncadd.s32 @!p0 s1  }
0x140: {  	[bflag:$0x3] =	sbarrier.arrive $0xFFFF  }
0x141: {  	_ =	shalt  }

// kernel: sparse-core-data-format-call.cloned.1.call-start
scs
called_computation_lowered:
.L_overlay_start_0:
0x0: {  	s2 =	sld [smem:$0x3FD9]  }
0x1: {  	s3 =	sld [smem:$0x3FFE];
	_ =	sdelay $0x1  }
0x2: {  	s1 =	srdreg.scid  }
0x3: {  	s0 =	sand.u32 $0x1, s1  }
0x4: {  	s18 =	sshll.u32 s0, $0xA;
	s2 =	sadd.s32 s3, s2  }
0x5: {  	s2 =	sadd.s32 s2, s18  }
0x6: {  	[smem:$0x3FC5] =	sst s2  }
0x7: {  	_ = 	snop  }
0x8: {  	(tm) =	ssettm $0x1  }
0x9: {  	s19 =	sld [smem:$0x3FFB];
	_ =	sdelay $0x3  }
0xa: {  	_ =	strace s19  }
0xb: {  	s2 =	sld [smem:$0x3FFC];
	_ =	sdelay $0x3  }
0xc: {  	_ =	strace s2  }
0xd: {  	s2 =	sld [smem:$0x3FFD];
	_ =	sdelay $0x3  }
0xe: {  	_ =	strace s2  }
0xf: {  	_ =	strace $0x8FFFFFFF  }
0x10: {  	s20 =	sld [smem:$0x3FDB];
	_ =	sdelay $0x1  }
0x11: {  	s21 =	simm.s32 $_scs_section_size  }
0x12: {  	s4 =	simm.s32 $_size__tile_overlayer_lowered;
	s5 =	simm.s32 $_tile_overlayer_lowered  }
0x13: {  	s6 =	simm.s32 $0x1BFF;
	s22 =	sshll.u32 s5, $0x1;
	s3 =	sadd.s32 s21, s20  }
0x14: {  	s23 =	simm.s32 $0x0;
	s4 =	sshll.u32 s4, $0x1;
	s5 =	sadd.s32 s22, s3  }
0x15: {  	[timem:s23], [sflag:s6] =	dma.local [hbm:s5], s4  }
0x16: {  	_ =	swait.ge [sflag:s6], s4  }
0x17: {  	s4 =	ssub.s32 $0x0, s4;
	[sflag:s6] =	ssyncset.done $0x0  }
0x18: {  	[sflag:s6] =	ssyncadd.s32 s4;
	_ =	sdelay $0x1  }
0x19: {  	s24 =	simm.s32 $0x1B8B  }
0x1a: {  	_ =	swait.ge [sflag:s24], $0x1  }
0x1b: {  	[sflag:s24] =	ssyncset.done $0x0  }
0x1c: {  	[sflag:s24] =	ssyncadd.s32 $0xFFFFFFFF  }
0x1d: {  	s4 =	sld [smem:$0x0]  }
0x1e: {  	s5 =	sand.u32 $0xFFFFFFFE, s1  }
0x1f: {  	p0 =	sne.s32 s1, s5  }
0x20: {  	s5 =	sshll.u32 @p0 s5, $0xE  }
0x21: {  	s5 =	sadd.s32 @p0 $0x11B8D, s5;
	s6 =	sshll.u32 @p0 s4, $0x11  }
0x22: {  	s5 =	sor.u32 @p0 s6, s5  }
0x23: {  	[sflag:s5] =	ssyncadd.remote.s32 @p0 $0x1;
	_ =	sdelay $0x1  }
0x24: {  	s5 =	simm.s32 @p0 $0x1B8D  }
0x25: {  	_ =	swait.eq @p0 [sflag:s5], $0x1  }
0x26: {  	[sflag:s5] =	ssyncadd.s32 @p0 $0xFFFFFFFF  }
0x27: {  	s6 =	sshll.u32 @!p0 s1, $0xE  }
0x28: {  	s6 =	sor.u32 @!p0 $0x4000, s6;
	s5 =	simm.s32 @!p0 $0x1B8D  }
0x29: {  	s4 =	sshll.u32 @!p0 s4, $0x11;
	s6 =	sadd.s32 @!p0 $0x11B8D, s6;
	_ =	swait.eq @!p0 [sflag:s5], $0x1  }
0x2a: {  	s4 =	sor.u32 @!p0 s4, s6;
	[sflag:s5] =	ssyncadd.s32 @!p0 $0xFFFFFFFF  }
0x2b: {  	s26 =	simm.s32 $0x1B8E;
	s25 =	sld [smem:$0x3FFE];
	[sflag:s4] =	ssyncadd.remote.s32 @!p0 $0x1  }
0x2c: {  	s27 =	simm.s32 $execute0_lowered;
	[smem:$0x3FD2] =	sst s26  }
0x2d: {  	s5 =	sshll.u32 s27, $0x1;
	_ =	strace $0x80000049;
	[dreg:$0x1] =	wrdreg $0xFFFFFFFF  }
0x2e: {  	s28 =	simm.s32 $_size_execute0_lowered;
	s3 =	sadd.s32 s3, s5;
	[dreg:$0x0] =	wrdreg $0x0  }
0x2f: {  	s5 =	sshll.u32 s28, $0x1;
	[dreg:$0x2] =	wrdreg s3  }
0x30: {  	[dreg:$0x3] =	wrdreg s5  }
0x31: {  	[dreg:$0x4] =	wrdreg $0xC0  }
0x32: {  	_ =	task [dreg:s23], $0x5FFFF  }
0x33: {  	[dreg:$0x1] =	wrdreg $0xFFFFFFFF  }
0x34: {  	[dreg:$0x0] =	wrdreg $0x60  }
0x35: {  	[dreg:$0x2] =	wrdreg s25  }
0x36: {  	[dreg:$0x3] =	wrdreg $0x9  }
0x37: {  	_ =	task.clear_ibuf [dreg:s23], $0x4FFFF;
	_ =	strace $0x90000049  }
0x38: {  	s29 =	simm.s32 $0x9;
	_ =	strace $0x8000004B  }
0x39: {  	_ =	swait.ge [sflag:s29], $0x1  }
0x3a: {  	[sflag:s29] =	ssyncadd.s32 $0xFFFFFFFF  }
0x3b: {  	_ =	strace $0x9000004B  }
0x3c: {  	_ =	sfence  }
0x3d: {  	s30 =	sld [smem:$0x0];
	_ =	sdelay $0x2  }
0x3e: {  	s31 =	sshll.u32 s1, $0xD;
	s1 =	sshrl.u32 s1, $0x2  }
0x3f: {  	s4 =	sand.u32 $0x4000, s31;
	s1 =	sadd.s32 s1, s30  }
0x40: {  	s0 =	sor.u32 s4, s0;
	s1 =	sshll.u32 s1, $0x11  }
0x41: {  	s0 =	sor.u32 s1, s0  }
0x42: {  	s0 =	sadd.s32 $0x8F2B, s0  }
0x43: {  	[sflag:s0] =	ssyncadd.remote.s32 $0x1  }
0x44: {  	_ =	sfence.sel $0xFFFF  }
0x45: {  	[dreg:$0x0] =	wrdreg $0xFFFFFFFF;
	(pc) =	sbr.abs _section_cstart, $3  }
0x46: {  	[dreg:$0x1] =	wrdreg $0xFFFFFFFF  }
0x47: {  	_ =	task.clear_ibuf [dreg:s23], $0x2FFFF;
	_ =	strace $0x9FFFFFFF  }
0x48: {  	(tm) =	ssettm $0x7FFFFFFF  }
0x49: {  	_ =	shalt  }
tec
execute0_lowered:
.L_overlay_start_1:
0x0: {  	(tag) =	ssettag $0x1  }
0x1: {  	s1 =	rddreg [dreg:$0x0]  }
0x2: {  	s0 =	rddreg [dreg:$0x1]  }
0x3: {  	_ =	strace $0x8000004A;
	s4 =	srdreg.scid;
	s6 =	simm.s32 $0x2  }
0x4: {  	s11 =	simm.s32 $0x0;
	p0 =	por $0x0, $0x0;
	s7 =	simm.s32 $0x19000  }
.Ltmp0:
0x5: {  	s12 =	simm.s32 $0x0;
	s9 =	simm.s32 $0x0;
	(pc) =	sbr.rel .LBB1_1-.Ltmp0, $4  }
0x6: {  	s2 =	sadd.s32 $0x319000, s1;
	s3 =	sadd.s32 $0xF99000, s1;
	s5 =	sshll.u32 s4, $0x4  }
0x7: {  	s1 =	stileid.u32;
	s4 =	simm.s32 $0x1;
	s5 =	sand.u32 $0x10, s5  }
0x8: {  	s8 =	simm.s32 $0x0;
	[sflag:s4] =	ssyncpa.u1 $0x0;
	s5 =	sor.u32 s1, s5  }
0x9: {  	[sflag:s6] =	ssyncpa.u1 $0x0;
	s6 =	simm.s32 $0x800;
	s10 =	smov.u32 s5  }
.LBB1_7:
0xa: {  	s13 =	sadd.s32 $0x10, s9  }
0xb: {  	s11 =	sadd.s32 $0x20, s10;
	s15 =	smov.u32 s10;
	p2 =	sgt.s32 s13, $0x31F  }
0xc: {  	p1 =	slt.u32 s8, $0x2;
	s15 =	smov.u32 @p2 s11  }
0xd: {  	s8 =	sadd.s32 $0x1, s8;
	s13 =	simm.s32 @p2 $0x0;
	p2 =	sgt.s32 s15, $0x7F  }
0xe: {  	s15 =	smov.u32 @p2 s5;
	p2 =	sne.s32 s8, $0xCA  }
.Ltmp1:
0xf: {  	_ = 	snop;
	(pc) =	sbr.rel @!p2 .LBB1_8-.Ltmp1, $4  }
0x10: {  	s14 =	simm.s32 @!p1 $0x2  }
0x11: {  	s12 =	smov.u32 s10;
	_ =	swait.ge @!p1 [sflag:s14], $0x4000  }
0x12: {  	p0 =	por !p0, !p0;
	s11 =	smov.u32 s9;
	[sflag:s14] =	ssyncset.done @!p1 $0x0  }
0x13: {  	s9 =	smov.u32 s13;
	[sflag:s14] =	ssyncadd.s32 @!p1 $0xFFFFC000;
	s10 =	smov.u32 s15  }
.LBB1_1:
0x14: {  	p1 =	sgt.u32 s8, $0xC7  }
0x15: {  	s13 =	smul.u32 @!p1 $0x19000, s10  }
0x16: {  	s14 =	sxor.u32 @!p1 $0xFFFFFFFF, s8  }
0x17: {  	s15 =	sshll.u32 @!p1 s9, $0x7;
	s14 =	sshll.u32 @!p1 s14, $0xE;
	s13 =	sadd.s32 @!p1 s2, s13  }
0x18: {  	s14 =	sand.u32 @!p1 $0x4000, s14;
	s13 =	sadd.s32 @!p1 s15, s13;
	s15 =	simm.s32 @!p1 $0x0  }
0x19: {  	[tilespmem:s14], [sflag:$0x1] =	stream.linear.gather @!p1 [hbm4b:s13+s15], $0x4000, $0x38;
	[tilespmem:$0x10000] =	vst v63  }
0x1a: {  	p1 =	seq.s32 s8, $0x0  }
0x1b: {  	p2 =	seq.s32 @!p1 s8, $0xC9  }
0x1c: {  	p1 =	por p1, p2  }
.Ltmp2:
0x1d: {  	_ = 	snop;
	(pc) =	sbr.rel @p1 .LBB1_7-.Ltmp2, $1  }
0x1e: {  	_ =	sdelay $0x3  }
0x1f: {  	s13 =	simm.s32 $0x1;
	_ =	swait.ge [sflag:s4], $0x4000;
	s16 =	sshll.u32 s8, $0xE  }
0x20: {  	s13 =	simm.s32 @!p0 $0x0;
	[sflag:s4] =	ssyncset.done $0x0;
	s31 =	sand.u32 $0x4000, s16  }
0x21: {  	s16 =	simm.s32 $0x0;
	s13 =	sshll.u32 s13, $0xE;
	[sflag:s4] =	ssyncadd.s32 $0xFFFFC000  }
0x22: {  	s14 =	sor.u32 $0x8040, s13;
	s15 =	sor.u32 $0x40, s13;
	s13 =	sor.u32 $0x8000, s31  }
.LBB1_3:
0x23: {  	v0 =	vmov s15;
	_ =	sdelay $0x3  }
0x24: {  	s18 =	simm.s32 $0x0  }
0x25: {  	v6 =	vld.idx.msk [tilespmem:v0+s18+$0x30 ss:$0x1], $0xffff  }
0x26: {  	v7 =	vld.idx.msk [tilespmem:v0+s18+$0xFFFFFFC0 ss:$0x1], $0xffff  }
0x27: {  	v5 =	vld.idx.msk [tilespmem:v0+s18+$0xFFFFFFD0 ss:$0x1], $0xffff  }
0x28: {  	v4 =	vld.idx.msk [tilespmem:v0+s18+$0xFFFFFFE0 ss:$0x1], $0xffff  }
0x29: {  	v3 =	vld.idx.msk [tilespmem:v0+s18+$0xFFFFFFF0 ss:$0x1], $0xffff  }
0x2a: {  	v1 =	vld.idx.msk [tilespmem:v0+s18+$0x0 ss:$0x1], $0xffff  }
0x2b: {  	v2 =	vld.idx.msk [tilespmem:v0+s18+$0x10 ss:$0x1], $0xffff;
	[tilespmem:s14+$0x30] =	vst v6  }
0x2c: {  	s17 =	simm.s32 $0x80;
	s19 =	simm.s32 $0x400;
	[tilespmem:s14+$0xFFFFFFC0] =	vst v7;
	v6 =	vld.idx.msk [tilespmem:v0+s18+$0x20 ss:$0x1], $0xffff;
	s18 =	smov.u32 s14  }
.LBB1_4:
0x2d: {  	p1 =	sne.s32 s19, $0xE00;
	v7 =	vld.idx.msk [tilespmem:v0+s17+$0x30 ss:$0x1], $0xffff;
	[tilespmem:s18+$0xFFFFFFD0] =	vst v5  }
0x2e: {  	v8 =	vld.idx.msk [tilespmem:v0+s17+$0xFFFFFFC0 ss:$0x1], $0xffff;
	[tilespmem:s18+$0xFFFFFFE0] =	vst v4  }
0x2f: {  	v5 =	vld.idx.msk [tilespmem:v0+s17+$0xFFFFFFD0 ss:$0x1], $0xffff;
	[tilespmem:s18+$0xFFFFFFF0] =	vst v3  }
.Ltmp3:
0x30: {  	v4 =	vld.idx.msk [tilespmem:v0+s17+$0xFFFFFFE0 ss:$0x1], $0xffff;
	[tilespmem:s18+$0x0] =	vst v1;
	(pc) =	sbr.rel @p1 .LBB1_4-.Ltmp3, $4  }
0x31: {  	v3 =	vld.idx.msk [tilespmem:v0+s17+$0xFFFFFFF0 ss:$0x1], $0xffff;
	[tilespmem:s18+$0x10] =	vst v2  }
0x32: {  	v1 =	vld.idx.msk [tilespmem:v0+s17+$0x0 ss:$0x1], $0xffff;
	[tilespmem:s18+$0x20] =	vst v6;
	s18 =	sadd.s32 $0x800, s18  }
0x33: {  	v2 =	vld.idx.msk [tilespmem:v0+s17+$0x10 ss:$0x1], $0xffff;
	[tilespmem:s18+$0x30] =	vst v7  }
0x34: {  	[tilespmem:s18+$0xFFFFFFC0] =	vst v8;
	v6 =	vld.idx.msk [tilespmem:v0+s17+$0x20 ss:$0x1], $0xffff;
	s17 =	sshra.s32 s19, $0x2;
	s19 =	sadd.s32 $0x200, s19  }
0x35: {  	_ =	sdelay $0x2  }
0x36: {  	[tilespmem:s18+$0xFFFFFFD0] =	vst v5  }
0x37: {  	v56 =	vld.idx.msk [tilespmem:v0+s17+$0x30 ss:$0x1], $0xffff;
	[tilespmem:s18+$0xFFFFFFE0] =	vst v4  }
0x38: {  	v57 =	vld.idx.msk [tilespmem:v0+s17+$0xFFFFFFC0 ss:$0x1], $0xffff;
	[tilespmem:s18+$0xFFFFFFF0] =	vst v3  }
0x39: {  	v58 =	vld.idx.msk [tilespmem:v0+s17+$0xFFFFFFD0 ss:$0x1], $0xffff;
	[tilespmem:s18+$0x0] =	vst v1  }
0x3a: {  	v59 =	vld.idx.msk [tilespmem:v0+s17+$0xFFFFFFE0 ss:$0x1], $0xffff;
	[tilespmem:s18+$0x10] =	vst v2  }
0x3b: {  	v60 =	vld.idx.msk [tilespmem:v0+s17+$0xFFFFFFF0 ss:$0x1], $0xffff;
	s31 =	sadd.s32 $0x800, s18;
	[tilespmem:s18+$0x20] =	vst v6  }
0x3c: {  	v61 =	vld.idx.msk [tilespmem:v0+s17+$0x0 ss:$0x1], $0xffff;
	[tilespmem:s31+$0x30] =	vst v56  }
0x3d: {  	v62 =	vld.idx.msk [tilespmem:v0+s17+$0x10 ss:$0x1], $0xffff;
	s16 =	sadd.s32 $0x1, s16;
	[tilespmem:s31+$0xFFFFFFC0] =	vst v57  }
0x3e: {  	v63 =	vld.idx.msk [tilespmem:v0+s17+$0x20 ss:$0x1], $0xffff;
	p1 =	sne.s32 s16, $0x10;
	[tilespmem:s31+$0xFFFFFFD0] =	vst v58  }
.Ltmp4:
0x3f: {  	[tilespmem:s31+$0xFFFFFFE0] =	vst v59;
	(pc) =	sbr.rel @p1 .LBB1_3-.Ltmp4, $4  }
0x40: {  	[tilespmem:s31+$0xFFFFFFF0] =	vst v60  }
0x41: {  	[tilespmem:s31+$0x0] =	vst v61  }
0x42: {  	[tilespmem:s31+$0x10] =	vst v62  }
0x43: {  	s14 =	sadd.s32 $0x80, s14;
	s15 =	sadd.s32 $0x400, s15;
	[tilespmem:s31+$0x20] =	vst v63  }
0x44: {  	s11 =	sand.u32 $0x1FFFFFF, s11  }
0x45: {  	s14 =	smulhi.u32 $0x147AE15, s11;
	_ =	sdelay $0x1  }
0x46: {  	s12 =	smul.u32 $0x19000, s12;
	s14 =	sshrl.u32 s14, $0x2  }
0x47: {  	s14 =	smul.u32 $0x320, s14  }
.Ltmp5:
0x48: {  	_ = 	snop;
	(pc) =	sbr.rel .LBB1_7-.Ltmp5, $4  }
0x49: {  	s11 =	ssub.s32 s11, s14  }
0x4a: {  	s12 =	sadd.s32 s3, s12;
	s11 =	sshll.u32 s11, $0x4  }
0x4b: {  	s11 =	sadd.s32 s11, s12  }
0x4c: {  	[hbm4b:s11+s6] =	stream.strided.scatter [tilespmem:s13], [sflag:$0x2], $0x4000, s7, s6, $0x38;
	[tilespmem:$0x10000] =	vst v63  }
.LBB1_8:
0x4d: {  	_ =	sfence.sel $0x180000  }
0x4e: {  	s2 =	simm.s32 $0x1;
	[bflag:$0x0] =	sbarrier.arrive $0xFFFF  }
0x4f: {  	s31 =	simm.s32 $0x2;
	[sflag:s2] =	ssyncpa.u1 $0x1  }
0x50: {  	[sflag:s31] =	ssyncpa.u1 $0x1  }
0x51: {  	p0 =	sne.s32 s1, $0x0;
	_ =	strace $0x9000004A  }
0x52: {  	s0 =	sadd.s32 @!p0 $0x100000, s0;
	[bflag:$0x2] =	sbarrier.arrive $0xFFFF  }
0x53: {  	[sflag:s0] =	ssyncadd.tile.s32 @!p0 $0x1;
	_ =	shalt  }
.Lfunc_end1:
_tile_overlayer_lowered:
.L_overlay_start_2:
0x54: {  	(tag) =	ssettag $0x2  }
0x55: {  	s0 =	rddreg [dreg:$0x0];
	s2 =	stileid.u32  }
0x56: {  	s1 =	rddreg [dreg:$0x1];
	p0 =	sne.s32 s2, $0x0  }
0x57: {  	s3 =	rddreg [dreg:$0x2];
	[bflag:$0x3] =	sbarrier.arrive $0xFFFF;
	s2 =	simm.s32 @!p0 $0x1C01  }
0x58: {  	[timem:s3], [sflag:s2] =	dma.local @!p0 [hbm:s0], s1  }
0x59: {  	s0 =	simm.s32 @!p0 $0x1  }
0x5a: {  	_ =	swait.ge @!p0 [sflag:s0], s1  }
0x5b: {  	s1 =	ssub.s32 @!p0 $0x0, s1;
	[sflag:s0] =	ssyncset.done @!p0 $0x0  }
0x5c: {  	[sflag:s0] =	ssyncadd.s32 @!p0 s1  }
0x5d: {  	[bflag:$0x3] =	sbarrier.arrive $0xFFFF  }
0x5e: {  	_ =	shalt  }

</sc_bundles>
